<compile_context>
chip_gen: v7x
topology: tpu7x:2x2x1
jax: 0.10.2.dev20260603
libtpu: 0.0.44.dev20260713+nightly
codegen_flags: <defaults>
</compile_context>

<pallas_src>
import dataclasses

import jax
import jax.numpy as jnp
import numpy as np
from jax import lax
from jax.experimental import pallas as pl
from jax.experimental.pallas import tpu as pltpu
from jax.experimental.pallas import tpu_sc as plsc

D_MODEL = 1024
END_IDX = 2
NW = 32
INF = np.int32(2**30)


def _sc_build_tree(tokens):
    B, T = tokens.shape
    NCHUNK = T // 16
    mesh = plsc.VectorSubcoreMesh(core_axis_name="c", subcore_axis_name="s")
    cp = pltpu.CompilerParams()
    if "needs_layout_passes" in pltpu.CompilerParams.__dataclass_fields__:
        cp = dataclasses.replace(cp, needs_layout_passes=False)

    @pl.kernel(
        compiler_params=cp,
        out_type=jax.ShapeDtypeStruct((B, T // 4, 128), jnp.int32),
        mesh=mesh,
        scratch_types=[
            pltpu.VMEM((T,), jnp.int32),
            pltpu.VMEM((T + 8,), jnp.int32),
            pltpu.VMEM((T,), jnp.int32),
            pltpu.VMEM((T // 4, 128), jnp.int32),
        ],
    )
    def build(tok_hbm, enc_hbm, tok_v, push_v, pp_v, enc_v):
        wid = lax.axis_index("s") * 2 + lax.axis_index("c")

        @pl.when(wid < B)
        def _():
            b = wid
            pltpu.sync_copy(tok_hbm.at[b], tok_v)
            iota = lax.iota(jnp.int32, 16)
            roll_idx = (iota + 15) & 15
            lane0 = iota == 0
            dnums = lax.GatherDimensionNumbers(
                offset_dims=(), collapsed_slice_dims=(0,), start_index_map=(0,))
            zero16 = jnp.zeros((16,), jnp.int32)

            def roll1(w):
                return lax.gather(
                    w, roll_idx[:, None], dnums, slice_sizes=(1,),
                    mode=lax.GatherScatterMode.PROMISE_IN_BOUNDS)

            push_v[pl.ds(0, 16)] = zero16

            def chunk(i, carry):
                cs, cm = carry
                u = 16 * i + iota
                ld = tok_v[pl.ds(16 * i, 16)]
                ne = ((ld != END_IDX) & (u >= 1)).astype(jnp.int32)
                s = plsc.cumsum(ne) + cs
                bv = jnp.where(u >= 1, 2 * s + 1 - u, INF)
                inc = jnp.minimum(-plsc.cummax(-bv), cm)
                ex = jnp.where(lane0, jnp.full((16,), cm), roll1(inc))
                h = (u - 1) + jnp.minimum(0, ex)
                plsc.store_scatter(push_v, [s], u, mask=ne != 0)
                hidx = jnp.maximum(h >> 1, 0)
                par = plsc.load_gather(push_v, [hidx])
                pp_v[pl.ds(16 * i, 16)] = 4 * par + 1 + (h & 1)
                return (cs + jnp.sum(ne), jnp.minimum(cm, jnp.min(bv)))

            lax.fori_loop(0, NCHUNK, chunk, (np.int32(0), INF))

            enc_v[0, pl.ds(0, 16)] = zero16
            enc_v[0, pl.ds(16, 16)] = zero16
            jconst = [jnp.full((16,), j, jnp.int32) for j in range(16)]

            def lane_bcast(vec, j):
                return lax.gather(
                    vec, jconst[j][:, None], dnums, slice_sizes=(1,),
                    mode=lax.GatherScatterMode.PROMISE_IN_BOUNDS)

            def step(t, pp16):
                pair16 = pp16 & 3
                par16 = pp16 >> 2
                prow = ((par16 >> 8) << 6) + (par16 & 63)
                plane = (((par16 >> 6) & 3) << 5) + iota
                w0 = plsc.load_gather(enc_v, [prow, plane])
                w1 = plsc.load_gather(enc_v, [prow, plane + 16])
                r0 = roll1(w0)
                r1 = roll1(w1)
                c0 = jnp.where(lane0, pair16, lax.shift_right_logical(r0, 30))
                c1 = lax.shift_right_logical(jnp.where(lane0, r0, r1), 30)
                trow = ((t >> 8) << 6) + (t & 63)
                tlane = ((t >> 6) & 3) << 5
                enc_v[trow, pl.ds(tlane, 16)] = (w0 << 2) | c0
                enc_v[trow, pl.ds(tlane + 16, 16)] = (w1 << 2) | c1

            pp_c0 = pp_v[pl.ds(0, 16)]
            for j in range(1, 16):
                step(j, lane_bcast(pp_c0, j))

            @pl.loop(1, NCHUNK)
            def outer(i):
                pp_chunk = pp_v[pl.ds(16 * i, 16)]
                for j in range(16):
                    step(16 * i + j, lane_bcast(pp_chunk, j))

            pltpu.sync_copy(enc_v, enc_hbm.at[b])

    return build(tokens)


def _selector_const():
    m = np.arange(128)[:, None]
    k = np.arange(D_MODEL)[None, :]
    s = ((m & 31) == (k >> 5)) & ((m >> 5) == ((k >> 3) & 3))
    return jnp.asarray(s.astype(np.float32), dtype=jnp.bfloat16)


def _tc_decode(enc_g, sel, mask, poly):
    NROW = enc_g.shape[0]
    ROWS = 128

    def body(enc_ref, sel_ref, mask_ref, poly_ref, out_ref):
        w = enc_ref[...]
        parts = []
        for half in range(ROWS // 64):
            for g in range(4):
                wg = w[64 * half:64 * (half + 1), 32 * g:32 * (g + 1)]
                parts.append(jnp.concatenate(
                    [wg & 255, (wg >> 8) & 255, (wg >> 16) & 255,
                     (wg >> 24) & 255], axis=1))
        by = jnp.concatenate(parts, axis=0)
        by = by.astype(jnp.float32).astype(jnp.bfloat16)
        byte = jnp.dot(by, sel_ref[...],
                       preferred_element_type=jnp.float32).astype(jnp.int32)
        out_ref[...] = jnp.where((byte & mask_ref[...]) != 0,
                                 poly_ref[...], jnp.float32(0.0))

    return pl.pallas_call(
        body,
        grid=(NROW // ROWS,),
        in_specs=[
            pl.BlockSpec((ROWS, 128), lambda i: (i, 0)),
            pl.BlockSpec((128, D_MODEL), lambda i: (0, 0)),
            pl.BlockSpec((1, D_MODEL), lambda i: (0, 0)),
            pl.BlockSpec((1, D_MODEL), lambda i: (0, 0)),
        ],
        out_specs=pl.BlockSpec((4 * ROWS, D_MODEL), lambda i: (i, 0)),
        out_shape=jax.ShapeDtypeStruct((4 * NROW, D_MODEL), jnp.float32),
    )(enc_g, sel, mask, poly)


def kernel(tokens, p):
    B, T = tokens.shape
    enc = _sc_build_tree(tokens)
    enc_g = enc.reshape(B * T // 4, 128)
    sel = _selector_const()
    k = np.arange(D_MODEL)
    mask = jnp.asarray((1 << (k & 7)).astype(np.int32)).reshape(1, D_MODEL)
    poly = jnp.power(p[0], jnp.arange(D_MODEL, dtype=jnp.float32)).reshape(1, D_MODEL)
    out = _tc_decode(enc_g, sel, mask, poly)
    return out.reshape(B, T, D_MODEL)

# --- scband reference (transcript-rebuilt; emitter-appended) ---
"""Pipeline reference for scband-tree-encoding-41884521070954 (READ-ONLY COPY).

The authoritative reference and input builder live on the scoring server;
editing this copy changes nothing except your own understanding.
"""

import jax, jax.numpy as jnp
from jax import lax
import numpy as np

D_MODEL = 1024
END_IDX = 2
LEFT = 0
RIGHT = 1


def _build_tree(tokens):
    # Faithful port of the no_grad tree-building loop in TreeEncoding.forward,
    # expressed with fixed shapes: the parents list becomes a bounded array
    # queue (at most 2 appends per step -> capacity 2*T suffices).
    B, T = tokens.shape
    Q = 2 * T
    left = jnp.array([1.0, 0.0], dtype=jnp.float32)
    right = jnp.array([0.0, 1.0], dtype=jnp.float32)

    def one_row(tok_row):
        X0 = jnp.zeros((T, D_MODEL), dtype=jnp.float32)
        # t == 0: x_it = zeros; parents = [(0, LEFT), (0, RIGHT)]
        nodes0 = jnp.zeros((Q,), dtype=jnp.int32)
        lrs0 = jnp.zeros((Q,), dtype=jnp.int32).at[1].set(RIGHT)

        def body(t, carry):
            X, nodes, lrs, head, tail = carry
            parent = nodes[head]
            lr = lrs[head]
            x_parent = X[parent]
            head_vec = jnp.where(lr == LEFT, left, right)
            X = X.at[t].set(jnp.concatenate([head_vec, x_parent[:-2]]))
            # Write candidate children into free slots; commit only if not END.
            nodes = nodes.at[tail].set(t)
            nodes = nodes.at[tail + 1].set(t)
            lrs = lrs.at[tail].set(LEFT)
            lrs = lrs.at[tail + 1].set(RIGHT)
            not_end = tok_row[t] != END_IDX
            tail = tail + jnp.where(not_end, 2, 0)
            # if len(parents) > 1: parents = parents[1:]
            head = head + jnp.where(tail - head > 1, 1, 0)
            return (X, nodes, lrs, head, tail)

        X, _, _, _, _ = lax.fori_loop(
            1, T, body, (X0, nodes0, lrs0, jnp.int32(0), jnp.int32(2))
        )
        return X

    return jax.vmap(one_row)(tokens)


def setup_inputs(seed: int = 0) -> dict:
    key = jax.random.key(seed)
    k1, k2 = jax.random.split(key)
    tokens = jax.random.randint(k1, (4, 2048), 0, 32000, dtype=jnp.int32)
    # learned parameter: p = nn.Parameter(torch.ones(1))
    p = jnp.ones((1,), dtype=jnp.float32)
    return {"tokens": tokens, "p": p}


def reference(tokens, p):
    X = _build_tree(tokens)
    rng = jnp.arange(D_MODEL, dtype=jnp.float32)
    poly = jnp.power(p, rng)[None, None, :]
    return X * poly

if __name__ == "__main__":
    import jax
    _d = setup_inputs()
    print(jax.jit(kernel)(*tuple(_d.values())))

</pallas_src>

<mosaic_0001>
#map = affine_map<(d0, d1) -> (0, 0)>
#map1 = affine_map<(d0, d1) -> (0, 0, 0)>
module attributes {stable_mosaic.version = 14 : i64} {
  func.func @build(%arg0: i32, %arg1: i32, %arg2: memref<4x2048xi32, #tpu.memory_space<hbm>>, %arg3: memref<4x512x128xi32, #tpu.memory_space<hbm>>, %arg4: memref<2048xi32, #tpu.memory_space<vmem>>, %arg5: memref<2056xi32, #tpu.memory_space<vmem>>, %arg6: memref<2048xi32, #tpu.memory_space<vmem>>, %arg7: memref<512x128xi32, #tpu.memory_space<vmem>>) attributes {dimension_semantics = [#tpu.dimension_semantics<core_parallel>, #tpu.dimension_semantics<subcore_parallel>], iteration_bounds = array<i64: 2, 16>, scalar_prefetch = 0 : i64, scratch_operands = 4 : i64, tpu.core_type = #tpu.core_type<sc_vector_subcore>, window_params = [{transform_indices = #map}, {transform_indices = #map1}]} {
    %mul3A = arith.constant 2 : i32
    %mul3A_0 = arith.muli %arg1, %mul3A : i32
    %add3A = arith.addi %mul3A_0, %arg0 : i32
    %lt3A = arith.constant 4 : i32
    %lt3A_1 = arith.cmpi slt, %add3A, %lt3A : i32
    %convert_element_type3A = arith.extui %lt3A_1 : i1 to i32
    %cond3A = arith.constant 0 : i32
    %cond3A_2 = arith.cmpi ne, %convert_element_type3A, %cond3A : i32
    scf.if %cond3A_2 {
      "tpu.region"() ({
        %run_scoped3A = tpu.sem_alloc : memref<!tpu.dma_semaphore, #tpu.memory_space<semaphore_mem>>
        %dma_start3A = arith.constant 0 : i32
        %dma_start3A_1019 = tpu.memref_slice %arg2[%add3A, %dma_start3A] : memref<4x2048xi32, #tpu.memory_space<hbm>> -> memref<1x2048xi32, #tpu.memory_space<hbm>>
        %dma_start3A_1020 = tpu.memref_squeeze %dma_start3A_1019 : memref<1x2048xi32, #tpu.memory_space<hbm>> -> memref<2048xi32, #tpu.memory_space<hbm>>
        %dma_start3A_1021 = arith.constant 0 : i32
        %dma_start3A_1022 = tpu.memref_slice %arg2[%add3A, %dma_start3A_1021] : memref<4x2048xi32, #tpu.memory_space<hbm>> -> memref<1x2048xi32, #tpu.memory_space<hbm>>
        %dma_start3A_1023 = tpu.memref_squeeze %dma_start3A_1022 : memref<1x2048xi32, #tpu.memory_space<hbm>> -> memref<2048xi32, #tpu.memory_space<hbm>>
        tpu.enqueue_dma source(%dma_start3A_1023 : memref<2048xi32, #tpu.memory_space<hbm>>) target(%arg4 : memref<2048xi32, #tpu.memory_space<vmem>>) target_semaphore(%run_scoped3A : memref<!tpu.dma_semaphore, #tpu.memory_space<semaphore_mem>>)
        %dma_wait3A = arith.constant 0 : i32
        %dma_wait3A_1024 = tpu.memref_slice %arg2[%add3A, %dma_wait3A] : memref<4x2048xi32, #tpu.memory_space<hbm>> -> memref<1x2048xi32, #tpu.memory_space<hbm>>
        %dma_wait3A_1025 = tpu.memref_squeeze %dma_wait3A_1024 : memref<1x2048xi32, #tpu.memory_space<hbm>> -> memref<2048xi32, #tpu.memory_space<hbm>>
        %dma_wait3A_1026 = arith.constant 0 : i32
        %dma_wait3A_1027 = tpu.memref_slice %arg2[%add3A, %dma_wait3A_1026] : memref<4x2048xi32, #tpu.memory_space<hbm>> -> memref<1x2048xi32, #tpu.memory_space<hbm>>
        %dma_wait3A_1028 = tpu.memref_squeeze %dma_wait3A_1027 : memref<1x2048xi32, #tpu.memory_space<hbm>> -> memref<2048xi32, #tpu.memory_space<hbm>>
        tpu.wait_dma2 semaphore(%run_scoped3A : memref<!tpu.dma_semaphore, #tpu.memory_space<semaphore_mem>>) src(%dma_wait3A_1028 : memref<2048xi32, #tpu.memory_space<hbm>>) dst(%arg4 : memref<2048xi32, #tpu.memory_space<vmem>>)
        tpu.yield
      }) : () -> ()
      %iota3A = tpu.iota {dimensions = array<i32: 0>} : vector<16xi32>
      %add3A_3 = arith.constant 15 : i32
      %add3A_4 = vector.broadcast %add3A_3 : i32 to vector<16xi32>
      %add3A_5 = arith.addi %iota3A, %add3A_4 : vector<16xi32>
      %and3A = arith.constant 15 : i32
      %and3A_6 = vector.broadcast %and3A : i32 to vector<16xi32>
      %and3A_7 = arith.andi %add3A_5, %and3A_6 : vector<16xi32>
      %eq3A = arith.constant 0 : i32
      %eq3A_8 = vector.broadcast %eq3A : i32 to vector<16xi32>
      %eq3A_9 = arith.cmpi eq, %iota3A, %eq3A_8 : vector<16xi32>
      %broadcast_in_dim3A = arith.constant 0 : i32
      %broadcast_in_dim3A_10 = vector.broadcast %broadcast_in_dim3A : i32 to vector<16xi32>
      %swap3A = arith.constant 0 : index
      %swap3A_11 = tpu.vector_load %arg5[%swap3A] {strides = array<i32>} : memref<2056xi32, #tpu.memory_space<vmem>>, vector<16xi32>,
      tpu.vector_store %arg5[%swap3A], %broadcast_in_dim3A_10 {strides = array<i32>} : memref<2056xi32, #tpu.memory_space<vmem>>, vector<16xi32>,
      %scan3A = arith.constant 0 : i32
      %scan3A_12 = arith.constant 1073741824 : i32
      %scan3A_13 = arith.constant 0 : i32
      %scan3A_14 = arith.constant 128 : i32
      %scan3A_15 = arith.addi %scan3A_13, %scan3A_14 : i32
      %scan3A_16 = arith.constant 1 : i32
      %scan3A_17:2 = scf.for %scan3A_1019 = %scan3A_13 to %scan3A_15 step %scan3A_16 iter_args(%scan3A_1020 = %scan3A, %scan3A_1021 = %scan3A_12) -> (i32, i32)  : i32 {
        %mul3A_1022 = arith.constant 16 : i32
        %mul3A_1023 = arith.muli %mul3A_1022, %scan3A_1019 : i32
        %add3A_1024 = vector.broadcast %mul3A_1023 : i32 to vector<16xi32>
        %add3A_1025 = arith.addi %add3A_1024, %iota3A : vector<16xi32>
        %mul3A_1026 = arith.constant 16 : i32
        %mul3A_1027 = arith.muli %mul3A_1026, %scan3A_1019 : i32
        %get3A_1028 = arith.index_cast %mul3A_1027 : i32 to index
        %get3A_1029 = tpu.vector_load %arg4[%get3A_1028] {strides = array<i32>} : memref<2048xi32, #tpu.memory_space<vmem>>, vector<16xi32>,
        %ne3A = arith.constant 2 : i32
        %ne3A_1030 = vector.broadcast %ne3A : i32 to vector<16xi32>
        %ne3A_1031 = arith.cmpi ne, %get3A_1029, %ne3A_1030 : vector<16xi32>
        %ge3A = arith.constant 1 : i32
        %ge3A_1032 = vector.broadcast %ge3A : i32 to vector<16xi32>
        %ge3A_1033 = arith.cmpi sge, %add3A_1025, %ge3A_1032 : vector<16xi32>
        %and3A_1034 = arith.andi %ne3A_1031, %ge3A_1033 : vector<16xi1>
        %convert_element_type3A_1035 = arith.extui %and3A_1034 : vector<16xi1> to vector<16xi32>
        %broadcast_in_dim3A_1036 = arith.constant true
        %broadcast_in_dim3A_1037 = vector.broadcast %broadcast_in_dim3A_1036 : i1 to vector<16xi1>
        %masked_cumsum3A = tpu.scan <sum>, %convert_element_type3A_1035 masked %broadcast_in_dim3A_1037 : vector<16xi32>, vector<16xi1> -> vector<16xi32>
        %add3A_1038 = vector.broadcast %scan3A_1020 : i32 to vector<16xi32>
        %add3A_1039 = arith.addi %masked_cumsum3A, %add3A_1038 : vector<16xi32>
        %ge3A_1040 = arith.constant 1 : i32
        %ge3A_1041 = vector.broadcast %ge3A_1040 : i32 to vector<16xi32>
        %ge3A_1042 = arith.cmpi sge, %add3A_1025, %ge3A_1041 : vector<16xi32>
        %mul3A_1043 = arith.constant 2 : i32
        %mul3A_1044 = vector.broadcast %mul3A_1043 : i32 to vector<16xi32>
        %mul3A_1045 = arith.muli %mul3A_1044, %add3A_1039 : vector<16xi32>
        %add3A_1046 = arith.constant 1 : i32
        %add3A_1047 = vector.broadcast %add3A_1046 : i32 to vector<16xi32>
        %add3A_1048 = arith.addi %mul3A_1045, %add3A_1047 : vector<16xi32>
        %sub3A = arith.subi %add3A_1048, %add3A_1025 : vector<16xi32>
        %jit3A = arith.constant 1073741824 : i32
        %broadcast_in_dim3A_1049 = vector.broadcast %jit3A : i32 to vector<16xi32>
        %select_n3A_1050 = arith.select %ge3A_1042, %sub3A, %broadcast_in_dim3A_1049 : vector<16xi1>, vector<16xi32>
        %neg3A = arith.constant 0 : i32
        %neg3A_1051 = vector.broadcast %neg3A : i32 to vector<16xi32>
        %neg3A_1052 = arith.subi %neg3A_1051, %select_n3A_1050 : vector<16xi32>
        %broadcast_in_dim3A_1053 = arith.constant true
        %broadcast_in_dim3A_1054 = vector.broadcast %broadcast_in_dim3A_1053 : i1 to vector<16xi1>
        %masked_cummax3A = arith.constant -2147483648 : i32
        %masked_cummax3A_1055 = vector.broadcast %masked_cummax3A : i32 to vector<16xi32>
        %masked_cummax3A_1056 = arith.xori %neg3A_1052, %masked_cummax3A_1055 : vector<16xi32>
        %masked_cummax3A_1057 = tpu.scan <max>, %masked_cummax3A_1056 masked %broadcast_in_dim3A_1054 : vector<16xi32>, vector<16xi1> -> vector<16xi32>
        %masked_cummax3A_1058 = arith.xori %masked_cummax3A_1057, %masked_cummax3A_1055 : vector<16xi32>
        %neg3A_1059 = arith.constant 0 : i32
        %neg3A_1060 = vector.broadcast %neg3A_1059 : i32 to vector<16xi32>
        %neg3A_1061 = arith.subi %neg3A_1060, %masked_cummax3A_1058 : vector<16xi32>
        %min3A = vector.broadcast %scan3A_1021 : i32 to vector<16xi32>
        %min3A_1062 = arith.minsi %neg3A_1061, %min3A : vector<16xi32>
        %broadcast_in_dim3A_1063 = vector.broadcast %scan3A_1021 : i32 to vector<16xi32>
        %broadcast_in_dim3A_1064 = vector.shape_cast %and3A_7 : vector<16xi32> to vector<16x1xi32>
        %gather3A_1065 = vector.shape_cast %broadcast_in_dim3A_1064 : vector<16x1xi32> to vector<16xi32>
        %gather3A_1066 = tpu.dynamic_gather %min3A_1062[%gather3A_1065] in [0] : vector<16xi32>, vector<16xi32> -> vector<16xi32>
        %select_n3A_1067 = arith.select %eq3A_9, %broadcast_in_dim3A_1063, %gather3A_1066 : vector<16xi1>, vector<16xi32>
        %sub3A_1068 = arith.constant 1 : i32
        %sub3A_1069 = vector.broadcast %sub3A_1068 : i32 to vector<16xi32>
        %sub3A_1070 = arith.subi %add3A_1025, %sub3A_1069 : vector<16xi32>
        %min3A_1071 = arith.constant 0 : i32
        %min3A_1072 = vector.broadcast %min3A_1071 : i32 to vector<16xi32>
        %min3A_1073 = arith.minsi %min3A_1072, %select_n3A_1067 : vector<16xi32>
        %add3A_1074 = arith.addi %sub3A_1070, %min3A_1073 : vector<16xi32>
        %ne3A_1075 = arith.constant 0 : i32
        %ne3A_1076 = vector.broadcast %ne3A_1075 : i32 to vector<16xi32>
        %ne3A_1077 = arith.cmpi ne, %convert_element_type3A_1035, %ne3A_1076 : vector<16xi32>
        tpu.vector_store_idx %arg5[%add3A_1039], %add3A_1025 masked %ne3A_1077 : memref<2056xi32, #tpu.memory_space<vmem>>[vector<16xi32>], vector<16xi32>, vector<16xi1>
        %shift_right_arithmetic3A_1078 = arith.constant 1 : i32
        %shift_right_arithmetic3A_1079 = vector.broadcast %shift_right_arithmetic3A_1078 : i32 to vector<16xi32>
        %shift_right_arithmetic3A_1080 = arith.shrsi %add3A_1074, %shift_right_arithmetic3A_1079 : vector<16xi32>
        %max3A = arith.constant 0 : i32
        %max3A_1081 = vector.broadcast %max3A : i32 to vector<16xi32>
        %max3A_1082 = arith.maxsi %shift_right_arithmetic3A_1080, %max3A_1081 : vector<16xi32>
        %gather3A_1083 = tpu.vector_load_idx %arg5[%max3A_1082] : memref<2056xi32, #tpu.memory_space<vmem>>[vector<16xi32>], vector<16xi32>,
        %mul3A_1084 = arith.constant 4 : i32
        %mul3A_1085 = vector.broadcast %mul3A_1084 : i32 to vector<16xi32>
        %mul3A_1086 = arith.muli %mul3A_1085, %gather3A_1083 : vector<16xi32>
        %add3A_1087 = arith.constant 1 : i32
        %add3A_1088 = vector.broadcast %add3A_1087 : i32 to vector<16xi32>
        %add3A_1089 = arith.addi %mul3A_1086, %add3A_1088 : vector<16xi32>
        %and3A_1090 = arith.constant 1 : i32
        %and3A_1091 = vector.broadcast %and3A_1090 : i32 to vector<16xi32>
        %and3A_1092 = arith.andi %add3A_1074, %and3A_1091 : vector<16xi32>
        %add3A_1093 = arith.addi %add3A_1089, %and3A_1092 : vector<16xi32>
        %mul3A_1094 = arith.constant 16 : i32
        %mul3A_1095 = arith.muli %mul3A_1094, %scan3A_1019 : i32
        %swap3A_1096 = arith.index_cast %mul3A_1095 : i32 to index
        %swap3A_1097 = tpu.vector_load %arg6[%swap3A_1096] {strides = array<i32>} : memref<2048xi32, #tpu.memory_space<vmem>>, vector<16xi32>,
        tpu.vector_store %arg6[%swap3A_1096], %add3A_1093 {strides = array<i32>} : memref<2048xi32, #tpu.memory_space<vmem>>, vector<16xi32>,
        %reduce_sum3A = arith.constant true
        %reduce_sum3A_1098 = vector.broadcast %reduce_sum3A : i1 to vector<16xi1>
        %reduce_sum3A_1099 = tpu.scan <sum>, %convert_element_type3A_1035 masked %reduce_sum3A_1098 : vector<16xi32>, vector<16xi1> -> vector<16xi32>
        %reduce_sum3A_1100 = vector.extract %reduce_sum3A_1099[15] : i32 from vector<16xi32>
        %add3A_1101 = arith.addi %scan3A_1020, %reduce_sum3A_1100 : i32
        %reduce_min3A = arith.constant true
        %reduce_min3A_1102 = vector.broadcast %reduce_min3A : i1 to vector<16xi1>
        %reduce_min3A_1103 = arith.constant -2147483648 : i32
        %reduce_min3A_1104 = vector.broadcast %reduce_min3A_1103 : i32 to vector<16xi32>
        %reduce_min3A_1105 = arith.xori %select_n3A_1050, %reduce_min3A_1104 : vector<16xi32>
        %reduce_min3A_1106 = tpu.scan <min>, %reduce_min3A_1105 masked %reduce_min3A_1102 : vector<16xi32>, vector<16xi1> -> vector<16xi32>
        %reduce_min3A_1107 = arith.xori %reduce_min3A_1106, %reduce_min3A_1104 : vector<16xi32>
        %reduce_min3A_1108 = vector.extract %reduce_min3A_1107[15] : i32 from vector<16xi32>
        %min3A_1109 = arith.minsi %scan3A_1021, %reduce_min3A_1108 : i32
        scf.yield %add3A_1101, %min3A_1109 : i32, i32
      }
      %scan3A_18 = arith.constant 128 : i32
      %swap3A_19 = arith.constant 0 : i32
      %swap3A_20 = arith.index_cast %swap3A_19 : i32 to index
      %swap3A_21 = arith.constant 0 : index
      %swap3A_22 = tpu.vector_load %arg7[%swap3A_20, %swap3A_21] {strides = array<i32>} : memref<512x128xi32, #tpu.memory_space<vmem>>, vector<16xi32>,
      tpu.vector_store %arg7[%swap3A_20, %swap3A_21], %broadcast_in_dim3A_10 {strides = array<i32>} : memref<512x128xi32, #tpu.memory_space<vmem>>, vector<16xi32>,
      %swap3A_23 = arith.constant 0 : i32
      %swap3A_24 = arith.index_cast %swap3A_23 : i32 to index
      %swap3A_25 = arith.constant 16 : index
      %swap3A_26 = tpu.vector_load %arg7[%swap3A_24, %swap3A_25] {strides = array<i32>} : memref<512x128xi32, #tpu.memory_space<vmem>>, vector<16xi32>,
      tpu.vector_store %arg7[%swap3A_24, %swap3A_25], %broadcast_in_dim3A_10 {strides = array<i32>} : memref<512x128xi32, #tpu.memory_space<vmem>>, vector<16xi32>,
      %broadcast_in_dim3A_27 = arith.constant 0 : i32
      %broadcast_in_dim3A_28 = vector.broadcast %broadcast_in_dim3A_27 : i32 to vector<16xi32>
      %broadcast_in_dim3A_29 = arith.constant 1 : i32
      %broadcast_in_dim3A_30 = vector.broadcast %broadcast_in_dim3A_29 : i32 to vector<16xi32>
      %broadcast_in_dim3A_31 = arith.constant 2 : i32
      %broadcast_in_dim3A_32 = vector.broadcast %broadcast_in_dim3A_31 : i32 to vector<16xi32>
      %broadcast_in_dim3A_33 = arith.constant 3 : i32
      %broadcast_in_dim3A_34 = vector.broadcast %broadcast_in_dim3A_33 : i32 to vector<16xi32>
      %broadcast_in_dim3A_35 = arith.constant 4 : i32
      %broadcast_in_dim3A_36 = vector.broadcast %broadcast_in_dim3A_35 : i32 to vector<16xi32>
      %broadcast_in_dim3A_37 = arith.constant 5 : i32
      %broadcast_in_dim3A_38 = vector.broadcast %broadcast_in_dim3A_37 : i32 to vector<16xi32>
      %broadcast_in_dim3A_39 = arith.constant 6 : i32
      %broadcast_in_dim3A_40 = vector.broadcast %broadcast_in_dim3A_39 : i32 to vector<16xi32>
      %broadcast_in_dim3A_41 = arith.constant 7 : i32
      %broadcast_in_dim3A_42 = vector.broadcast %broadcast_in_dim3A_41 : i32 to vector<16xi32>
      %broadcast_in_dim3A_43 = arith.constant 8 : i32
      %broadcast_in_dim3A_44 = vector.broadcast %broadcast_in_dim3A_43 : i32 to vector<16xi32>
      %broadcast_in_dim3A_45 = arith.constant 9 : i32
      %broadcast_in_dim3A_46 = vector.broadcast %broadcast_in_dim3A_45 : i32 to vector<16xi32>
      %broadcast_in_dim3A_47 = arith.constant 10 : i32
      %broadcast_in_dim3A_48 = vector.broadcast %broadcast_in_dim3A_47 : i32 to vector<16xi32>
      %broadcast_in_dim3A_49 = arith.constant 11 : i32
      %broadcast_in_dim3A_50 = vector.broadcast %broadcast_in_dim3A_49 : i32 to vector<16xi32>
      %broadcast_in_dim3A_51 = arith.constant 12 : i32
      %broadcast_in_dim3A_52 = vector.broadcast %broadcast_in_dim3A_51 : i32 to vector<16xi32>
      %broadcast_in_dim3A_53 = arith.constant 13 : i32
      %broadcast_in_dim3A_54 = vector.broadcast %broadcast_in_dim3A_53 : i32 to vector<16xi32>
      %broadcast_in_dim3A_55 = arith.constant 14 : i32
      %broadcast_in_dim3A_56 = vector.broadcast %broadcast_in_dim3A_55 : i32 to vector<16xi32>
      %broadcast_in_dim3A_57 = arith.constant 15 : i32
      %broadcast_in_dim3A_58 = vector.broadcast %broadcast_in_dim3A_57 : i32 to vector<16xi32>
      %get3A = arith.constant 0 : index
      %get3A_59 = tpu.vector_load %arg6[%get3A] {strides = array<i32>} : memref<2048xi32, #tpu.memory_space<vmem>>, vector<16xi32>,
      %broadcast_in_dim3A_60 = vector.shape_cast %broadcast_in_dim3A_30 : vector<16xi32> to vector<16x1xi32>
      %gather3A = vector.shape_cast %broadcast_in_dim3A_60 : vector<16x1xi32> to vector<16xi32>
      %gather3A_61 = tpu.dynamic_gather %get3A_59[%gather3A] in [0] : vector<16xi32>, vector<16xi32> -> vector<16xi32>
      %and3A_62 = arith.constant 3 : i32
      %and3A_63 = vector.broadcast %and3A_62 : i32 to vector<16xi32>
      %and3A_64 = arith.andi %gather3A_61, %and3A_63 : vector<16xi32>
      %shift_right_arithmetic3A = arith.constant 2 : i32
      %shift_right_arithmetic3A_65 = vector.broadcast %shift_right_arithmetic3A : i32 to vector<16xi32>
      %shift_right_arithmetic3A_66 = arith.shrsi %gather3A_61, %shift_right_arithmetic3A_65 : vector<16xi32>
      %shift_right_arithmetic3A_67 = arith.constant 8 : i32
      %shift_right_arithmetic3A_68 = vector.broadcast %shift_right_arithmetic3A_67 : i32 to vector<16xi32>
      %shift_right_arithmetic3A_69 = arith.shrsi %shift_right_arithmetic3A_66, %shift_right_arithmetic3A_68 : vector<16xi32>
      %shift_left3A = arith.constant 6 : i32
      %shift_left3A_70 = vector.broadcast %shift_left3A : i32 to vector<16xi32>
      %shift_left3A_71 = arith.shli %shift_right_arithmetic3A_69, %shift_left3A_70 : vector<16xi32>
      %and3A_72 = arith.constant 63 : i32
      %and3A_73 = vector.broadcast %and3A_72 : i32 to vector<16xi32>
      %and3A_74 = arith.andi %shift_right_arithmetic3A_66, %and3A_73 : vector<16xi32>
      %add3A_75 = arith.addi %shift_left3A_71, %and3A_74 : vector<16xi32>
      %shift_right_arithmetic3A_76 = arith.constant 6 : i32
      %shift_right_arithmetic3A_77 = vector.broadcast %shift_right_arithmetic3A_76 : i32 to vector<16xi32>
      %shift_right_arithmetic3A_78 = arith.shrsi %shift_right_arithmetic3A_66, %shift_right_arithmetic3A_77 : vector<16xi32>
      %and3A_79 = arith.constant 3 : i32
      %and3A_80 = vector.broadcast %and3A_79 : i32 to vector<16xi32>
      %and3A_81 = arith.andi %shift_right_arithmetic3A_78, %and3A_80 : vector<16xi32>
      %shift_left3A_82 = arith.constant 5 : i32
      %shift_left3A_83 = vector.broadcast %shift_left3A_82 : i32 to vector<16xi32>
      %shift_left3A_84 = arith.shli %and3A_81, %shift_left3A_83 : vector<16xi32>
      %add3A_85 = arith.addi %shift_left3A_84, %iota3A : vector<16xi32>
      %gather3A_86 = tpu.vector_load_idx %arg7[%add3A_75, %add3A_85] : memref<512x128xi32, #tpu.memory_space<vmem>>[vector<16xi32>, vector<16xi32>], vector<16xi32>,
      %add3A_87 = arith.constant 16 : i32
      %add3A_88 = vector.broadcast %add3A_87 : i32 to vector<16xi32>
      %add3A_89 = arith.addi %add3A_85, %add3A_88 : vector<16xi32>
      %gather3A_90 = tpu.vector_load_idx %arg7[%add3A_75, %add3A_89] : memref<512x128xi32, #tpu.memory_space<vmem>>[vector<16xi32>, vector<16xi32>], vector<16xi32>,
      %broadcast_in_dim3A_91 = vector.shape_cast %and3A_7 : vector<16xi32> to vector<16x1xi32>
      %gather3A_92 = vector.shape_cast %broadcast_in_dim3A_91 : vector<16x1xi32> to vector<16xi32>
      %gather3A_93 = tpu.dynamic_gather %gather3A_86[%gather3A_92] in [0] : vector<16xi32>, vector<16xi32> -> vector<16xi32>
      %broadcast_in_dim3A_94 = vector.shape_cast %and3A_7 : vector<16xi32> to vector<16x1xi32>
      %gather3A_95 = vector.shape_cast %broadcast_in_dim3A_94 : vector<16x1xi32> to vector<16xi32>
      %gather3A_96 = tpu.dynamic_gather %gather3A_90[%gather3A_95] in [0] : vector<16xi32>, vector<16xi32> -> vector<16xi32>
      %shift_right_logical3A = arith.constant 30 : i32
      %shift_right_logical3A_97 = vector.broadcast %shift_right_logical3A : i32 to vector<16xi32>
      %shift_right_logical3A_98 = arith.shrui %gather3A_93, %shift_right_logical3A_97 : vector<16xi32>
      %select_n3A = arith.select %eq3A_9, %and3A_64, %shift_right_logical3A_98 : vector<16xi1>, vector<16xi32>
      %select_n3A_99 = arith.select %eq3A_9, %gather3A_93, %gather3A_96 : vector<16xi1>, vector<16xi32>
      %shift_right_logical3A_100 = arith.constant 30 : i32
      %shift_right_logical3A_101 = vector.broadcast %shift_right_logical3A_100 : i32 to vector<16xi32>
      %shift_right_logical3A_102 = arith.shrui %select_n3A_99, %shift_right_logical3A_101 : vector<16xi32>
      %shift_left3A_103 = arith.constant 2 : i32
      %shift_left3A_104 = vector.broadcast %shift_left3A_103 : i32 to vector<16xi32>
      %shift_left3A_105 = arith.shli %gather3A_86, %shift_left3A_104 : vector<16xi32>
      %or3A = arith.ori %shift_left3A_105, %select_n3A : vector<16xi32>
      %swap3A_106 = arith.constant 1 : i32
      %swap3A_107 = arith.index_cast %swap3A_106 : i32 to index
      %swap3A_108 = arith.constant 0 : index
      %swap3A_109 = tpu.vector_load %arg7[%swap3A_107, %swap3A_108] {strides = array<i32>} : memref<512x128xi32, #tpu.memory_space<vmem>>, vector<16xi32>,
      tpu.vector_store %arg7[%swap3A_107, %swap3A_108], %or3A {strides = array<i32>} : memref<512x128xi32, #tpu.memory_space<vmem>>, vector<16xi32>,
      %shift_left3A_110 = arith.constant 2 : i32
      %shift_left3A_111 = vector.broadcast %shift_left3A_110 : i32 to vector<16xi32>
      %shift_left3A_112 = arith.shli %gather3A_90, %shift_left3A_111 : vector<16xi32>
      %or3A_113 = arith.ori %shift_left3A_112, %shift_right_logical3A_102 : vector<16xi32>
      %swap3A_114 = arith.constant 1 : i32
      %swap3A_115 = arith.index_cast %swap3A_114 : i32 to index
      %swap3A_116 = arith.constant 16 : index
      %swap3A_117 = tpu.vector_load %arg7[%swap3A_115, %swap3A_116] {strides = array<i32>} : memref<512x128xi32, #tpu.memory_space<vmem>>, vector<16xi32>,
      tpu.vector_store %arg7[%swap3A_115, %swap3A_116], %or3A_113 {strides = array<i32>} : memref<512x128xi32, #tpu.memory_space<vmem>>, vector<16xi32>,
      %broadcast_in_dim3A_118 = vector.shape_cast %broadcast_in_dim3A_32 : vector<16xi32> to vector<16x1xi32>
      %gather3A_119 = vector.shape_cast %broadcast_in_dim3A_118 : vector<16x1xi32> to vector<16xi32>
      %gather3A_120 = tpu.dynamic_gather %get3A_59[%gather3A_119] in [0] : vector<16xi32>, vector<16xi32> -> vector<16xi32>
      %and3A_121 = arith.constant 3 : i32
      %and3A_122 = vector.broadcast %and3A_121 : i32 to vector<16xi32>
      %and3A_123 = arith.andi %gather3A_120, %and3A_122 : vector<16xi32>
      %shift_right_arithmetic3A_124 = arith.constant 2 : i32
      %shift_right_arithmetic3A_125 = vector.broadcast %shift_right_arithmetic3A_124 : i32 to vector<16xi32>
      %shift_right_arithmetic3A_126 = arith.shrsi %gather3A_120, %shift_right_arithmetic3A_125 : vector<16xi32>
      %shift_right_arithmetic3A_127 = arith.constant 8 : i32
      %shift_right_arithmetic3A_128 = vector.broadcast %shift_right_arithmetic3A_127 : i32 to vector<16xi32>
      %shift_right_arithmetic3A_129 = arith.shrsi %shift_right_arithmetic3A_126, %shift_right_arithmetic3A_128 : vector<16xi32>
      %shift_left3A_130 = arith.constant 6 : i32
      %shift_left3A_131 = vector.broadcast %shift_left3A_130 : i32 to vector<16xi32>
      %shift_left3A_132 = arith.shli %shift_right_arithmetic3A_129, %shift_left3A_131 : vector<16xi32>
      %and3A_133 = arith.constant 63 : i32
      %and3A_134 = vector.broadcast %and3A_133 : i32 to vector<16xi32>
      %and3A_135 = arith.andi %shift_right_arithmetic3A_126, %and3A_134 : vector<16xi32>
      %add3A_136 = arith.addi %shift_left3A_132, %and3A_135 : vector<16xi32>
      %shift_right_arithmetic3A_137 = arith.constant 6 : i32
      %shift_right_arithmetic3A_138 = vector.broadcast %shift_right_arithmetic3A_137 : i32 to vector<16xi32>
      %shift_right_arithmetic3A_139 = arith.shrsi %shift_right_arithmetic3A_126, %shift_right_arithmetic3A_138 : vector<16xi32>
      %and3A_140 = arith.constant 3 : i32
      %and3A_141 = vector.broadcast %and3A_140 : i32 to vector<16xi32>
      %and3A_142 = arith.andi %shift_right_arithmetic3A_139, %and3A_141 : vector<16xi32>
      %shift_left3A_143 = arith.constant 5 : i32
      %shift_left3A_144 = vector.broadcast %shift_left3A_143 : i32 to vector<16xi32>
      %shift_left3A_145 = arith.shli %and3A_142, %shift_left3A_144 : vector<16xi32>
      %add3A_146 = arith.addi %shift_left3A_145, %iota3A : vector<16xi32>
      %gather3A_147 = tpu.vector_load_idx %arg7[%add3A_136, %add3A_146] : memref<512x128xi32, #tpu.memory_space<vmem>>[vector<16xi32>, vector<16xi32>], vector<16xi32>,
      %add3A_148 = arith.constant 16 : i32
      %add3A_149 = vector.broadcast %add3A_148 : i32 to vector<16xi32>
      %add3A_150 = arith.addi %add3A_146, %add3A_149 : vector<16xi32>
      %gather3A_151 = tpu.vector_load_idx %arg7[%add3A_136, %add3A_150] : memref<512x128xi32, #tpu.memory_space<vmem>>[vector<16xi32>, vector<16xi32>], vector<16xi32>,
      %broadcast_in_dim3A_152 = vector.shape_cast %and3A_7 : vector<16xi32> to vector<16x1xi32>
      %gather3A_153 = vector.shape_cast %broadcast_in_dim3A_152 : vector<16x1xi32> to vector<16xi32>
      %gather3A_154 = tpu.dynamic_gather %gather3A_147[%gather3A_153] in [0] : vector<16xi32>, vector<16xi32> -> vector<16xi32>
      %broadcast_in_dim3A_155 = vector.shape_cast %and3A_7 : vector<16xi32> to vector<16x1xi32>
      %gather3A_156 = vector.shape_cast %broadcast_in_dim3A_155 : vector<16x1xi32> to vector<16xi32>
      %gather3A_157 = tpu.dynamic_gather %gather3A_151[%gather3A_156] in [0] : vector<16xi32>, vector<16xi32> -> vector<16xi32>
      %shift_right_logical3A_158 = arith.constant 30 : i32
      %shift_right_logical3A_159 = vector.broadcast %shift_right_logical3A_158 : i32 to vector<16xi32>
      %shift_right_logical3A_160 = arith.shrui %gather3A_154, %shift_right_logical3A_159 : vector<16xi32>
      %select_n3A_161 = arith.select %eq3A_9, %and3A_123, %shift_right_logical3A_160 : vector<16xi1>, vector<16xi32>
      %select_n3A_162 = arith.select %eq3A_9, %gather3A_154, %gather3A_157 : vector<16xi1>, vector<16xi32>
      %shift_right_logical3A_163 = arith.constant 30 : i32
      %shift_right_logical3A_164 = vector.broadcast %shift_right_logical3A_163 : i32 to vector<16xi32>
      %shift_right_logical3A_165 = arith.shrui %select_n3A_162, %shift_right_logical3A_164 : vector<16xi32>
      %shift_left3A_166 = arith.constant 2 : i32
      %shift_left3A_167 = vector.broadcast %shift_left3A_166 : i32 to vector<16xi32>
      %shift_left3A_168 = arith.shli %gather3A_147, %shift_left3A_167 : vector<16xi32>
      %or3A_169 = arith.ori %shift_left3A_168, %select_n3A_161 : vector<16xi32>
      %swap3A_170 = arith.constant 2 : i32
      %swap3A_171 = arith.index_cast %swap3A_170 : i32 to index
      %swap3A_172 = arith.constant 0 : index
      %swap3A_173 = tpu.vector_load %arg7[%swap3A_171, %swap3A_172] {strides = array<i32>} : memref<512x128xi32, #tpu.memory_space<vmem>>, vector<16xi32>,
      tpu.vector_store %arg7[%swap3A_171, %swap3A_172], %or3A_169 {strides = array<i32>} : memref<512x128xi32, #tpu.memory_space<vmem>>, vector<16xi32>,
      %shift_left3A_174 = arith.constant 2 : i32
      %shift_left3A_175 = vector.broadcast %shift_left3A_174 : i32 to vector<16xi32>
      %shift_left3A_176 = arith.shli %gather3A_151, %shift_left3A_175 : vector<16xi32>
      %or3A_177 = arith.ori %shift_left3A_176, %shift_right_logical3A_165 : vector<16xi32>
      %swap3A_178 = arith.constant 2 : i32
      %swap3A_179 = arith.index_cast %swap3A_178 : i32 to index
      %swap3A_180 = arith.constant 16 : index
      %swap3A_181 = tpu.vector_load %arg7[%swap3A_179, %swap3A_180] {strides = array<i32>} : memref<512x128xi32, #tpu.memory_space<vmem>>, vector<16xi32>,
      tpu.vector_store %arg7[%swap3A_179, %swap3A_180], %or3A_177 {strides = array<i32>} : memref<512x128xi32, #tpu.memory_space<vmem>>, vector<16xi32>,
      %broadcast_in_dim3A_182 = vector.shape_cast %broadcast_in_dim3A_34 : vector<16xi32> to vector<16x1xi32>
      %gather3A_183 = vector.shape_cast %broadcast_in_dim3A_182 : vector<16x1xi32> to vector<16xi32>
      %gather3A_184 = tpu.dynamic_gather %get3A_59[%gather3A_183] in [0] : vector<16xi32>, vector<16xi32> -> vector<16xi32>
      %and3A_185 = arith.constant 3 : i32
      %and3A_186 = vector.broadcast %and3A_185 : i32 to vector<16xi32>
      %and3A_187 = arith.andi %gather3A_184, %and3A_186 : vector<16xi32>
      %shift_right_arithmetic3A_188 = arith.constant 2 : i32
      %shift_right_arithmetic3A_189 = vector.broadcast %shift_right_arithmetic3A_188 : i32 to vector<16xi32>
      %shift_right_arithmetic3A_190 = arith.shrsi %gather3A_184, %shift_right_arithmetic3A_189 : vector<16xi32>
      %shift_right_arithmetic3A_191 = arith.constant 8 : i32
      %shift_right_arithmetic3A_192 = vector.broadcast %shift_right_arithmetic3A_191 : i32 to vector<16xi32>
      %shift_right_arithmetic3A_193 = arith.shrsi %shift_right_arithmetic3A_190, %shift_right_arithmetic3A_192 : vector<16xi32>
      %shift_left3A_194 = arith.constant 6 : i32
      %shift_left3A_195 = vector.broadcast %shift_left3A_194 : i32 to vector<16xi32>
      %shift_left3A_196 = arith.shli %shift_right_arithmetic3A_193, %shift_left3A_195 : vector<16xi32>
      %and3A_197 = arith.constant 63 : i32
      %and3A_198 = vector.broadcast %and3A_197 : i32 to vector<16xi32>
      %and3A_199 = arith.andi %shift_right_arithmetic3A_190, %and3A_198 : vector<16xi32>
      %add3A_200 = arith.addi %shift_left3A_196, %and3A_199 : vector<16xi32>
      %shift_right_arithmetic3A_201 = arith.constant 6 : i32
      %shift_right_arithmetic3A_202 = vector.broadcast %shift_right_arithmetic3A_201 : i32 to vector<16xi32>
      %shift_right_arithmetic3A_203 = arith.shrsi %shift_right_arithmetic3A_190, %shift_right_arithmetic3A_202 : vector<16xi32>
      %and3A_204 = arith.constant 3 : i32
      %and3A_205 = vector.broadcast %and3A_204 : i32 to vector<16xi32>
      %and3A_206 = arith.andi %shift_right_arithmetic3A_203, %and3A_205 : vector<16xi32>
      %shift_left3A_207 = arith.constant 5 : i32
      %shift_left3A_208 = vector.broadcast %shift_left3A_207 : i32 to vector<16xi32>
      %shift_left3A_209 = arith.shli %and3A_206, %shift_left3A_208 : vector<16xi32>
      %add3A_210 = arith.addi %shift_left3A_209, %iota3A : vector<16xi32>
      %gather3A_211 = tpu.vector_load_idx %arg7[%add3A_200, %add3A_210] : memref<512x128xi32, #tpu.memory_space<vmem>>[vector<16xi32>, vector<16xi32>], vector<16xi32>,
      %add3A_212 = arith.constant 16 : i32
      %add3A_213 = vector.broadcast %add3A_212 : i32 to vector<16xi32>
      %add3A_214 = arith.addi %add3A_210, %add3A_213 : vector<16xi32>
      %gather3A_215 = tpu.vector_load_idx %arg7[%add3A_200, %add3A_214] : memref<512x128xi32, #tpu.memory_space<vmem>>[vector<16xi32>, vector<16xi32>], vector<16xi32>,
      %broadcast_in_dim3A_216 = vector.shape_cast %and3A_7 : vector<16xi32> to vector<16x1xi32>
      %gather3A_217 = vector.shape_cast %broadcast_in_dim3A_216 : vector<16x1xi32> to vector<16xi32>
      %gather3A_218 = tpu.dynamic_gather %gather3A_211[%gather3A_217] in [0] : vector<16xi32>, vector<16xi32> -> vector<16xi32>
      %broadcast_in_dim3A_219 = vector.shape_cast %and3A_7 : vector<16xi32> to vector<16x1xi32>
      %gather3A_220 = vector.shape_cast %broadcast_in_dim3A_219 : vector<16x1xi32> to vector<16xi32>
      %gather3A_221 = tpu.dynamic_gather %gather3A_215[%gather3A_220] in [0] : vector<16xi32>, vector<16xi32> -> vector<16xi32>
      %shift_right_logical3A_222 = arith.constant 30 : i32
      %shift_right_logical3A_223 = vector.broadcast %shift_right_logical3A_222 : i32 to vector<16xi32>
      %shift_right_logical3A_224 = arith.shrui %gather3A_218, %shift_right_logical3A_223 : vector<16xi32>
      %select_n3A_225 = arith.select %eq3A_9, %and3A_187, %shift_right_logical3A_224 : vector<16xi1>, vector<16xi32>
      %select_n3A_226 = arith.select %eq3A_9, %gather3A_218, %gather3A_221 : vector<16xi1>, vector<16xi32>
      %shift_right_logical3A_227 = arith.constant 30 : i32
      %shift_right_logical3A_228 = vector.broadcast %shift_right_logical3A_227 : i32 to vector<16xi32>
      %shift_right_logical3A_229 = arith.shrui %select_n3A_226, %shift_right_logical3A_228 : vector<16xi32>
      %shift_left3A_230 = arith.constant 2 : i32
      %shift_left3A_231 = vector.broadcast %shift_left3A_230 : i32 to vector<16xi32>
      %shift_left3A_232 = arith.shli %gather3A_211, %shift_left3A_231 : vector<16xi32>
      %or3A_233 = arith.ori %shift_left3A_232, %select_n3A_225 : vector<16xi32>
      %swap3A_234 = arith.constant 3 : i32
      %swap3A_235 = arith.index_cast %swap3A_234 : i32 to index
      %swap3A_236 = arith.constant 0 : index
      %swap3A_237 = tpu.vector_load %arg7[%swap3A_235, %swap3A_236] {strides = array<i32>} : memref<512x128xi32, #tpu.memory_space<vmem>>, vector<16xi32>,
      tpu.vector_store %arg7[%swap3A_235, %swap3A_236], %or3A_233 {strides = array<i32>} : memref<512x128xi32, #tpu.memory_space<vmem>>, vector<16xi32>,
      %shift_left3A_238 = arith.constant 2 : i32
      %shift_left3A_239 = vector.broadcast %shift_left3A_238 : i32 to vector<16xi32>
      %shift_left3A_240 = arith.shli %gather3A_215, %shift_left3A_239 : vector<16xi32>
      %or3A_241 = arith.ori %shift_left3A_240, %shift_right_logical3A_229 : vector<16xi32>
      %swap3A_242 = arith.constant 3 : i32
      %swap3A_243 = arith.index_cast %swap3A_242 : i32 to index
      %swap3A_244 = arith.constant 16 : index
      %swap3A_245 = tpu.vector_load %arg7[%swap3A_243, %swap3A_244] {strides = array<i32>} : memref<512x128xi32, #tpu.memory_space<vmem>>, vector<16xi32>,
      tpu.vector_store %arg7[%swap3A_243, %swap3A_244], %or3A_241 {strides = array<i32>} : memref<512x128xi32, #tpu.memory_space<vmem>>, vector<16xi32>,
      %broadcast_in_dim3A_246 = vector.shape_cast %broadcast_in_dim3A_36 : vector<16xi32> to vector<16x1xi32>
      %gather3A_247 = vector.shape_cast %broadcast_in_dim3A_246 : vector<16x1xi32> to vector<16xi32>
      %gather3A_248 = tpu.dynamic_gather %get3A_59[%gather3A_247] in [0] : vector<16xi32>, vector<16xi32> -> vector<16xi32>
      %and3A_249 = arith.constant 3 : i32
      %and3A_250 = vector.broadcast %and3A_249 : i32 to vector<16xi32>
      %and3A_251 = arith.andi %gather3A_248, %and3A_250 : vector<16xi32>
      %shift_right_arithmetic3A_252 = arith.constant 2 : i32
      %shift_right_arithmetic3A_253 = vector.broadcast %shift_right_arithmetic3A_252 : i32 to vector<16xi32>
      %shift_right_arithmetic3A_254 = arith.shrsi %gather3A_248, %shift_right_arithmetic3A_253 : vector<16xi32>
      %shift_right_arithmetic3A_255 = arith.constant 8 : i32
      %shift_right_arithmetic3A_256 = vector.broadcast %shift_right_arithmetic3A_255 : i32 to vector<16xi32>
      %shift_right_arithmetic3A_257 = arith.shrsi %shift_right_arithmetic3A_254, %shift_right_arithmetic3A_256 : vector<16xi32>
      %shift_left3A_258 = arith.constant 6 : i32
      %shift_left3A_259 = vector.broadcast %shift_left3A_258 : i32 to vector<16xi32>
      %shift_left3A_260 = arith.shli %shift_right_arithmetic3A_257, %shift_left3A_259 : vector<16xi32>
      %and3A_261 = arith.constant 63 : i32
      %and3A_262 = vector.broadcast %and3A_261 : i32 to vector<16xi32>
      %and3A_263 = arith.andi %shift_right_arithmetic3A_254, %and3A_262 : vector<16xi32>
      %add3A_264 = arith.addi %shift_left3A_260, %and3A_263 : vector<16xi32>
      %shift_right_arithmetic3A_265 = arith.constant 6 : i32
      %shift_right_arithmetic3A_266 = vector.broadcast %shift_right_arithmetic3A_265 : i32 to vector<16xi32>
      %shift_right_arithmetic3A_267 = arith.shrsi %shift_right_arithmetic3A_254, %shift_right_arithmetic3A_266 : vector<16xi32>
      %and3A_268 = arith.constant 3 : i32
      %and3A_269 = vector.broadcast %and3A_268 : i32 to vector<16xi32>
      %and3A_270 = arith.andi %shift_right_arithmetic3A_267, %and3A_269 : vector<16xi32>
      %shift_left3A_271 = arith.constant 5 : i32
      %shift_left3A_272 = vector.broadcast %shift_left3A_271 : i32 to vector<16xi32>
      %shift_left3A_273 = arith.shli %and3A_270, %shift_left3A_272 : vector<16xi32>
      %add3A_274 = arith.addi %shift_left3A_273, %iota3A : vector<16xi32>
      %gather3A_275 = tpu.vector_load_idx %arg7[%add3A_264, %add3A_274] : memref<512x128xi32, #tpu.memory_space<vmem>>[vector<16xi32>, vector<16xi32>], vector<16xi32>,
      %add3A_276 = arith.constant 16 : i32
      %add3A_277 = vector.broadcast %add3A_276 : i32 to vector<16xi32>
      %add3A_278 = arith.addi %add3A_274, %add3A_277 : vector<16xi32>
      %gather3A_279 = tpu.vector_load_idx %arg7[%add3A_264, %add3A_278] : memref<512x128xi32, #tpu.memory_space<vmem>>[vector<16xi32>, vector<16xi32>], vector<16xi32>,
      %broadcast_in_dim3A_280 = vector.shape_cast %and3A_7 : vector<16xi32> to vector<16x1xi32>
      %gather3A_281 = vector.shape_cast %broadcast_in_dim3A_280 : vector<16x1xi32> to vector<16xi32>
      %gather3A_282 = tpu.dynamic_gather %gather3A_275[%gather3A_281] in [0] : vector<16xi32>, vector<16xi32> -> vector<16xi32>
      %broadcast_in_dim3A_283 = vector.shape_cast %and3A_7 : vector<16xi32> to vector<16x1xi32>
      %gather3A_284 = vector.shape_cast %broadcast_in_dim3A_283 : vector<16x1xi32> to vector<16xi32>
      %gather3A_285 = tpu.dynamic_gather %gather3A_279[%gather3A_284] in [0] : vector<16xi32>, vector<16xi32> -> vector<16xi32>
      %shift_right_logical3A_286 = arith.constant 30 : i32
      %shift_right_logical3A_287 = vector.broadcast %shift_right_logical3A_286 : i32 to vector<16xi32>
      %shift_right_logical3A_288 = arith.shrui %gather3A_282, %shift_right_logical3A_287 : vector<16xi32>
      %select_n3A_289 = arith.select %eq3A_9, %and3A_251, %shift_right_logical3A_288 : vector<16xi1>, vector<16xi32>
      %select_n3A_290 = arith.select %eq3A_9, %gather3A_282, %gather3A_285 : vector<16xi1>, vector<16xi32>
      %shift_right_logical3A_291 = arith.constant 30 : i32
      %shift_right_logical3A_292 = vector.broadcast %shift_right_logical3A_291 : i32 to vector<16xi32>
      %shift_right_logical3A_293 = arith.shrui %select_n3A_290, %shift_right_logical3A_292 : vector<16xi32>
      %shift_left3A_294 = arith.constant 2 : i32
      %shift_left3A_295 = vector.broadcast %shift_left3A_294 : i32 to vector<16xi32>
      %shift_left3A_296 = arith.shli %gather3A_275, %shift_left3A_295 : vector<16xi32>
      %or3A_297 = arith.ori %shift_left3A_296, %select_n3A_289 : vector<16xi32>
      %swap3A_298 = arith.constant 4 : i32
      %swap3A_299 = arith.index_cast %swap3A_298 : i32 to index
      %swap3A_300 = arith.constant 0 : index
      %swap3A_301 = tpu.vector_load %arg7[%swap3A_299, %swap3A_300] {strides = array<i32>} : memref<512x128xi32, #tpu.memory_space<vmem>>, vector<16xi32>,
      tpu.vector_store %arg7[%swap3A_299, %swap3A_300], %or3A_297 {strides = array<i32>} : memref<512x128xi32, #tpu.memory_space<vmem>>, vector<16xi32>,
      %shift_left3A_302 = arith.constant 2 : i32
      %shift_left3A_303 = vector.broadcast %shift_left3A_302 : i32 to vector<16xi32>
      %shift_left3A_304 = arith.shli %gather3A_279, %shift_left3A_303 : vector<16xi32>
      %or3A_305 = arith.ori %shift_left3A_304, %shift_right_logical3A_293 : vector<16xi32>
      %swap3A_306 = arith.constant 4 : i32
      %swap3A_307 = arith.index_cast %swap3A_306 : i32 to index
      %swap3A_308 = arith.constant 16 : index
      %swap3A_309 = tpu.vector_load %arg7[%swap3A_307, %swap3A_308] {strides = array<i32>} : memref<512x128xi32, #tpu.memory_space<vmem>>, vector<16xi32>,
      tpu.vector_store %arg7[%swap3A_307, %swap3A_308], %or3A_305 {strides = array<i32>} : memref<512x128xi32, #tpu.memory_space<vmem>>, vector<16xi32>,
      %broadcast_in_dim3A_310 = vector.shape_cast %broadcast_in_dim3A_38 : vector<16xi32> to vector<16x1xi32>
      %gather3A_311 = vector.shape_cast %broadcast_in_dim3A_310 : vector<16x1xi32> to vector<16xi32>
      %gather3A_312 = tpu.dynamic_gather %get3A_59[%gather3A_311] in [0] : vector<16xi32>, vector<16xi32> -> vector<16xi32>
      %and3A_313 = arith.constant 3 : i32
      %and3A_314 = vector.broadcast %and3A_313 : i32 to vector<16xi32>
      %and3A_315 = arith.andi %gather3A_312, %and3A_314 : vector<16xi32>
      %shift_right_arithmetic3A_316 = arith.constant 2 : i32
      %shift_right_arithmetic3A_317 = vector.broadcast %shift_right_arithmetic3A_316 : i32 to vector<16xi32>
      %shift_right_arithmetic3A_318 = arith.shrsi %gather3A_312, %shift_right_arithmetic3A_317 : vector<16xi32>
      %shift_right_arithmetic3A_319 = arith.constant 8 : i32
      %shift_right_arithmetic3A_320 = vector.broadcast %shift_right_arithmetic3A_319 : i32 to vector<16xi32>
      %shift_right_arithmetic3A_321 = arith.shrsi %shift_right_arithmetic3A_318, %shift_right_arithmetic3A_320 : vector<16xi32>
      %shift_left3A_322 = arith.constant 6 : i32
      %shift_left3A_323 = vector.broadcast %shift_left3A_322 : i32 to vector<16xi32>
      %shift_left3A_324 = arith.shli %shift_right_arithmetic3A_321, %shift_left3A_323 : vector<16xi32>
      %and3A_325 = arith.constant 63 : i32
      %and3A_326 = vector.broadcast %and3A_325 : i32 to vector<16xi32>
      %and3A_327 = arith.andi %shift_right_arithmetic3A_318, %and3A_326 : vector<16xi32>
      %add3A_328 = arith.addi %shift_left3A_324, %and3A_327 : vector<16xi32>
      %shift_right_arithmetic3A_329 = arith.constant 6 : i32
      %shift_right_arithmetic3A_330 = vector.broadcast %shift_right_arithmetic3A_329 : i32 to vector<16xi32>
      %shift_right_arithmetic3A_331 = arith.shrsi %shift_right_arithmetic3A_318, %shift_right_arithmetic3A_330 : vector<16xi32>
      %and3A_332 = arith.constant 3 : i32
      %and3A_333 = vector.broadcast %and3A_332 : i32 to vector<16xi32>
      %and3A_334 = arith.andi %shift_right_arithmetic3A_331, %and3A_333 : vector<16xi32>
      %shift_left3A_335 = arith.constant 5 : i32
      %shift_left3A_336 = vector.broadcast %shift_left3A_335 : i32 to vector<16xi32>
      %shift_left3A_337 = arith.shli %and3A_334, %shift_left3A_336 : vector<16xi32>
      %add3A_338 = arith.addi %shift_left3A_337, %iota3A : vector<16xi32>
      %gather3A_339 = tpu.vector_load_idx %arg7[%add3A_328, %add3A_338] : memref<512x128xi32, #tpu.memory_space<vmem>>[vector<16xi32>, vector<16xi32>], vector<16xi32>,
      %add3A_340 = arith.constant 16 : i32
      %add3A_341 = vector.broadcast %add3A_340 : i32 to vector<16xi32>
      %add3A_342 = arith.addi %add3A_338, %add3A_341 : vector<16xi32>
      %gather3A_343 = tpu.vector_load_idx %arg7[%add3A_328, %add3A_342] : memref<512x128xi32, #tpu.memory_space<vmem>>[vector<16xi32>, vector<16xi32>], vector<16xi32>,
      %broadcast_in_dim3A_344 = vector.shape_cast %and3A_7 : vector<16xi32> to vector<16x1xi32>
      %gather3A_345 = vector.shape_cast %broadcast_in_dim3A_344 : vector<16x1xi32> to vector<16xi32>
      %gather3A_346 = tpu.dynamic_gather %gather3A_339[%gather3A_345] in [0] : vector<16xi32>, vector<16xi32> -> vector<16xi32>
      %broadcast_in_dim3A_347 = vector.shape_cast %and3A_7 : vector<16xi32> to vector<16x1xi32>
      %gather3A_348 = vector.shape_cast %broadcast_in_dim3A_347 : vector<16x1xi32> to vector<16xi32>
      %gather3A_349 = tpu.dynamic_gather %gather3A_343[%gather3A_348] in [0] : vector<16xi32>, vector<16xi32> -> vector<16xi32>
      %shift_right_logical3A_350 = arith.constant 30 : i32
      %shift_right_logical3A_351 = vector.broadcast %shift_right_logical3A_350 : i32 to vector<16xi32>
      %shift_right_logical3A_352 = arith.shrui %gather3A_346, %shift_right_logical3A_351 : vector<16xi32>
      %select_n3A_353 = arith.select %eq3A_9, %and3A_315, %shift_right_logical3A_352 : vector<16xi1>, vector<16xi32>
      %select_n3A_354 = arith.select %eq3A_9, %gather3A_346, %gather3A_349 : vector<16xi1>, vector<16xi32>
      %shift_right_logical3A_355 = arith.constant 30 : i32
      %shift_right_logical3A_356 = vector.broadcast %shift_right_logical3A_355 : i32 to vector<16xi32>
      %shift_right_logical3A_357 = arith.shrui %select_n3A_354, %shift_right_logical3A_356 : vector<16xi32>
      %shift_left3A_358 = arith.constant 2 : i32
      %shift_left3A_359 = vector.broadcast %shift_left3A_358 : i32 to vector<16xi32>
      %shift_left3A_360 = arith.shli %gather3A_339, %shift_left3A_359 : vector<16xi32>
      %or3A_361 = arith.ori %shift_left3A_360, %select_n3A_353 : vector<16xi32>
      %swap3A_362 = arith.constant 5 : i32
      %swap3A_363 = arith.index_cast %swap3A_362 : i32 to index
      %swap3A_364 = arith.constant 0 : index
      %swap3A_365 = tpu.vector_load %arg7[%swap3A_363, %swap3A_364] {strides = array<i32>} : memref<512x128xi32, #tpu.memory_space<vmem>>, vector<16xi32>,
      tpu.vector_store %arg7[%swap3A_363, %swap3A_364], %or3A_361 {strides = array<i32>} : memref<512x128xi32, #tpu.memory_space<vmem>>, vector<16xi32>,
      %shift_left3A_366 = arith.constant 2 : i32
      %shift_left3A_367 = vector.broadcast %shift_left3A_366 : i32 to vector<16xi32>
      %shift_left3A_368 = arith.shli %gather3A_343, %shift_left3A_367 : vector<16xi32>
      %or3A_369 = arith.ori %shift_left3A_368, %shift_right_logical3A_357 : vector<16xi32>
      %swap3A_370 = arith.constant 5 : i32
      %swap3A_371 = arith.index_cast %swap3A_370 : i32 to index
      %swap3A_372 = arith.constant 16 : index
      %swap3A_373 = tpu.vector_load %arg7[%swap3A_371, %swap3A_372] {strides = array<i32>} : memref<512x128xi32, #tpu.memory_space<vmem>>, vector<16xi32>,
      tpu.vector_store %arg7[%swap3A_371, %swap3A_372], %or3A_369 {strides = array<i32>} : memref<512x128xi32, #tpu.memory_space<vmem>>, vector<16xi32>,
      %broadcast_in_dim3A_374 = vector.shape_cast %broadcast_in_dim3A_40 : vector<16xi32> to vector<16x1xi32>
      %gather3A_375 = vector.shape_cast %broadcast_in_dim3A_374 : vector<16x1xi32> to vector<16xi32>
      %gather3A_376 = tpu.dynamic_gather %get3A_59[%gather3A_375] in [0] : vector<16xi32>, vector<16xi32> -> vector<16xi32>
      %and3A_377 = arith.constant 3 : i32
      %and3A_378 = vector.broadcast %and3A_377 : i32 to vector<16xi32>
      %and3A_379 = arith.andi %gather3A_376, %and3A_378 : vector<16xi32>
      %shift_right_arithmetic3A_380 = arith.constant 2 : i32
      %shift_right_arithmetic3A_381 = vector.broadcast %shift_right_arithmetic3A_380 : i32 to vector<16xi32>
      %shift_right_arithmetic3A_382 = arith.shrsi %gather3A_376, %shift_right_arithmetic3A_381 : vector<16xi32>
      %shift_right_arithmetic3A_383 = arith.constant 8 : i32
      %shift_right_arithmetic3A_384 = vector.broadcast %shift_right_arithmetic3A_383 : i32 to vector<16xi32>
      %shift_right_arithmetic3A_385 = arith.shrsi %shift_right_arithmetic3A_382, %shift_right_arithmetic3A_384 : vector<16xi32>
      %shift_left3A_386 = arith.constant 6 : i32
      %shift_left3A_387 = vector.broadcast %shift_left3A_386 : i32 to vector<16xi32>
      %shift_left3A_388 = arith.shli %shift_right_arithmetic3A_385, %shift_left3A_387 : vector<16xi32>
      %and3A_389 = arith.constant 63 : i32
      %and3A_390 = vector.broadcast %and3A_389 : i32 to vector<16xi32>
      %and3A_391 = arith.andi %shift_right_arithmetic3A_382, %and3A_390 : vector<16xi32>
      %add3A_392 = arith.addi %shift_left3A_388, %and3A_391 : vector<16xi32>
      %shift_right_arithmetic3A_393 = arith.constant 6 : i32
      %shift_right_arithmetic3A_394 = vector.broadcast %shift_right_arithmetic3A_393 : i32 to vector<16xi32>
      %shift_right_arithmetic3A_395 = arith.shrsi %shift_right_arithmetic3A_382, %shift_right_arithmetic3A_394 : vector<16xi32>
      %and3A_396 = arith.constant 3 : i32
      %and3A_397 = vector.broadcast %and3A_396 : i32 to vector<16xi32>
      %and3A_398 = arith.andi %shift_right_arithmetic3A_395, %and3A_397 : vector<16xi32>
      %shift_left3A_399 = arith.constant 5 : i32
      %shift_left3A_400 = vector.broadcast %shift_left3A_399 : i32 to vector<16xi32>
      %shift_left3A_401 = arith.shli %and3A_398, %shift_left3A_400 : vector<16xi32>
      %add3A_402 = arith.addi %shift_left3A_401, %iota3A : vector<16xi32>
      %gather3A_403 = tpu.vector_load_idx %arg7[%add3A_392, %add3A_402] : memref<512x128xi32, #tpu.memory_space<vmem>>[vector<16xi32>, vector<16xi32>], vector<16xi32>,
      %add3A_404 = arith.constant 16 : i32
      %add3A_405 = vector.broadcast %add3A_404 : i32 to vector<16xi32>
      %add3A_406 = arith.addi %add3A_402, %add3A_405 : vector<16xi32>
      %gather3A_407 = tpu.vector_load_idx %arg7[%add3A_392, %add3A_406] : memref<512x128xi32, #tpu.memory_space<vmem>>[vector<16xi32>, vector<16xi32>], vector<16xi32>,
      %broadcast_in_dim3A_408 = vector.shape_cast %and3A_7 : vector<16xi32> to vector<16x1xi32>
      %gather3A_409 = vector.shape_cast %broadcast_in_dim3A_408 : vector<16x1xi32> to vector<16xi32>
      %gather3A_410 = tpu.dynamic_gather %gather3A_403[%gather3A_409] in [0] : vector<16xi32>, vector<16xi32> -> vector<16xi32>
      %broadcast_in_dim3A_411 = vector.shape_cast %and3A_7 : vector<16xi32> to vector<16x1xi32>
      %gather3A_412 = vector.shape_cast %broadcast_in_dim3A_411 : vector<16x1xi32> to vector<16xi32>
      %gather3A_413 = tpu.dynamic_gather %gather3A_407[%gather3A_412] in [0] : vector<16xi32>, vector<16xi32> -> vector<16xi32>
      %shift_right_logical3A_414 = arith.constant 30 : i32
      %shift_right_logical3A_415 = vector.broadcast %shift_right_logical3A_414 : i32 to vector<16xi32>
      %shift_right_logical3A_416 = arith.shrui %gather3A_410, %shift_right_logical3A_415 : vector<16xi32>
      %select_n3A_417 = arith.select %eq3A_9, %and3A_379, %shift_right_logical3A_416 : vector<16xi1>, vector<16xi32>
      %select_n3A_418 = arith.select %eq3A_9, %gather3A_410, %gather3A_413 : vector<16xi1>, vector<16xi32>
      %shift_right_logical3A_419 = arith.constant 30 : i32
      %shift_right_logical3A_420 = vector.broadcast %shift_right_logical3A_419 : i32 to vector<16xi32>
      %shift_right_logical3A_421 = arith.shrui %select_n3A_418, %shift_right_logical3A_420 : vector<16xi32>
      %shift_left3A_422 = arith.constant 2 : i32
      %shift_left3A_423 = vector.broadcast %shift_left3A_422 : i32 to vector<16xi32>
      %shift_left3A_424 = arith.shli %gather3A_403, %shift_left3A_423 : vector<16xi32>
      %or3A_425 = arith.ori %shift_left3A_424, %select_n3A_417 : vector<16xi32>
      %swap3A_426 = arith.constant 6 : i32
      %swap3A_427 = arith.index_cast %swap3A_426 : i32 to index
      %swap3A_428 = arith.constant 0 : index
      %swap3A_429 = tpu.vector_load %arg7[%swap3A_427, %swap3A_428] {strides = array<i32>} : memref<512x128xi32, #tpu.memory_space<vmem>>, vector<16xi32>,
      tpu.vector_store %arg7[%swap3A_427, %swap3A_428], %or3A_425 {strides = array<i32>} : memref<512x128xi32, #tpu.memory_space<vmem>>, vector<16xi32>,
      %shift_left3A_430 = arith.constant 2 : i32
      %shift_left3A_431 = vector.broadcast %shift_left3A_430 : i32 to vector<16xi32>
      %shift_left3A_432 = arith.shli %gather3A_407, %shift_left3A_431 : vector<16xi32>
      %or3A_433 = arith.ori %shift_left3A_432, %shift_right_logical3A_421 : vector<16xi32>
      %swap3A_434 = arith.constant 6 : i32
      %swap3A_435 = arith.index_cast %swap3A_434 : i32 to index
      %swap3A_436 = arith.constant 16 : index
      %swap3A_437 = tpu.vector_load %arg7[%swap3A_435, %swap3A_436] {strides = array<i32>} : memref<512x128xi32, #tpu.memory_space<vmem>>, vector<16xi32>,
      tpu.vector_store %arg7[%swap3A_435, %swap3A_436], %or3A_433 {strides = array<i32>} : memref<512x128xi32, #tpu.memory_space<vmem>>, vector<16xi32>,
      %broadcast_in_dim3A_438 = vector.shape_cast %broadcast_in_dim3A_42 : vector<16xi32> to vector<16x1xi32>
      %gather3A_439 = vector.shape_cast %broadcast_in_dim3A_438 : vector<16x1xi32> to vector<16xi32>
      %gather3A_440 = tpu.dynamic_gather %get3A_59[%gather3A_439] in [0] : vector<16xi32>, vector<16xi32> -> vector<16xi32>
      %and3A_441 = arith.constant 3 : i32
      %and3A_442 = vector.broadcast %and3A_441 : i32 to vector<16xi32>
      %and3A_443 = arith.andi %gather3A_440, %and3A_442 : vector<16xi32>
      %shift_right_arithmetic3A_444 = arith.constant 2 : i32
      %shift_right_arithmetic3A_445 = vector.broadcast %shift_right_arithmetic3A_444 : i32 to vector<16xi32>
      %shift_right_arithmetic3A_446 = arith.shrsi %gather3A_440, %shift_right_arithmetic3A_445 : vector<16xi32>
      %shift_right_arithmetic3A_447 = arith.constant 8 : i32
      %shift_right_arithmetic3A_448 = vector.broadcast %shift_right_arithmetic3A_447 : i32 to vector<16xi32>
      %shift_right_arithmetic3A_449 = arith.shrsi %shift_right_arithmetic3A_446, %shift_right_arithmetic3A_448 : vector<16xi32>
      %shift_left3A_450 = arith.constant 6 : i32
      %shift_left3A_451 = vector.broadcast %shift_left3A_450 : i32 to vector<16xi32>
      %shift_left3A_452 = arith.shli %shift_right_arithmetic3A_449, %shift_left3A_451 : vector<16xi32>
      %and3A_453 = arith.constant 63 : i32
      %and3A_454 = vector.broadcast %and3A_453 : i32 to vector<16xi32>
      %and3A_455 = arith.andi %shift_right_arithmetic3A_446, %and3A_454 : vector<16xi32>
      %add3A_456 = arith.addi %shift_left3A_452, %and3A_455 : vector<16xi32>
      %shift_right_arithmetic3A_457 = arith.constant 6 : i32
      %shift_right_arithmetic3A_458 = vector.broadcast %shift_right_arithmetic3A_457 : i32 to vector<16xi32>
      %shift_right_arithmetic3A_459 = arith.shrsi %shift_right_arithmetic3A_446, %shift_right_arithmetic3A_458 : vector<16xi32>
      %and3A_460 = arith.constant 3 : i32
      %and3A_461 = vector.broadcast %and3A_460 : i32 to vector<16xi32>
      %and3A_462 = arith.andi %shift_right_arithmetic3A_459, %and3A_461 : vector<16xi32>
      %shift_left3A_463 = arith.constant 5 : i32
      %shift_left3A_464 = vector.broadcast %shift_left3A_463 : i32 to vector<16xi32>
      %shift_left3A_465 = arith.shli %and3A_462, %shift_left3A_464 : vector<16xi32>
      %add3A_466 = arith.addi %shift_left3A_465, %iota3A : vector<16xi32>
      %gather3A_467 = tpu.vector_load_idx %arg7[%add3A_456, %add3A_466] : memref<512x128xi32, #tpu.memory_space<vmem>>[vector<16xi32>, vector<16xi32>], vector<16xi32>,
      %add3A_468 = arith.constant 16 : i32
      %add3A_469 = vector.broadcast %add3A_468 : i32 to vector<16xi32>
      %add3A_470 = arith.addi %add3A_466, %add3A_469 : vector<16xi32>
      %gather3A_471 = tpu.vector_load_idx %arg7[%add3A_456, %add3A_470] : memref<512x128xi32, #tpu.memory_space<vmem>>[vector<16xi32>, vector<16xi32>], vector<16xi32>,
      %broadcast_in_dim3A_472 = vector.shape_cast %and3A_7 : vector<16xi32> to vector<16x1xi32>
      %gather3A_473 = vector.shape_cast %broadcast_in_dim3A_472 : vector<16x1xi32> to vector<16xi32>
      %gather3A_474 = tpu.dynamic_gather %gather3A_467[%gather3A_473] in [0] : vector<16xi32>, vector<16xi32> -> vector<16xi32>
      %broadcast_in_dim3A_475 = vector.shape_cast %and3A_7 : vector<16xi32> to vector<16x1xi32>
      %gather3A_476 = vector.shape_cast %broadcast_in_dim3A_475 : vector<16x1xi32> to vector<16xi32>
      %gather3A_477 = tpu.dynamic_gather %gather3A_471[%gather3A_476] in [0] : vector<16xi32>, vector<16xi32> -> vector<16xi32>
      %shift_right_logical3A_478 = arith.constant 30 : i32
      %shift_right_logical3A_479 = vector.broadcast %shift_right_logical3A_478 : i32 to vector<16xi32>
      %shift_right_logical3A_480 = arith.shrui %gather3A_474, %shift_right_logical3A_479 : vector<16xi32>
      %select_n3A_481 = arith.select %eq3A_9, %and3A_443, %shift_right_logical3A_480 : vector<16xi1>, vector<16xi32>
      %select_n3A_482 = arith.select %eq3A_9, %gather3A_474, %gather3A_477 : vector<16xi1>, vector<16xi32>
      %shift_right_logical3A_483 = arith.constant 30 : i32
      %shift_right_logical3A_484 = vector.broadcast %shift_right_logical3A_483 : i32 to vector<16xi32>
      %shift_right_logical3A_485 = arith.shrui %select_n3A_482, %shift_right_logical3A_484 : vector<16xi32>
      %shift_left3A_486 = arith.constant 2 : i32
      %shift_left3A_487 = vector.broadcast %shift_left3A_486 : i32 to vector<16xi32>
      %shift_left3A_488 = arith.shli %gather3A_467, %shift_left3A_487 : vector<16xi32>
      %or3A_489 = arith.ori %shift_left3A_488, %select_n3A_481 : vector<16xi32>
      %swap3A_490 = arith.constant 7 : i32
      %swap3A_491 = arith.index_cast %swap3A_490 : i32 to index
      %swap3A_492 = arith.constant 0 : index
      %swap3A_493 = tpu.vector_load %arg7[%swap3A_491, %swap3A_492] {strides = array<i32>} : memref<512x128xi32, #tpu.memory_space<vmem>>, vector<16xi32>,
      tpu.vector_store %arg7[%swap3A_491, %swap3A_492], %or3A_489 {strides = array<i32>} : memref<512x128xi32, #tpu.memory_space<vmem>>, vector<16xi32>,
      %shift_left3A_494 = arith.constant 2 : i32
      %shift_left3A_495 = vector.broadcast %shift_left3A_494 : i32 to vector<16xi32>
      %shift_left3A_496 = arith.shli %gather3A_471, %shift_left3A_495 : vector<16xi32>
      %or3A_497 = arith.ori %shift_left3A_496, %shift_right_logical3A_485 : vector<16xi32>
      %swap3A_498 = arith.constant 7 : i32
      %swap3A_499 = arith.index_cast %swap3A_498 : i32 to index
      %swap3A_500 = arith.constant 16 : index
      %swap3A_501 = tpu.vector_load %arg7[%swap3A_499, %swap3A_500] {strides = array<i32>} : memref<512x128xi32, #tpu.memory_space<vmem>>, vector<16xi32>,
      tpu.vector_store %arg7[%swap3A_499, %swap3A_500], %or3A_497 {strides = array<i32>} : memref<512x128xi32, #tpu.memory_space<vmem>>, vector<16xi32>,
      %broadcast_in_dim3A_502 = vector.shape_cast %broadcast_in_dim3A_44 : vector<16xi32> to vector<16x1xi32>
      %gather3A_503 = vector.shape_cast %broadcast_in_dim3A_502 : vector<16x1xi32> to vector<16xi32>
      %gather3A_504 = tpu.dynamic_gather %get3A_59[%gather3A_503] in [0] : vector<16xi32>, vector<16xi32> -> vector<16xi32>
      %and3A_505 = arith.constant 3 : i32
      %and3A_506 = vector.broadcast %and3A_505 : i32 to vector<16xi32>
      %and3A_507 = arith.andi %gather3A_504, %and3A_506 : vector<16xi32>
      %shift_right_arithmetic3A_508 = arith.constant 2 : i32
      %shift_right_arithmetic3A_509 = vector.broadcast %shift_right_arithmetic3A_508 : i32 to vector<16xi32>
      %shift_right_arithmetic3A_510 = arith.shrsi %gather3A_504, %shift_right_arithmetic3A_509 : vector<16xi32>
      %shift_right_arithmetic3A_511 = arith.constant 8 : i32
      %shift_right_arithmetic3A_512 = vector.broadcast %shift_right_arithmetic3A_511 : i32 to vector<16xi32>
      %shift_right_arithmetic3A_513 = arith.shrsi %shift_right_arithmetic3A_510, %shift_right_arithmetic3A_512 : vector<16xi32>
      %shift_left3A_514 = arith.constant 6 : i32
      %shift_left3A_515 = vector.broadcast %shift_left3A_514 : i32 to vector<16xi32>
      %shift_left3A_516 = arith.shli %shift_right_arithmetic3A_513, %shift_left3A_515 : vector<16xi32>
      %and3A_517 = arith.constant 63 : i32
      %and3A_518 = vector.broadcast %and3A_517 : i32 to vector<16xi32>
      %and3A_519 = arith.andi %shift_right_arithmetic3A_510, %and3A_518 : vector<16xi32>
      %add3A_520 = arith.addi %shift_left3A_516, %and3A_519 : vector<16xi32>
      %shift_right_arithmetic3A_521 = arith.constant 6 : i32
      %shift_right_arithmetic3A_522 = vector.broadcast %shift_right_arithmetic3A_521 : i32 to vector<16xi32>
      %shift_right_arithmetic3A_523 = arith.shrsi %shift_right_arithmetic3A_510, %shift_right_arithmetic3A_522 : vector<16xi32>
      %and3A_524 = arith.constant 3 : i32
      %and3A_525 = vector.broadcast %and3A_524 : i32 to vector<16xi32>
      %and3A_526 = arith.andi %shift_right_arithmetic3A_523, %and3A_525 : vector<16xi32>
      %shift_left3A_527 = arith.constant 5 : i32
      %shift_left3A_528 = vector.broadcast %shift_left3A_527 : i32 to vector<16xi32>
      %shift_left3A_529 = arith.shli %and3A_526, %shift_left3A_528 : vector<16xi32>
      %add3A_530 = arith.addi %shift_left3A_529, %iota3A : vector<16xi32>
      %gather3A_531 = tpu.vector_load_idx %arg7[%add3A_520, %add3A_530] : memref<512x128xi32, #tpu.memory_space<vmem>>[vector<16xi32>, vector<16xi32>], vector<16xi32>,
      %add3A_532 = arith.constant 16 : i32
      %add3A_533 = vector.broadcast %add3A_532 : i32 to vector<16xi32>
      %add3A_534 = arith.addi %add3A_530, %add3A_533 : vector<16xi32>
      %gather3A_535 = tpu.vector_load_idx %arg7[%add3A_520, %add3A_534] : memref<512x128xi32, #tpu.memory_space<vmem>>[vector<16xi32>, vector<16xi32>], vector<16xi32>,
      %broadcast_in_dim3A_536 = vector.shape_cast %and3A_7 : vector<16xi32> to vector<16x1xi32>
      %gather3A_537 = vector.shape_cast %broadcast_in_dim3A_536 : vector<16x1xi32> to vector<16xi32>
      %gather3A_538 = tpu.dynamic_gather %gather3A_531[%gather3A_537] in [0] : vector<16xi32>, vector<16xi32> -> vector<16xi32>
      %broadcast_in_dim3A_539 = vector.shape_cast %and3A_7 : vector<16xi32> to vector<16x1xi32>
      %gather3A_540 = vector.shape_cast %broadcast_in_dim3A_539 : vector<16x1xi32> to vector<16xi32>
      %gather3A_541 = tpu.dynamic_gather %gather3A_535[%gather3A_540] in [0] : vector<16xi32>, vector<16xi32> -> vector<16xi32>
      %shift_right_logical3A_542 = arith.constant 30 : i32
      %shift_right_logical3A_543 = vector.broadcast %shift_right_logical3A_542 : i32 to vector<16xi32>
      %shift_right_logical3A_544 = arith.shrui %gather3A_538, %shift_right_logical3A_543 : vector<16xi32>
      %select_n3A_545 = arith.select %eq3A_9, %and3A_507, %shift_right_logical3A_544 : vector<16xi1>, vector<16xi32>
      %select_n3A_546 = arith.select %eq3A_9, %gather3A_538, %gather3A_541 : vector<16xi1>, vector<16xi32>
      %shift_right_logical3A_547 = arith.constant 30 : i32
      %shift_right_logical3A_548 = vector.broadcast %shift_right_logical3A_547 : i32 to vector<16xi32>
      %shift_right_logical3A_549 = arith.shrui %select_n3A_546, %shift_right_logical3A_548 : vector<16xi32>
      %shift_left3A_550 = arith.constant 2 : i32
      %shift_left3A_551 = vector.broadcast %shift_left3A_550 : i32 to vector<16xi32>
      %shift_left3A_552 = arith.shli %gather3A_531, %shift_left3A_551 : vector<16xi32>
      %or3A_553 = arith.ori %shift_left3A_552, %select_n3A_545 : vector<16xi32>
      %swap3A_554 = arith.constant 8 : i32
      %swap3A_555 = arith.index_cast %swap3A_554 : i32 to index
      %swap3A_556 = arith.constant 0 : index
      %swap3A_557 = tpu.vector_load %arg7[%swap3A_555, %swap3A_556] {strides = array<i32>} : memref<512x128xi32, #tpu.memory_space<vmem>>, vector<16xi32>,
      tpu.vector_store %arg7[%swap3A_555, %swap3A_556], %or3A_553 {strides = array<i32>} : memref<512x128xi32, #tpu.memory_space<vmem>>, vector<16xi32>,
      %shift_left3A_558 = arith.constant 2 : i32
      %shift_left3A_559 = vector.broadcast %shift_left3A_558 : i32 to vector<16xi32>
      %shift_left3A_560 = arith.shli %gather3A_535, %shift_left3A_559 : vector<16xi32>
      %or3A_561 = arith.ori %shift_left3A_560, %shift_right_logical3A_549 : vector<16xi32>
      %swap3A_562 = arith.constant 8 : i32
      %swap3A_563 = arith.index_cast %swap3A_562 : i32 to index
      %swap3A_564 = arith.constant 16 : index
      %swap3A_565 = tpu.vector_load %arg7[%swap3A_563, %swap3A_564] {strides = array<i32>} : memref<512x128xi32, #tpu.memory_space<vmem>>, vector<16xi32>,
      tpu.vector_store %arg7[%swap3A_563, %swap3A_564], %or3A_561 {strides = array<i32>} : memref<512x128xi32, #tpu.memory_space<vmem>>, vector<16xi32>,
      %broadcast_in_dim3A_566 = vector.shape_cast %broadcast_in_dim3A_46 : vector<16xi32> to vector<16x1xi32>
      %gather3A_567 = vector.shape_cast %broadcast_in_dim3A_566 : vector<16x1xi32> to vector<16xi32>
      %gather3A_568 = tpu.dynamic_gather %get3A_59[%gather3A_567] in [0] : vector<16xi32>, vector<16xi32> -> vector<16xi32>
      %and3A_569 = arith.constant 3 : i32
      %and3A_570 = vector.broadcast %and3A_569 : i32 to vector<16xi32>
      %and3A_571 = arith.andi %gather3A_568, %and3A_570 : vector<16xi32>
      %shift_right_arithmetic3A_572 = arith.constant 2 : i32
      %shift_right_arithmetic3A_573 = vector.broadcast %shift_right_arithmetic3A_572 : i32 to vector<16xi32>
      %shift_right_arithmetic3A_574 = arith.shrsi %gather3A_568, %shift_right_arithmetic3A_573 : vector<16xi32>
      %shift_right_arithmetic3A_575 = arith.constant 8 : i32
      %shift_right_arithmetic3A_576 = vector.broadcast %shift_right_arithmetic3A_575 : i32 to vector<16xi32>
      %shift_right_arithmetic3A_577 = arith.shrsi %shift_right_arithmetic3A_574, %shift_right_arithmetic3A_576 : vector<16xi32>
      %shift_left3A_578 = arith.constant 6 : i32
      %shift_left3A_579 = vector.broadcast %shift_left3A_578 : i32 to vector<16xi32>
      %shift_left3A_580 = arith.shli %shift_right_arithmetic3A_577, %shift_left3A_579 : vector<16xi32>
      %and3A_581 = arith.constant 63 : i32
      %and3A_582 = vector.broadcast %and3A_581 : i32 to vector<16xi32>
      %and3A_583 = arith.andi %shift_right_arithmetic3A_574, %and3A_582 : vector<16xi32>
      %add3A_584 = arith.addi %shift_left3A_580, %and3A_583 : vector<16xi32>
      %shift_right_arithmetic3A_585 = arith.constant 6 : i32
      %shift_right_arithmetic3A_586 = vector.broadcast %shift_right_arithmetic3A_585 : i32 to vector<16xi32>
      %shift_right_arithmetic3A_587 = arith.shrsi %shift_right_arithmetic3A_574, %shift_right_arithmetic3A_586 : vector<16xi32>
      %and3A_588 = arith.constant 3 : i32
      %and3A_589 = vector.broadcast %and3A_588 : i32 to vector<16xi32>
      %and3A_590 = arith.andi %shift_right_arithmetic3A_587, %and3A_589 : vector<16xi32>
      %shift_left3A_591 = arith.constant 5 : i32
      %shift_left3A_592 = vector.broadcast %shift_left3A_591 : i32 to vector<16xi32>
      %shift_left3A_593 = arith.shli %and3A_590, %shift_left3A_592 : vector<16xi32>
      %add3A_594 = arith.addi %shift_left3A_593, %iota3A : vector<16xi32>
      %gather3A_595 = tpu.vector_load_idx %arg7[%add3A_584, %add3A_594] : memref<512x128xi32, #tpu.memory_space<vmem>>[vector<16xi32>, vector<16xi32>], vector<16xi32>,
      %add3A_596 = arith.constant 16 : i32
      %add3A_597 = vector.broadcast %add3A_596 : i32 to vector<16xi32>
      %add3A_598 = arith.addi %add3A_594, %add3A_597 : vector<16xi32>
      %gather3A_599 = tpu.vector_load_idx %arg7[%add3A_584, %add3A_598] : memref<512x128xi32, #tpu.memory_space<vmem>>[vector<16xi32>, vector<16xi32>], vector<16xi32>,
      %broadcast_in_dim3A_600 = vector.shape_cast %and3A_7 : vector<16xi32> to vector<16x1xi32>
      %gather3A_601 = vector.shape_cast %broadcast_in_dim3A_600 : vector<16x1xi32> to vector<16xi32>
      %gather3A_602 = tpu.dynamic_gather %gather3A_595[%gather3A_601] in [0] : vector<16xi32>, vector<16xi32> -> vector<16xi32>
      %broadcast_in_dim3A_603 = vector.shape_cast %and3A_7 : vector<16xi32> to vector<16x1xi32>
      %gather3A_604 = vector.shape_cast %broadcast_in_dim3A_603 : vector<16x1xi32> to vector<16xi32>
      %gather3A_605 = tpu.dynamic_gather %gather3A_599[%gather3A_604] in [0] : vector<16xi32>, vector<16xi32> -> vector<16xi32>
      %shift_right_logical3A_606 = arith.constant 30 : i32
      %shift_right_logical3A_607 = vector.broadcast %shift_right_logical3A_606 : i32 to vector<16xi32>
      %shift_right_logical3A_608 = arith.shrui %gather3A_602, %shift_right_logical3A_607 : vector<16xi32>
      %select_n3A_609 = arith.select %eq3A_9, %and3A_571, %shift_right_logical3A_608 : vector<16xi1>, vector<16xi32>
      %select_n3A_610 = arith.select %eq3A_9, %gather3A_602, %gather3A_605 : vector<16xi1>, vector<16xi32>
      %shift_right_logical3A_611 = arith.constant 30 : i32
      %shift_right_logical3A_612 = vector.broadcast %shift_right_logical3A_611 : i32 to vector<16xi32>
      %shift_right_logical3A_613 = arith.shrui %select_n3A_610, %shift_right_logical3A_612 : vector<16xi32>
      %shift_left3A_614 = arith.constant 2 : i32
      %shift_left3A_615 = vector.broadcast %shift_left3A_614 : i32 to vector<16xi32>
      %shift_left3A_616 = arith.shli %gather3A_595, %shift_left3A_615 : vector<16xi32>
      %or3A_617 = arith.ori %shift_left3A_616, %select_n3A_609 : vector<16xi32>
      %swap3A_618 = arith.constant 9 : i32
      %swap3A_619 = arith.index_cast %swap3A_618 : i32 to index
      %swap3A_620 = arith.constant 0 : index
      %swap3A_621 = tpu.vector_load %arg7[%swap3A_619, %swap3A_620] {strides = array<i32>} : memref<512x128xi32, #tpu.memory_space<vmem>>, vector<16xi32>,
      tpu.vector_store %arg7[%swap3A_619, %swap3A_620], %or3A_617 {strides = array<i32>} : memref<512x128xi32, #tpu.memory_space<vmem>>, vector<16xi32>,
      %shift_left3A_622 = arith.constant 2 : i32
      %shift_left3A_623 = vector.broadcast %shift_left3A_622 : i32 to vector<16xi32>
      %shift_left3A_624 = arith.shli %gather3A_599, %shift_left3A_623 : vector<16xi32>
      %or3A_625 = arith.ori %shift_left3A_624, %shift_right_logical3A_613 : vector<16xi32>
      %swap3A_626 = arith.constant 9 : i32
      %swap3A_627 = arith.index_cast %swap3A_626 : i32 to index
      %swap3A_628 = arith.constant 16 : index
      %swap3A_629 = tpu.vector_load %arg7[%swap3A_627, %swap3A_628] {strides = array<i32>} : memref<512x128xi32, #tpu.memory_space<vmem>>, vector<16xi32>,
      tpu.vector_store %arg7[%swap3A_627, %swap3A_628], %or3A_625 {strides = array<i32>} : memref<512x128xi32, #tpu.memory_space<vmem>>, vector<16xi32>,
      %broadcast_in_dim3A_630 = vector.shape_cast %broadcast_in_dim3A_48 : vector<16xi32> to vector<16x1xi32>
      %gather3A_631 = vector.shape_cast %broadcast_in_dim3A_630 : vector<16x1xi32> to vector<16xi32>
      %gather3A_632 = tpu.dynamic_gather %get3A_59[%gather3A_631] in [0] : vector<16xi32>, vector<16xi32> -> vector<16xi32>
      %and3A_633 = arith.constant 3 : i32
      %and3A_634 = vector.broadcast %and3A_633 : i32 to vector<16xi32>
      %and3A_635 = arith.andi %gather3A_632, %and3A_634 : vector<16xi32>
      %shift_right_arithmetic3A_636 = arith.constant 2 : i32
      %shift_right_arithmetic3A_637 = vector.broadcast %shift_right_arithmetic3A_636 : i32 to vector<16xi32>
      %shift_right_arithmetic3A_638 = arith.shrsi %gather3A_632, %shift_right_arithmetic3A_637 : vector<16xi32>
      %shift_right_arithmetic3A_639 = arith.constant 8 : i32
      %shift_right_arithmetic3A_640 = vector.broadcast %shift_right_arithmetic3A_639 : i32 to vector<16xi32>
      %shift_right_arithmetic3A_641 = arith.shrsi %shift_right_arithmetic3A_638, %shift_right_arithmetic3A_640 : vector<16xi32>
      %shift_left3A_642 = arith.constant 6 : i32
      %shift_left3A_643 = vector.broadcast %shift_left3A_642 : i32 to vector<16xi32>
      %shift_left3A_644 = arith.shli %shift_right_arithmetic3A_641, %shift_left3A_643 : vector<16xi32>
      %and3A_645 = arith.constant 63 : i32
      %and3A_646 = vector.broadcast %and3A_645 : i32 to vector<16xi32>
      %and3A_647 = arith.andi %shift_right_arithmetic3A_638, %and3A_646 : vector<16xi32>
      %add3A_648 = arith.addi %shift_left3A_644, %and3A_647 : vector<16xi32>
      %shift_right_arithmetic3A_649 = arith.constant 6 : i32
      %shift_right_arithmetic3A_650 = vector.broadcast %shift_right_arithmetic3A_649 : i32 to vector<16xi32>
      %shift_right_arithmetic3A_651 = arith.shrsi %shift_right_arithmetic3A_638, %shift_right_arithmetic3A_650 : vector<16xi32>
      %and3A_652 = arith.constant 3 : i32
      %and3A_653 = vector.broadcast %and3A_652 : i32 to vector<16xi32>
      %and3A_654 = arith.andi %shift_right_arithmetic3A_651, %and3A_653 : vector<16xi32>
      %shift_left3A_655 = arith.constant 5 : i32
      %shift_left3A_656 = vector.broadcast %shift_left3A_655 : i32 to vector<16xi32>
      %shift_left3A_657 = arith.shli %and3A_654, %shift_left3A_656 : vector<16xi32>
      %add3A_658 = arith.addi %shift_left3A_657, %iota3A : vector<16xi32>
      %gather3A_659 = tpu.vector_load_idx %arg7[%add3A_648, %add3A_658] : memref<512x128xi32, #tpu.memory_space<vmem>>[vector<16xi32>, vector<16xi32>], vector<16xi32>,
      %add3A_660 = arith.constant 16 : i32
      %add3A_661 = vector.broadcast %add3A_660 : i32 to vector<16xi32>
      %add3A_662 = arith.addi %add3A_658, %add3A_661 : vector<16xi32>
      %gather3A_663 = tpu.vector_load_idx %arg7[%add3A_648, %add3A_662] : memref<512x128xi32, #tpu.memory_space<vmem>>[vector<16xi32>, vector<16xi32>], vector<16xi32>,
      %broadcast_in_dim3A_664 = vector.shape_cast %and3A_7 : vector<16xi32> to vector<16x1xi32>
      %gather3A_665 = vector.shape_cast %broadcast_in_dim3A_664 : vector<16x1xi32> to vector<16xi32>
      %gather3A_666 = tpu.dynamic_gather %gather3A_659[%gather3A_665] in [0] : vector<16xi32>, vector<16xi32> -> vector<16xi32>
      %broadcast_in_dim3A_667 = vector.shape_cast %and3A_7 : vector<16xi32> to vector<16x1xi32>
      %gather3A_668 = vector.shape_cast %broadcast_in_dim3A_667 : vector<16x1xi32> to vector<16xi32>
      %gather3A_669 = tpu.dynamic_gather %gather3A_663[%gather3A_668] in [0] : vector<16xi32>, vector<16xi32> -> vector<16xi32>
      %shift_right_logical3A_670 = arith.constant 30 : i32
      %shift_right_logical3A_671 = vector.broadcast %shift_right_logical3A_670 : i32 to vector<16xi32>
      %shift_right_logical3A_672 = arith.shrui %gather3A_666, %shift_right_logical3A_671 : vector<16xi32>
      %select_n3A_673 = arith.select %eq3A_9, %and3A_635, %shift_right_logical3A_672 : vector<16xi1>, vector<16xi32>
      %select_n3A_674 = arith.select %eq3A_9, %gather3A_666, %gather3A_669 : vector<16xi1>, vector<16xi32>
      %shift_right_logical3A_675 = arith.constant 30 : i32
      %shift_right_logical3A_676 = vector.broadcast %shift_right_logical3A_675 : i32 to vector<16xi32>
      %shift_right_logical3A_677 = arith.shrui %select_n3A_674, %shift_right_logical3A_676 : vector<16xi32>
      %shift_left3A_678 = arith.constant 2 : i32
      %shift_left3A_679 = vector.broadcast %shift_left3A_678 : i32 to vector<16xi32>
      %shift_left3A_680 = arith.shli %gather3A_659, %shift_left3A_679 : vector<16xi32>
      %or3A_681 = arith.ori %shift_left3A_680, %select_n3A_673 : vector<16xi32>
      %swap3A_682 = arith.constant 10 : i32
      %swap3A_683 = arith.index_cast %swap3A_682 : i32 to index
      %swap3A_684 = arith.constant 0 : index
      %swap3A_685 = tpu.vector_load %arg7[%swap3A_683, %swap3A_684] {strides = array<i32>} : memref<512x128xi32, #tpu.memory_space<vmem>>, vector<16xi32>,
      tpu.vector_store %arg7[%swap3A_683, %swap3A_684], %or3A_681 {strides = array<i32>} : memref<512x128xi32, #tpu.memory_space<vmem>>, vector<16xi32>,
      %shift_left3A_686 = arith.constant 2 : i32
      %shift_left3A_687 = vector.broadcast %shift_left3A_686 : i32 to vector<16xi32>
      %shift_left3A_688 = arith.shli %gather3A_663, %shift_left3A_687 : vector<16xi32>
      %or3A_689 = arith.ori %shift_left3A_688, %shift_right_logical3A_677 : vector<16xi32>
      %swap3A_690 = arith.constant 10 : i32
      %swap3A_691 = arith.index_cast %swap3A_690 : i32 to index
      %swap3A_692 = arith.constant 16 : index
      %swap3A_693 = tpu.vector_load %arg7[%swap3A_691, %swap3A_692] {strides = array<i32>} : memref<512x128xi32, #tpu.memory_space<vmem>>, vector<16xi32>,
      tpu.vector_store %arg7[%swap3A_691, %swap3A_692], %or3A_689 {strides = array<i32>} : memref<512x128xi32, #tpu.memory_space<vmem>>, vector<16xi32>,
      %broadcast_in_dim3A_694 = vector.shape_cast %broadcast_in_dim3A_50 : vector<16xi32> to vector<16x1xi32>
      %gather3A_695 = vector.shape_cast %broadcast_in_dim3A_694 : vector<16x1xi32> to vector<16xi32>
      %gather3A_696 = tpu.dynamic_gather %get3A_59[%gather3A_695] in [0] : vector<16xi32>, vector<16xi32> -> vector<16xi32>
      %and3A_697 = arith.constant 3 : i32
      %and3A_698 = vector.broadcast %and3A_697 : i32 to vector<16xi32>
      %and3A_699 = arith.andi %gather3A_696, %and3A_698 : vector<16xi32>
      %shift_right_arithmetic3A_700 = arith.constant 2 : i32
      %shift_right_arithmetic3A_701 = vector.broadcast %shift_right_arithmetic3A_700 : i32 to vector<16xi32>
      %shift_right_arithmetic3A_702 = arith.shrsi %gather3A_696, %shift_right_arithmetic3A_701 : vector<16xi32>
      %shift_right_arithmetic3A_703 = arith.constant 8 : i32
      %shift_right_arithmetic3A_704 = vector.broadcast %shift_right_arithmetic3A_703 : i32 to vector<16xi32>
      %shift_right_arithmetic3A_705 = arith.shrsi %shift_right_arithmetic3A_702, %shift_right_arithmetic3A_704 : vector<16xi32>
      %shift_left3A_706 = arith.constant 6 : i32
      %shift_left3A_707 = vector.broadcast %shift_left3A_706 : i32 to vector<16xi32>
      %shift_left3A_708 = arith.shli %shift_right_arithmetic3A_705, %shift_left3A_707 : vector<16xi32>
      %and3A_709 = arith.constant 63 : i32
      %and3A_710 = vector.broadcast %and3A_709 : i32 to vector<16xi32>
      %and3A_711 = arith.andi %shift_right_arithmetic3A_702, %and3A_710 : vector<16xi32>
      %add3A_712 = arith.addi %shift_left3A_708, %and3A_711 : vector<16xi32>
      %shift_right_arithmetic3A_713 = arith.constant 6 : i32
      %shift_right_arithmetic3A_714 = vector.broadcast %shift_right_arithmetic3A_713 : i32 to vector<16xi32>
      %shift_right_arithmetic3A_715 = arith.shrsi %shift_right_arithmetic3A_702, %shift_right_arithmetic3A_714 : vector<16xi32>
      %and3A_716 = arith.constant 3 : i32
      %and3A_717 = vector.broadcast %and3A_716 : i32 to vector<16xi32>
      %and3A_718 = arith.andi %shift_right_arithmetic3A_715, %and3A_717 : vector<16xi32>
      %shift_left3A_719 = arith.constant 5 : i32
      %shift_left3A_720 = vector.broadcast %shift_left3A_719 : i32 to vector<16xi32>
      %shift_left3A_721 = arith.shli %and3A_718, %shift_left3A_720 : vector<16xi32>
      %add3A_722 = arith.addi %shift_left3A_721, %iota3A : vector<16xi32>
      %gather3A_723 = tpu.vector_load_idx %arg7[%add3A_712, %add3A_722] : memref<512x128xi32, #tpu.memory_space<vmem>>[vector<16xi32>, vector<16xi32>], vector<16xi32>,
      %add3A_724 = arith.constant 16 : i32
      %add3A_725 = vector.broadcast %add3A_724 : i32 to vector<16xi32>
      %add3A_726 = arith.addi %add3A_722, %add3A_725 : vector<16xi32>
      %gather3A_727 = tpu.vector_load_idx %arg7[%add3A_712, %add3A_726] : memref<512x128xi32, #tpu.memory_space<vmem>>[vector<16xi32>, vector<16xi32>], vector<16xi32>,
      %broadcast_in_dim3A_728 = vector.shape_cast %and3A_7 : vector<16xi32> to vector<16x1xi32>
      %gather3A_729 = vector.shape_cast %broadcast_in_dim3A_728 : vector<16x1xi32> to vector<16xi32>
      %gather3A_730 = tpu.dynamic_gather %gather3A_723[%gather3A_729] in [0] : vector<16xi32>, vector<16xi32> -> vector<16xi32>
      %broadcast_in_dim3A_731 = vector.shape_cast %and3A_7 : vector<16xi32> to vector<16x1xi32>
      %gather3A_732 = vector.shape_cast %broadcast_in_dim3A_731 : vector<16x1xi32> to vector<16xi32>
      %gather3A_733 = tpu.dynamic_gather %gather3A_727[%gather3A_732] in [0] : vector<16xi32>, vector<16xi32> -> vector<16xi32>
      %shift_right_logical3A_734 = arith.constant 30 : i32
      %shift_right_logical3A_735 = vector.broadcast %shift_right_logical3A_734 : i32 to vector<16xi32>
      %shift_right_logical3A_736 = arith.shrui %gather3A_730, %shift_right_logical3A_735 : vector<16xi32>
      %select_n3A_737 = arith.select %eq3A_9, %and3A_699, %shift_right_logical3A_736 : vector<16xi1>, vector<16xi32>
      %select_n3A_738 = arith.select %eq3A_9, %gather3A_730, %gather3A_733 : vector<16xi1>, vector<16xi32>
      %shift_right_logical3A_739 = arith.constant 30 : i32
      %shift_right_logical3A_740 = vector.broadcast %shift_right_logical3A_739 : i32 to vector<16xi32>
      %shift_right_logical3A_741 = arith.shrui %select_n3A_738, %shift_right_logical3A_740 : vector<16xi32>
      %shift_left3A_742 = arith.constant 2 : i32
      %shift_left3A_743 = vector.broadcast %shift_left3A_742 : i32 to vector<16xi32>
      %shift_left3A_744 = arith.shli %gather3A_723, %shift_left3A_743 : vector<16xi32>
      %or3A_745 = arith.ori %shift_left3A_744, %select_n3A_737 : vector<16xi32>
      %swap3A_746 = arith.constant 11 : i32
      %swap3A_747 = arith.index_cast %swap3A_746 : i32 to index
      %swap3A_748 = arith.constant 0 : index
      %swap3A_749 = tpu.vector_load %arg7[%swap3A_747, %swap3A_748] {strides = array<i32>} : memref<512x128xi32, #tpu.memory_space<vmem>>, vector<16xi32>,
      tpu.vector_store %arg7[%swap3A_747, %swap3A_748], %or3A_745 {strides = array<i32>} : memref<512x128xi32, #tpu.memory_space<vmem>>, vector<16xi32>,
      %shift_left3A_750 = arith.constant 2 : i32
      %shift_left3A_751 = vector.broadcast %shift_left3A_750 : i32 to vector<16xi32>
      %shift_left3A_752 = arith.shli %gather3A_727, %shift_left3A_751 : vector<16xi32>
      %or3A_753 = arith.ori %shift_left3A_752, %shift_right_logical3A_741 : vector<16xi32>
      %swap3A_754 = arith.constant 11 : i32
      %swap3A_755 = arith.index_cast %swap3A_754 : i32 to index
      %swap3A_756 = arith.constant 16 : index
      %swap3A_757 = tpu.vector_load %arg7[%swap3A_755, %swap3A_756] {strides = array<i32>} : memref<512x128xi32, #tpu.memory_space<vmem>>, vector<16xi32>,
      tpu.vector_store %arg7[%swap3A_755, %swap3A_756], %or3A_753 {strides = array<i32>} : memref<512x128xi32, #tpu.memory_space<vmem>>, vector<16xi32>,
      %broadcast_in_dim3A_758 = vector.shape_cast %broadcast_in_dim3A_52 : vector<16xi32> to vector<16x1xi32>
      %gather3A_759 = vector.shape_cast %broadcast_in_dim3A_758 : vector<16x1xi32> to vector<16xi32>
      %gather3A_760 = tpu.dynamic_gather %get3A_59[%gather3A_759] in [0] : vector<16xi32>, vector<16xi32> -> vector<16xi32>
      %and3A_761 = arith.constant 3 : i32
      %and3A_762 = vector.broadcast %and3A_761 : i32 to vector<16xi32>
      %and3A_763 = arith.andi %gather3A_760, %and3A_762 : vector<16xi32>
      %shift_right_arithmetic3A_764 = arith.constant 2 : i32
      %shift_right_arithmetic3A_765 = vector.broadcast %shift_right_arithmetic3A_764 : i32 to vector<16xi32>
      %shift_right_arithmetic3A_766 = arith.shrsi %gather3A_760, %shift_right_arithmetic3A_765 : vector<16xi32>
      %shift_right_arithmetic3A_767 = arith.constant 8 : i32
      %shift_right_arithmetic3A_768 = vector.broadcast %shift_right_arithmetic3A_767 : i32 to vector<16xi32>
      %shift_right_arithmetic3A_769 = arith.shrsi %shift_right_arithmetic3A_766, %shift_right_arithmetic3A_768 : vector<16xi32>
      %shift_left3A_770 = arith.constant 6 : i32
      %shift_left3A_771 = vector.broadcast %shift_left3A_770 : i32 to vector<16xi32>
      %shift_left3A_772 = arith.shli %shift_right_arithmetic3A_769, %shift_left3A_771 : vector<16xi32>
      %and3A_773 = arith.constant 63 : i32
      %and3A_774 = vector.broadcast %and3A_773 : i32 to vector<16xi32>
      %and3A_775 = arith.andi %shift_right_arithmetic3A_766, %and3A_774 : vector<16xi32>
      %add3A_776 = arith.addi %shift_left3A_772, %and3A_775 : vector<16xi32>
      %shift_right_arithmetic3A_777 = arith.constant 6 : i32
      %shift_right_arithmetic3A_778 = vector.broadcast %shift_right_arithmetic3A_777 : i32 to vector<16xi32>
      %shift_right_arithmetic3A_779 = arith.shrsi %shift_right_arithmetic3A_766, %shift_right_arithmetic3A_778 : vector<16xi32>
      %and3A_780 = arith.constant 3 : i32
      %and3A_781 = vector.broadcast %and3A_780 : i32 to vector<16xi32>
      %and3A_782 = arith.andi %shift_right_arithmetic3A_779, %and3A_781 : vector<16xi32>
      %shift_left3A_783 = arith.constant 5 : i32
      %shift_left3A_784 = vector.broadcast %shift_left3A_783 : i32 to vector<16xi32>
      %shift_left3A_785 = arith.shli %and3A_782, %shift_left3A_784 : vector<16xi32>
      %add3A_786 = arith.addi %shift_left3A_785, %iota3A : vector<16xi32>
      %gather3A_787 = tpu.vector_load_idx %arg7[%add3A_776, %add3A_786] : memref<512x128xi32, #tpu.memory_space<vmem>>[vector<16xi32>, vector<16xi32>], vector<16xi32>,
      %add3A_788 = arith.constant 16 : i32
      %add3A_789 = vector.broadcast %add3A_788 : i32 to vector<16xi32>
      %add3A_790 = arith.addi %add3A_786, %add3A_789 : vector<16xi32>
      %gather3A_791 = tpu.vector_load_idx %arg7[%add3A_776, %add3A_790] : memref<512x128xi32, #tpu.memory_space<vmem>>[vector<16xi32>, vector<16xi32>], vector<16xi32>,
      %broadcast_in_dim3A_792 = vector.shape_cast %and3A_7 : vector<16xi32> to vector<16x1xi32>
      %gather3A_793 = vector.shape_cast %broadcast_in_dim3A_792 : vector<16x1xi32> to vector<16xi32>
      %gather3A_794 = tpu.dynamic_gather %gather3A_787[%gather3A_793] in [0] : vector<16xi32>, vector<16xi32> -> vector<16xi32>
      %broadcast_in_dim3A_795 = vector.shape_cast %and3A_7 : vector<16xi32> to vector<16x1xi32>
      %gather3A_796 = vector.shape_cast %broadcast_in_dim3A_795 : vector<16x1xi32> to vector<16xi32>
      %gather3A_797 = tpu.dynamic_gather %gather3A_791[%gather3A_796] in [0] : vector<16xi32>, vector<16xi32> -> vector<16xi32>
      %shift_right_logical3A_798 = arith.constant 30 : i32
      %shift_right_logical3A_799 = vector.broadcast %shift_right_logical3A_798 : i32 to vector<16xi32>
      %shift_right_logical3A_800 = arith.shrui %gather3A_794, %shift_right_logical3A_799 : vector<16xi32>
      %select_n3A_801 = arith.select %eq3A_9, %and3A_763, %shift_right_logical3A_800 : vector<16xi1>, vector<16xi32>
      %select_n3A_802 = arith.select %eq3A_9, %gather3A_794, %gather3A_797 : vector<16xi1>, vector<16xi32>
      %shift_right_logical3A_803 = arith.constant 30 : i32
      %shift_right_logical3A_804 = vector.broadcast %shift_right_logical3A_803 : i32 to vector<16xi32>
      %shift_right_logical3A_805 = arith.shrui %select_n3A_802, %shift_right_logical3A_804 : vector<16xi32>
      %shift_left3A_806 = arith.constant 2 : i32
      %shift_left3A_807 = vector.broadcast %shift_left3A_806 : i32 to vector<16xi32>
      %shift_left3A_808 = arith.shli %gather3A_787, %shift_left3A_807 : vector<16xi32>
      %or3A_809 = arith.ori %shift_left3A_808, %select_n3A_801 : vector<16xi32>
      %swap3A_810 = arith.constant 12 : i32
      %swap3A_811 = arith.index_cast %swap3A_810 : i32 to index
      %swap3A_812 = arith.constant 0 : index
      %swap3A_813 = tpu.vector_load %arg7[%swap3A_811, %swap3A_812] {strides = array<i32>} : memref<512x128xi32, #tpu.memory_space<vmem>>, vector<16xi32>,
      tpu.vector_store %arg7[%swap3A_811, %swap3A_812], %or3A_809 {strides = array<i32>} : memref<512x128xi32, #tpu.memory_space<vmem>>, vector<16xi32>,
      %shift_left3A_814 = arith.constant 2 : i32
      %shift_left3A_815 = vector.broadcast %shift_left3A_814 : i32 to vector<16xi32>
      %shift_left3A_816 = arith.shli %gather3A_791, %shift_left3A_815 : vector<16xi32>
      %or3A_817 = arith.ori %shift_left3A_816, %shift_right_logical3A_805 : vector<16xi32>
      %swap3A_818 = arith.constant 12 : i32
      %swap3A_819 = arith.index_cast %swap3A_818 : i32 to index
      %swap3A_820 = arith.constant 16 : index
      %swap3A_821 = tpu.vector_load %arg7[%swap3A_819, %swap3A_820] {strides = array<i32>} : memref<512x128xi32, #tpu.memory_space<vmem>>, vector<16xi32>,
      tpu.vector_store %arg7[%swap3A_819, %swap3A_820], %or3A_817 {strides = array<i32>} : memref<512x128xi32, #tpu.memory_space<vmem>>, vector<16xi32>,
      %broadcast_in_dim3A_822 = vector.shape_cast %broadcast_in_dim3A_54 : vector<16xi32> to vector<16x1xi32>
      %gather3A_823 = vector.shape_cast %broadcast_in_dim3A_822 : vector<16x1xi32> to vector<16xi32>
      %gather3A_824 = tpu.dynamic_gather %get3A_59[%gather3A_823] in [0] : vector<16xi32>, vector<16xi32> -> vector<16xi32>
      %and3A_825 = arith.constant 3 : i32
      %and3A_826 = vector.broadcast %and3A_825 : i32 to vector<16xi32>
      %and3A_827 = arith.andi %gather3A_824, %and3A_826 : vector<16xi32>
      %shift_right_arithmetic3A_828 = arith.constant 2 : i32
      %shift_right_arithmetic3A_829 = vector.broadcast %shift_right_arithmetic3A_828 : i32 to vector<16xi32>
      %shift_right_arithmetic3A_830 = arith.shrsi %gather3A_824, %shift_right_arithmetic3A_829 : vector<16xi32>
      %shift_right_arithmetic3A_831 = arith.constant 8 : i32
      %shift_right_arithmetic3A_832 = vector.broadcast %shift_right_arithmetic3A_831 : i32 to vector<16xi32>
      %shift_right_arithmetic3A_833 = arith.shrsi %shift_right_arithmetic3A_830, %shift_right_arithmetic3A_832 : vector<16xi32>
      %shift_left3A_834 = arith.constant 6 : i32
      %shift_left3A_835 = vector.broadcast %shift_left3A_834 : i32 to vector<16xi32>
      %shift_left3A_836 = arith.shli %shift_right_arithmetic3A_833, %shift_left3A_835 : vector<16xi32>
      %and3A_837 = arith.constant 63 : i32
      %and3A_838 = vector.broadcast %and3A_837 : i32 to vector<16xi32>
      %and3A_839 = arith.andi %shift_right_arithmetic3A_830, %and3A_838 : vector<16xi32>
      %add3A_840 = arith.addi %shift_left3A_836, %and3A_839 : vector<16xi32>
      %shift_right_arithmetic3A_841 = arith.constant 6 : i32
      %shift_right_arithmetic3A_842 = vector.broadcast %shift_right_arithmetic3A_841 : i32 to vector<16xi32>
      %shift_right_arithmetic3A_843 = arith.shrsi %shift_right_arithmetic3A_830, %shift_right_arithmetic3A_842 : vector<16xi32>
      %and3A_844 = arith.constant 3 : i32
      %and3A_845 = vector.broadcast %and3A_844 : i32 to vector<16xi32>
      %and3A_846 = arith.andi %shift_right_arithmetic3A_843, %and3A_845 : vector<16xi32>
      %shift_left3A_847 = arith.constant 5 : i32
      %shift_left3A_848 = vector.broadcast %shift_left3A_847 : i32 to vector<16xi32>
      %shift_left3A_849 = arith.shli %and3A_846, %shift_left3A_848 : vector<16xi32>
      %add3A_850 = arith.addi %shift_left3A_849, %iota3A : vector<16xi32>
      %gather3A_851 = tpu.vector_load_idx %arg7[%add3A_840, %add3A_850] : memref<512x128xi32, #tpu.memory_space<vmem>>[vector<16xi32>, vector<16xi32>], vector<16xi32>,
      %add3A_852 = arith.constant 16 : i32
      %add3A_853 = vector.broadcast %add3A_852 : i32 to vector<16xi32>
      %add3A_854 = arith.addi %add3A_850, %add3A_853 : vector<16xi32>
      %gather3A_855 = tpu.vector_load_idx %arg7[%add3A_840, %add3A_854] : memref<512x128xi32, #tpu.memory_space<vmem>>[vector<16xi32>, vector<16xi32>], vector<16xi32>,
      %broadcast_in_dim3A_856 = vector.shape_cast %and3A_7 : vector<16xi32> to vector<16x1xi32>
      %gather3A_857 = vector.shape_cast %broadcast_in_dim3A_856 : vector<16x1xi32> to vector<16xi32>
      %gather3A_858 = tpu.dynamic_gather %gather3A_851[%gather3A_857] in [0] : vector<16xi32>, vector<16xi32> -> vector<16xi32>
      %broadcast_in_dim3A_859 = vector.shape_cast %and3A_7 : vector<16xi32> to vector<16x1xi32>
      %gather3A_860 = vector.shape_cast %broadcast_in_dim3A_859 : vector<16x1xi32> to vector<16xi32>
      %gather3A_861 = tpu.dynamic_gather %gather3A_855[%gather3A_860] in [0] : vector<16xi32>, vector<16xi32> -> vector<16xi32>
      %shift_right_logical3A_862 = arith.constant 30 : i32
      %shift_right_logical3A_863 = vector.broadcast %shift_right_logical3A_862 : i32 to vector<16xi32>
      %shift_right_logical3A_864 = arith.shrui %gather3A_858, %shift_right_logical3A_863 : vector<16xi32>
      %select_n3A_865 = arith.select %eq3A_9, %and3A_827, %shift_right_logical3A_864 : vector<16xi1>, vector<16xi32>
      %select_n3A_866 = arith.select %eq3A_9, %gather3A_858, %gather3A_861 : vector<16xi1>, vector<16xi32>
      %shift_right_logical3A_867 = arith.constant 30 : i32
      %shift_right_logical3A_868 = vector.broadcast %shift_right_logical3A_867 : i32 to vector<16xi32>
      %shift_right_logical3A_869 = arith.shrui %select_n3A_866, %shift_right_logical3A_868 : vector<16xi32>
      %shift_left3A_870 = arith.constant 2 : i32
      %shift_left3A_871 = vector.broadcast %shift_left3A_870 : i32 to vector<16xi32>
      %shift_left3A_872 = arith.shli %gather3A_851, %shift_left3A_871 : vector<16xi32>
      %or3A_873 = arith.ori %shift_left3A_872, %select_n3A_865 : vector<16xi32>
      %swap3A_874 = arith.constant 13 : i32
      %swap3A_875 = arith.index_cast %swap3A_874 : i32 to index
      %swap3A_876 = arith.constant 0 : index
      %swap3A_877 = tpu.vector_load %arg7[%swap3A_875, %swap3A_876] {strides = array<i32>} : memref<512x128xi32, #tpu.memory_space<vmem>>, vector<16xi32>,
      tpu.vector_store %arg7[%swap3A_875, %swap3A_876], %or3A_873 {strides = array<i32>} : memref<512x128xi32, #tpu.memory_space<vmem>>, vector<16xi32>,
      %shift_left3A_878 = arith.constant 2 : i32
      %shift_left3A_879 = vector.broadcast %shift_left3A_878 : i32 to vector<16xi32>
      %shift_left3A_880 = arith.shli %gather3A_855, %shift_left3A_879 : vector<16xi32>
      %or3A_881 = arith.ori %shift_left3A_880, %shift_right_logical3A_869 : vector<16xi32>
      %swap3A_882 = arith.constant 13 : i32
      %swap3A_883 = arith.index_cast %swap3A_882 : i32 to index
      %swap3A_884 = arith.constant 16 : index
      %swap3A_885 = tpu.vector_load %arg7[%swap3A_883, %swap3A_884] {strides = array<i32>} : memref<512x128xi32, #tpu.memory_space<vmem>>, vector<16xi32>,
      tpu.vector_store %arg7[%swap3A_883, %swap3A_884], %or3A_881 {strides = array<i32>} : memref<512x128xi32, #tpu.memory_space<vmem>>, vector<16xi32>,
      %broadcast_in_dim3A_886 = vector.shape_cast %broadcast_in_dim3A_56 : vector<16xi32> to vector<16x1xi32>
      %gather3A_887 = vector.shape_cast %broadcast_in_dim3A_886 : vector<16x1xi32> to vector<16xi32>
      %gather3A_888 = tpu.dynamic_gather %get3A_59[%gather3A_887] in [0] : vector<16xi32>, vector<16xi32> -> vector<16xi32>
      %and3A_889 = arith.constant 3 : i32
      %and3A_890 = vector.broadcast %and3A_889 : i32 to vector<16xi32>
      %and3A_891 = arith.andi %gather3A_888, %and3A_890 : vector<16xi32>
      %shift_right_arithmetic3A_892 = arith.constant 2 : i32
      %shift_right_arithmetic3A_893 = vector.broadcast %shift_right_arithmetic3A_892 : i32 to vector<16xi32>
      %shift_right_arithmetic3A_894 = arith.shrsi %gather3A_888, %shift_right_arithmetic3A_893 : vector<16xi32>
      %shift_right_arithmetic3A_895 = arith.constant 8 : i32
      %shift_right_arithmetic3A_896 = vector.broadcast %shift_right_arithmetic3A_895 : i32 to vector<16xi32>
      %shift_right_arithmetic3A_897 = arith.shrsi %shift_right_arithmetic3A_894, %shift_right_arithmetic3A_896 : vector<16xi32>
      %shift_left3A_898 = arith.constant 6 : i32
      %shift_left3A_899 = vector.broadcast %shift_left3A_898 : i32 to vector<16xi32>
      %shift_left3A_900 = arith.shli %shift_right_arithmetic3A_897, %shift_left3A_899 : vector<16xi32>
      %and3A_901 = arith.constant 63 : i32
      %and3A_902 = vector.broadcast %and3A_901 : i32 to vector<16xi32>
      %and3A_903 = arith.andi %shift_right_arithmetic3A_894, %and3A_902 : vector<16xi32>
      %add3A_904 = arith.addi %shift_left3A_900, %and3A_903 : vector<16xi32>
      %shift_right_arithmetic3A_905 = arith.constant 6 : i32
      %shift_right_arithmetic3A_906 = vector.broadcast %shift_right_arithmetic3A_905 : i32 to vector<16xi32>
      %shift_right_arithmetic3A_907 = arith.shrsi %shift_right_arithmetic3A_894, %shift_right_arithmetic3A_906 : vector<16xi32>
      %and3A_908 = arith.constant 3 : i32
      %and3A_909 = vector.broadcast %and3A_908 : i32 to vector<16xi32>
      %and3A_910 = arith.andi %shift_right_arithmetic3A_907, %and3A_909 : vector<16xi32>
      %shift_left3A_911 = arith.constant 5 : i32
      %shift_left3A_912 = vector.broadcast %shift_left3A_911 : i32 to vector<16xi32>
      %shift_left3A_913 = arith.shli %and3A_910, %shift_left3A_912 : vector<16xi32>
      %add3A_914 = arith.addi %shift_left3A_913, %iota3A : vector<16xi32>
      %gather3A_915 = tpu.vector_load_idx %arg7[%add3A_904, %add3A_914] : memref<512x128xi32, #tpu.memory_space<vmem>>[vector<16xi32>, vector<16xi32>], vector<16xi32>,
      %add3A_916 = arith.constant 16 : i32
      %add3A_917 = vector.broadcast %add3A_916 : i32 to vector<16xi32>
      %add3A_918 = arith.addi %add3A_914, %add3A_917 : vector<16xi32>
      %gather3A_919 = tpu.vector_load_idx %arg7[%add3A_904, %add3A_918] : memref<512x128xi32, #tpu.memory_space<vmem>>[vector<16xi32>, vector<16xi32>], vector<16xi32>,
      %broadcast_in_dim3A_920 = vector.shape_cast %and3A_7 : vector<16xi32> to vector<16x1xi32>
      %gather3A_921 = vector.shape_cast %broadcast_in_dim3A_920 : vector<16x1xi32> to vector<16xi32>
      %gather3A_922 = tpu.dynamic_gather %gather3A_915[%gather3A_921] in [0] : vector<16xi32>, vector<16xi32> -> vector<16xi32>
      %broadcast_in_dim3A_923 = vector.shape_cast %and3A_7 : vector<16xi32> to vector<16x1xi32>
      %gather3A_924 = vector.shape_cast %broadcast_in_dim3A_923 : vector<16x1xi32> to vector<16xi32>
      %gather3A_925 = tpu.dynamic_gather %gather3A_919[%gather3A_924] in [0] : vector<16xi32>, vector<16xi32> -> vector<16xi32>
      %shift_right_logical3A_926 = arith.constant 30 : i32
      %shift_right_logical3A_927 = vector.broadcast %shift_right_logical3A_926 : i32 to vector<16xi32>
      %shift_right_logical3A_928 = arith.shrui %gather3A_922, %shift_right_logical3A_927 : vector<16xi32>
      %select_n3A_929 = arith.select %eq3A_9, %and3A_891, %shift_right_logical3A_928 : vector<16xi1>, vector<16xi32>
      %select_n3A_930 = arith.select %eq3A_9, %gather3A_922, %gather3A_925 : vector<16xi1>, vector<16xi32>
      %shift_right_logical3A_931 = arith.constant 30 : i32
      %shift_right_logical3A_932 = vector.broadcast %shift_right_logical3A_931 : i32 to vector<16xi32>
      %shift_right_logical3A_933 = arith.shrui %select_n3A_930, %shift_right_logical3A_932 : vector<16xi32>
      %shift_left3A_934 = arith.constant 2 : i32
      %shift_left3A_935 = vector.broadcast %shift_left3A_934 : i32 to vector<16xi32>
      %shift_left3A_936 = arith.shli %gather3A_915, %shift_left3A_935 : vector<16xi32>
      %or3A_937 = arith.ori %shift_left3A_936, %select_n3A_929 : vector<16xi32>
      %swap3A_938 = arith.constant 14 : i32
      %swap3A_939 = arith.index_cast %swap3A_938 : i32 to index
      %swap3A_940 = arith.constant 0 : index
      %swap3A_941 = tpu.vector_load %arg7[%swap3A_939, %swap3A_940] {strides = array<i32>} : memref<512x128xi32, #tpu.memory_space<vmem>>, vector<16xi32>,
      tpu.vector_store %arg7[%swap3A_939, %swap3A_940], %or3A_937 {strides = array<i32>} : memref<512x128xi32, #tpu.memory_space<vmem>>, vector<16xi32>,
      %shift_left3A_942 = arith.constant 2 : i32
      %shift_left3A_943 = vector.broadcast %shift_left3A_942 : i32 to vector<16xi32>
      %shift_left3A_944 = arith.shli %gather3A_919, %shift_left3A_943 : vector<16xi32>
      %or3A_945 = arith.ori %shift_left3A_944, %shift_right_logical3A_933 : vector<16xi32>
      %swap3A_946 = arith.constant 14 : i32
      %swap3A_947 = arith.index_cast %swap3A_946 : i32 to index
      %swap3A_948 = arith.constant 16 : index
      %swap3A_949 = tpu.vector_load %arg7[%swap3A_947, %swap3A_948] {strides = array<i32>} : memref<512x128xi32, #tpu.memory_space<vmem>>, vector<16xi32>,
      tpu.vector_store %arg7[%swap3A_947, %swap3A_948], %or3A_945 {strides = array<i32>} : memref<512x128xi32, #tpu.memory_space<vmem>>, vector<16xi32>,
      %broadcast_in_dim3A_950 = vector.shape_cast %broadcast_in_dim3A_58 : vector<16xi32> to vector<16x1xi32>
      %gather3A_951 = vector.shape_cast %broadcast_in_dim3A_950 : vector<16x1xi32> to vector<16xi32>
      %gather3A_952 = tpu.dynamic_gather %get3A_59[%gather3A_951] in [0] : vector<16xi32>, vector<16xi32> -> vector<16xi32>
      %and3A_953 = arith.constant 3 : i32
      %and3A_954 = vector.broadcast %and3A_953 : i32 to vector<16xi32>
      %and3A_955 = arith.andi %gather3A_952, %and3A_954 : vector<16xi32>
      %shift_right_arithmetic3A_956 = arith.constant 2 : i32
      %shift_right_arithmetic3A_957 = vector.broadcast %shift_right_arithmetic3A_956 : i32 to vector<16xi32>
      %shift_right_arithmetic3A_958 = arith.shrsi %gather3A_952, %shift_right_arithmetic3A_957 : vector<16xi32>
      %shift_right_arithmetic3A_959 = arith.constant 8 : i32
      %shift_right_arithmetic3A_960 = vector.broadcast %shift_right_arithmetic3A_959 : i32 to vector<16xi32>
      %shift_right_arithmetic3A_961 = arith.shrsi %shift_right_arithmetic3A_958, %shift_right_arithmetic3A_960 : vector<16xi32>
      %shift_left3A_962 = arith.constant 6 : i32
      %shift_left3A_963 = vector.broadcast %shift_left3A_962 : i32 to vector<16xi32>
      %shift_left3A_964 = arith.shli %shift_right_arithmetic3A_961, %shift_left3A_963 : vector<16xi32>
      %and3A_965 = arith.constant 63 : i32
      %and3A_966 = vector.broadcast %and3A_965 : i32 to vector<16xi32>
      %and3A_967 = arith.andi %shift_right_arithmetic3A_958, %and3A_966 : vector<16xi32>
      %add3A_968 = arith.addi %shift_left3A_964, %and3A_967 : vector<16xi32>
      %shift_right_arithmetic3A_969 = arith.constant 6 : i32
      %shift_right_arithmetic3A_970 = vector.broadcast %shift_right_arithmetic3A_969 : i32 to vector<16xi32>
      %shift_right_arithmetic3A_971 = arith.shrsi %shift_right_arithmetic3A_958, %shift_right_arithmetic3A_970 : vector<16xi32>
      %and3A_972 = arith.constant 3 : i32
      %and3A_973 = vector.broadcast %and3A_972 : i32 to vector<16xi32>
      %and3A_974 = arith.andi %shift_right_arithmetic3A_971, %and3A_973 : vector<16xi32>
      %shift_left3A_975 = arith.constant 5 : i32
      %shift_left3A_976 = vector.broadcast %shift_left3A_975 : i32 to vector<16xi32>
      %shift_left3A_977 = arith.shli %and3A_974, %shift_left3A_976 : vector<16xi32>
      %add3A_978 = arith.addi %shift_left3A_977, %iota3A : vector<16xi32>
      %gather3A_979 = tpu.vector_load_idx %arg7[%add3A_968, %add3A_978] : memref<512x128xi32, #tpu.memory_space<vmem>>[vector<16xi32>, vector<16xi32>], vector<16xi32>,
      %add3A_980 = arith.constant 16 : i32
      %add3A_981 = vector.broadcast %add3A_980 : i32 to vector<16xi32>
      %add3A_982 = arith.addi %add3A_978, %add3A_981 : vector<16xi32>
      %gather3A_983 = tpu.vector_load_idx %arg7[%add3A_968, %add3A_982] : memref<512x128xi32, #tpu.memory_space<vmem>>[vector<16xi32>, vector<16xi32>], vector<16xi32>,
      %broadcast_in_dim3A_984 = vector.shape_cast %and3A_7 : vector<16xi32> to vector<16x1xi32>
      %gather3A_985 = vector.shape_cast %broadcast_in_dim3A_984 : vector<16x1xi32> to vector<16xi32>
      %gather3A_986 = tpu.dynamic_gather %gather3A_979[%gather3A_985] in [0] : vector<16xi32>, vector<16xi32> -> vector<16xi32>
      %broadcast_in_dim3A_987 = vector.shape_cast %and3A_7 : vector<16xi32> to vector<16x1xi32>
      %gather3A_988 = vector.shape_cast %broadcast_in_dim3A_987 : vector<16x1xi32> to vector<16xi32>
      %gather3A_989 = tpu.dynamic_gather %gather3A_983[%gather3A_988] in [0] : vector<16xi32>, vector<16xi32> -> vector<16xi32>
      %shift_right_logical3A_990 = arith.constant 30 : i32
      %shift_right_logical3A_991 = vector.broadcast %shift_right_logical3A_990 : i32 to vector<16xi32>
      %shift_right_logical3A_992 = arith.shrui %gather3A_986, %shift_right_logical3A_991 : vector<16xi32>
      %select_n3A_993 = arith.select %eq3A_9, %and3A_955, %shift_right_logical3A_992 : vector<16xi1>, vector<16xi32>
      %select_n3A_994 = arith.select %eq3A_9, %gather3A_986, %gather3A_989 : vector<16xi1>, vector<16xi32>
      %shift_right_logical3A_995 = arith.constant 30 : i32
      %shift_right_logical3A_996 = vector.broadcast %shift_right_logical3A_995 : i32 to vector<16xi32>
      %shift_right_logical3A_997 = arith.shrui %select_n3A_994, %shift_right_logical3A_996 : vector<16xi32>
      %shift_left3A_998 = arith.constant 2 : i32
      %shift_left3A_999 = vector.broadcast %shift_left3A_998 : i32 to vector<16xi32>
      %shift_left3A_1000 = arith.shli %gather3A_979, %shift_left3A_999 : vector<16xi32>
      %or3A_1001 = arith.ori %shift_left3A_1000, %select_n3A_993 : vector<16xi32>
      %swap3A_1002 = arith.constant 15 : i32
      %swap3A_1003 = arith.index_cast %swap3A_1002 : i32 to index
      %swap3A_1004 = arith.constant 0 : index
      %swap3A_1005 = tpu.vector_load %arg7[%swap3A_1003, %swap3A_1004] {strides = array<i32>} : memref<512x128xi32, #tpu.memory_space<vmem>>, vector<16xi32>,
      tpu.vector_store %arg7[%swap3A_1003, %swap3A_1004], %or3A_1001 {strides = array<i32>} : memref<512x128xi32, #tpu.memory_space<vmem>>, vector<16xi32>,
      %shift_left3A_1006 = arith.constant 2 : i32
      %shift_left3A_1007 = vector.broadcast %shift_left3A_1006 : i32 to vector<16xi32>
      %shift_left3A_1008 = arith.shli %gather3A_983, %shift_left3A_1007 : vector<16xi32>
      %or3A_1009 = arith.ori %shift_left3A_1008, %shift_right_logical3A_997 : vector<16xi32>
      %swap3A_1010 = arith.constant 15 : i32
      %swap3A_1011 = arith.index_cast %swap3A_1010 : i32 to index
      %swap3A_1012 = arith.constant 16 : index
      %swap3A_1013 = tpu.vector_load %arg7[%swap3A_1011, %swap3A_1012] {strides = array<i32>} : memref<512x128xi32, #tpu.memory_space<vmem>>, vector<16xi32>,
      tpu.vector_store %arg7[%swap3A_1011, %swap3A_1012], %or3A_1009 {strides = array<i32>} : memref<512x128xi32, #tpu.memory_space<vmem>>, vector<16xi32>,
      %scan3A_1014 = arith.constant 0 : i32
      %scan3A_1015 = arith.constant 127 : i32
      %scan3A_1016 = arith.addi %scan3A_1014, %scan3A_1015 : i32
      %scan3A_1017 = arith.constant 1 : i32
      scf.for %scan3A_1019 = %scan3A_1014 to %scan3A_1016 step %scan3A_1017  : i32 {
        %mul3A_1020 = arith.constant 1 : i32
        %mul3A_1021 = arith.muli %scan3A_1019, %mul3A_1020 : i32
        %add3A_1022 = arith.constant 1 : i32
        %add3A_1023 = arith.addi %add3A_1022, %mul3A_1021 : i32
        %mul3A_1024 = arith.constant 16 : i32
        %mul3A_1025 = arith.muli %mul3A_1024, %add3A_1023 : i32
        %get3A_1026 = arith.index_cast %mul3A_1025 : i32 to index
        %get3A_1027 = tpu.vector_load %arg6[%get3A_1026] {strides = array<i32>} : memref<2048xi32, #tpu.memory_space<vmem>>, vector<16xi32>,
        %mul3A_1028 = arith.constant 16 : i32
        %mul3A_1029 = arith.muli %mul3A_1028, %add3A_1023 : i32
        %add3A_1030 = arith.constant 0 : i32
        %add3A_1031 = arith.addi %mul3A_1029, %add3A_1030 : i32
        %broadcast_in_dim3A_1032 = vector.shape_cast %broadcast_in_dim3A_28 : vector<16xi32> to vector<16x1xi32>
        %gather3A_1033 = vector.shape_cast %broadcast_in_dim3A_1032 : vector<16x1xi32> to vector<16xi32>
        %gather3A_1034 = tpu.dynamic_gather %get3A_1027[%gather3A_1033] in [0] : vector<16xi32>, vector<16xi32> -> vector<16xi32>
        %and3A_1035 = arith.constant 3 : i32
        %and3A_1036 = vector.broadcast %and3A_1035 : i32 to vector<16xi32>
        %and3A_1037 = arith.andi %gather3A_1034, %and3A_1036 : vector<16xi32>
        %shift_right_arithmetic3A_1038 = arith.constant 2 : i32
        %shift_right_arithmetic3A_1039 = vector.broadcast %shift_right_arithmetic3A_1038 : i32 to vector<16xi32>
        %shift_right_arithmetic3A_1040 = arith.shrsi %gather3A_1034, %shift_right_arithmetic3A_1039 : vector<16xi32>
        %shift_right_arithmetic3A_1041 = arith.constant 8 : i32
        %shift_right_arithmetic3A_1042 = vector.broadcast %shift_right_arithmetic3A_1041 : i32 to vector<16xi32>
        %shift_right_arithmetic3A_1043 = arith.shrsi %shift_right_arithmetic3A_1040, %shift_right_arithmetic3A_1042 : vector<16xi32>
        %shift_left3A_1044 = arith.constant 6 : i32
        %shift_left3A_1045 = vector.broadcast %shift_left3A_1044 : i32 to vector<16xi32>
        %shift_left3A_1046 = arith.shli %shift_right_arithmetic3A_1043, %shift_left3A_1045 : vector<16xi32>
        %and3A_1047 = arith.constant 63 : i32
        %and3A_1048 = vector.broadcast %and3A_1047 : i32 to vector<16xi32>
        %and3A_1049 = arith.andi %shift_right_arithmetic3A_1040, %and3A_1048 : vector<16xi32>
        %add3A_1050 = arith.addi %shift_left3A_1046, %and3A_1049 : vector<16xi32>
        %shift_right_arithmetic3A_1051 = arith.constant 6 : i32
        %shift_right_arithmetic3A_1052 = vector.broadcast %shift_right_arithmetic3A_1051 : i32 to vector<16xi32>
        %shift_right_arithmetic3A_1053 = arith.shrsi %shift_right_arithmetic3A_1040, %shift_right_arithmetic3A_1052 : vector<16xi32>
        %and3A_1054 = arith.constant 3 : i32
        %and3A_1055 = vector.broadcast %and3A_1054 : i32 to vector<16xi32>
        %and3A_1056 = arith.andi %shift_right_arithmetic3A_1053, %and3A_1055 : vector<16xi32>
        %shift_left3A_1057 = arith.constant 5 : i32
        %shift_left3A_1058 = vector.broadcast %shift_left3A_1057 : i32 to vector<16xi32>
        %shift_left3A_1059 = arith.shli %and3A_1056, %shift_left3A_1058 : vector<16xi32>
        %add3A_1060 = arith.addi %shift_left3A_1059, %iota3A : vector<16xi32>
        %gather3A_1061 = tpu.vector_load_idx %arg7[%add3A_1050, %add3A_1060] : memref<512x128xi32, #tpu.memory_space<vmem>>[vector<16xi32>, vector<16xi32>], vector<16xi32>,
        %add3A_1062 = arith.constant 16 : i32
        %add3A_1063 = vector.broadcast %add3A_1062 : i32 to vector<16xi32>
        %add3A_1064 = arith.addi %add3A_1060, %add3A_1063 : vector<16xi32>
        %gather3A_1065 = tpu.vector_load_idx %arg7[%add3A_1050, %add3A_1064] : memref<512x128xi32, #tpu.memory_space<vmem>>[vector<16xi32>, vector<16xi32>], vector<16xi32>,
        %broadcast_in_dim3A_1066 = vector.shape_cast %and3A_7 : vector<16xi32> to vector<16x1xi32>
        %gather3A_1067 = vector.shape_cast %broadcast_in_dim3A_1066 : vector<16x1xi32> to vector<16xi32>
        %gather3A_1068 = tpu.dynamic_gather %gather3A_1061[%gather3A_1067] in [0] : vector<16xi32>, vector<16xi32> -> vector<16xi32>
        %broadcast_in_dim3A_1069 = vector.shape_cast %and3A_7 : vector<16xi32> to vector<16x1xi32>
        %gather3A_1070 = vector.shape_cast %broadcast_in_dim3A_1069 : vector<16x1xi32> to vector<16xi32>
        %gather3A_1071 = tpu.dynamic_gather %gather3A_1065[%gather3A_1070] in [0] : vector<16xi32>, vector<16xi32> -> vector<16xi32>
        %shift_right_logical3A_1072 = arith.constant 30 : i32
        %shift_right_logical3A_1073 = vector.broadcast %shift_right_logical3A_1072 : i32 to vector<16xi32>
        %shift_right_logical3A_1074 = arith.shrui %gather3A_1068, %shift_right_logical3A_1073 : vector<16xi32>
        %select_n3A_1075 = arith.select %eq3A_9, %and3A_1037, %shift_right_logical3A_1074 : vector<16xi1>, vector<16xi32>
        %select_n3A_1076 = arith.select %eq3A_9, %gather3A_1068, %gather3A_1071 : vector<16xi1>, vector<16xi32>
        %shift_right_logical3A_1077 = arith.constant 30 : i32
        %shift_right_logical3A_1078 = vector.broadcast %shift_right_logical3A_1077 : i32 to vector<16xi32>
        %shift_right_logical3A_1079 = arith.shrui %select_n3A_1076, %shift_right_logical3A_1078 : vector<16xi32>
        %shift_right_arithmetic3A_1080 = arith.constant 8 : i32
        %shift_right_arithmetic3A_1081 = arith.shrsi %add3A_1031, %shift_right_arithmetic3A_1080 : i32
        %shift_left3A_1082 = arith.constant 6 : i32
        %shift_left3A_1083 = arith.shli %shift_right_arithmetic3A_1081, %shift_left3A_1082 : i32
        %and3A_1084 = arith.constant 63 : i32
        %and3A_1085 = arith.andi %add3A_1031, %and3A_1084 : i32
        %add3A_1086 = arith.addi %shift_left3A_1083, %and3A_1085 : i32
        %shift_right_arithmetic3A_1087 = arith.constant 6 : i32
        %shift_right_arithmetic3A_1088 = arith.shrsi %add3A_1031, %shift_right_arithmetic3A_1087 : i32
        %and3A_1089 = arith.constant 3 : i32
        %and3A_1090 = arith.andi %shift_right_arithmetic3A_1088, %and3A_1089 : i32
        %shift_left3A_1091 = arith.constant 5 : i32
        %shift_left3A_1092 = arith.shli %and3A_1090, %shift_left3A_1091 : i32
        %shift_left3A_1093 = arith.constant 2 : i32
        %shift_left3A_1094 = vector.broadcast %shift_left3A_1093 : i32 to vector<16xi32>
        %shift_left3A_1095 = arith.shli %gather3A_1061, %shift_left3A_1094 : vector<16xi32>
        %or3A_1096 = arith.ori %shift_left3A_1095, %select_n3A_1075 : vector<16xi32>
        %swap3A_1097 = arith.index_cast %add3A_1086 : i32 to index
        %swap3A_1098 = arith.index_cast %shift_left3A_1092 : i32 to index
        %swap3A_1099 = tpu.vector_load %arg7[%swap3A_1097, %swap3A_1098] {strides = array<i32>} : memref<512x128xi32, #tpu.memory_space<vmem>>, vector<16xi32>,
        tpu.vector_store %arg7[%swap3A_1097, %swap3A_1098], %or3A_1096 {strides = array<i32>} : memref<512x128xi32, #tpu.memory_space<vmem>>, vector<16xi32>,
        %shift_left3A_1100 = arith.constant 2 : i32
        %shift_left3A_1101 = vector.broadcast %shift_left3A_1100 : i32 to vector<16xi32>
        %shift_left3A_1102 = arith.shli %gather3A_1065, %shift_left3A_1101 : vector<16xi32>
        %or3A_1103 = arith.ori %shift_left3A_1102, %shift_right_logical3A_1079 : vector<16xi32>
        %add3A_1104 = arith.constant 16 : i32
        %add3A_1105 = arith.addi %shift_left3A_1092, %add3A_1104 : i32
        %swap3A_1106 = arith.index_cast %add3A_1086 : i32 to index
        %swap3A_1107 = arith.index_cast %add3A_1105 : i32 to index
        %swap3A_1108 = tpu.vector_load %arg7[%swap3A_1106, %swap3A_1107] {strides = array<i32>} : memref<512x128xi32, #tpu.memory_space<vmem>>, vector<16xi32>,
        tpu.vector_store %arg7[%swap3A_1106, %swap3A_1107], %or3A_1103 {strides = array<i32>} : memref<512x128xi32, #tpu.memory_space<vmem>>, vector<16xi32>,
        %mul3A_1109 = arith.constant 16 : i32
        %mul3A_1110 = arith.muli %mul3A_1109, %add3A_1023 : i32
        %add3A_1111 = arith.constant 1 : i32
        %add3A_1112 = arith.addi %mul3A_1110, %add3A_1111 : i32
        %broadcast_in_dim3A_1113 = vector.shape_cast %broadcast_in_dim3A_30 : vector<16xi32> to vector<16x1xi32>
        %gather3A_1114 = vector.shape_cast %broadcast_in_dim3A_1113 : vector<16x1xi32> to vector<16xi32>
        %gather3A_1115 = tpu.dynamic_gather %get3A_1027[%gather3A_1114] in [0] : vector<16xi32>, vector<16xi32> -> vector<16xi32>
        %and3A_1116 = arith.constant 3 : i32
        %and3A_1117 = vector.broadcast %and3A_1116 : i32 to vector<16xi32>
        %and3A_1118 = arith.andi %gather3A_1115, %and3A_1117 : vector<16xi32>
        %shift_right_arithmetic3A_1119 = arith.constant 2 : i32
        %shift_right_arithmetic3A_1120 = vector.broadcast %shift_right_arithmetic3A_1119 : i32 to vector<16xi32>
        %shift_right_arithmetic3A_1121 = arith.shrsi %gather3A_1115, %shift_right_arithmetic3A_1120 : vector<16xi32>
        %shift_right_arithmetic3A_1122 = arith.constant 8 : i32
        %shift_right_arithmetic3A_1123 = vector.broadcast %shift_right_arithmetic3A_1122 : i32 to vector<16xi32>
        %shift_right_arithmetic3A_1124 = arith.shrsi %shift_right_arithmetic3A_1121, %shift_right_arithmetic3A_1123 : vector<16xi32>
        %shift_left3A_1125 = arith.constant 6 : i32
        %shift_left3A_1126 = vector.broadcast %shift_left3A_1125 : i32 to vector<16xi32>
        %shift_left3A_1127 = arith.shli %shift_right_arithmetic3A_1124, %shift_left3A_1126 : vector<16xi32>
        %and3A_1128 = arith.constant 63 : i32
        %and3A_1129 = vector.broadcast %and3A_1128 : i32 to vector<16xi32>
        %and3A_1130 = arith.andi %shift_right_arithmetic3A_1121, %and3A_1129 : vector<16xi32>
        %add3A_1131 = arith.addi %shift_left3A_1127, %and3A_1130 : vector<16xi32>
        %shift_right_arithmetic3A_1132 = arith.constant 6 : i32
        %shift_right_arithmetic3A_1133 = vector.broadcast %shift_right_arithmetic3A_1132 : i32 to vector<16xi32>
        %shift_right_arithmetic3A_1134 = arith.shrsi %shift_right_arithmetic3A_1121, %shift_right_arithmetic3A_1133 : vector<16xi32>
        %and3A_1135 = arith.constant 3 : i32
        %and3A_1136 = vector.broadcast %and3A_1135 : i32 to vector<16xi32>
        %and3A_1137 = arith.andi %shift_right_arithmetic3A_1134, %and3A_1136 : vector<16xi32>
        %shift_left3A_1138 = arith.constant 5 : i32
        %shift_left3A_1139 = vector.broadcast %shift_left3A_1138 : i32 to vector<16xi32>
        %shift_left3A_1140 = arith.shli %and3A_1137, %shift_left3A_1139 : vector<16xi32>
        %add3A_1141 = arith.addi %shift_left3A_1140, %iota3A : vector<16xi32>
        %gather3A_1142 = tpu.vector_load_idx %arg7[%add3A_1131, %add3A_1141] : memref<512x128xi32, #tpu.memory_space<vmem>>[vector<16xi32>, vector<16xi32>], vector<16xi32>,
        %add3A_1143 = arith.constant 16 : i32
        %add3A_1144 = vector.broadcast %add3A_1143 : i32 to vector<16xi32>
        %add3A_1145 = arith.addi %add3A_1141, %add3A_1144 : vector<16xi32>
        %gather3A_1146 = tpu.vector_load_idx %arg7[%add3A_1131, %add3A_1145] : memref<512x128xi32, #tpu.memory_space<vmem>>[vector<16xi32>, vector<16xi32>], vector<16xi32>,
        %broadcast_in_dim3A_1147 = vector.shape_cast %and3A_7 : vector<16xi32> to vector<16x1xi32>
        %gather3A_1148 = vector.shape_cast %broadcast_in_dim3A_1147 : vector<16x1xi32> to vector<16xi32>
        %gather3A_1149 = tpu.dynamic_gather %gather3A_1142[%gather3A_1148] in [0] : vector<16xi32>, vector<16xi32> -> vector<16xi32>
        %broadcast_in_dim3A_1150 = vector.shape_cast %and3A_7 : vector<16xi32> to vector<16x1xi32>
        %gather3A_1151 = vector.shape_cast %broadcast_in_dim3A_1150 : vector<16x1xi32> to vector<16xi32>
        %gather3A_1152 = tpu.dynamic_gather %gather3A_1146[%gather3A_1151] in [0] : vector<16xi32>, vector<16xi32> -> vector<16xi32>
        %shift_right_logical3A_1153 = arith.constant 30 : i32
        %shift_right_logical3A_1154 = vector.broadcast %shift_right_logical3A_1153 : i32 to vector<16xi32>
        %shift_right_logical3A_1155 = arith.shrui %gather3A_1149, %shift_right_logical3A_1154 : vector<16xi32>
        %select_n3A_1156 = arith.select %eq3A_9, %and3A_1118, %shift_right_logical3A_1155 : vector<16xi1>, vector<16xi32>
        %select_n3A_1157 = arith.select %eq3A_9, %gather3A_1149, %gather3A_1152 : vector<16xi1>, vector<16xi32>
        %shift_right_logical3A_1158 = arith.constant 30 : i32
        %shift_right_logical3A_1159 = vector.broadcast %shift_right_logical3A_1158 : i32 to vector<16xi32>
        %shift_right_logical3A_1160 = arith.shrui %select_n3A_1157, %shift_right_logical3A_1159 : vector<16xi32>
        %shift_right_arithmetic3A_1161 = arith.constant 8 : i32
        %shift_right_arithmetic3A_1162 = arith.shrsi %add3A_1112, %shift_right_arithmetic3A_1161 : i32
        %shift_left3A_1163 = arith.constant 6 : i32
        %shift_left3A_1164 = arith.shli %shift_right_arithmetic3A_1162, %shift_left3A_1163 : i32
        %and3A_1165 = arith.constant 63 : i32
        %and3A_1166 = arith.andi %add3A_1112, %and3A_1165 : i32
        %add3A_1167 = arith.addi %shift_left3A_1164, %and3A_1166 : i32
        %shift_right_arithmetic3A_1168 = arith.constant 6 : i32
        %shift_right_arithmetic3A_1169 = arith.shrsi %add3A_1112, %shift_right_arithmetic3A_1168 : i32
        %and3A_1170 = arith.constant 3 : i32
        %and3A_1171 = arith.andi %shift_right_arithmetic3A_1169, %and3A_1170 : i32
        %shift_left3A_1172 = arith.constant 5 : i32
        %shift_left3A_1173 = arith.shli %and3A_1171, %shift_left3A_1172 : i32
        %shift_left3A_1174 = arith.constant 2 : i32
        %shift_left3A_1175 = vector.broadcast %shift_left3A_1174 : i32 to vector<16xi32>
        %shift_left3A_1176 = arith.shli %gather3A_1142, %shift_left3A_1175 : vector<16xi32>
        %or3A_1177 = arith.ori %shift_left3A_1176, %select_n3A_1156 : vector<16xi32>
        %swap3A_1178 = arith.index_cast %add3A_1167 : i32 to index
        %swap3A_1179 = arith.index_cast %shift_left3A_1173 : i32 to index
        %swap3A_1180 = tpu.vector_load %arg7[%swap3A_1178, %swap3A_1179] {strides = array<i32>} : memref<512x128xi32, #tpu.memory_space<vmem>>, vector<16xi32>,
        tpu.vector_store %arg7[%swap3A_1178, %swap3A_1179], %or3A_1177 {strides = array<i32>} : memref<512x128xi32, #tpu.memory_space<vmem>>, vector<16xi32>,
        %shift_left3A_1181 = arith.constant 2 : i32
        %shift_left3A_1182 = vector.broadcast %shift_left3A_1181 : i32 to vector<16xi32>
        %shift_left3A_1183 = arith.shli %gather3A_1146, %shift_left3A_1182 : vector<16xi32>
        %or3A_1184 = arith.ori %shift_left3A_1183, %shift_right_logical3A_1160 : vector<16xi32>
        %add3A_1185 = arith.constant 16 : i32
        %add3A_1186 = arith.addi %shift_left3A_1173, %add3A_1185 : i32
        %swap3A_1187 = arith.index_cast %add3A_1167 : i32 to index
        %swap3A_1188 = arith.index_cast %add3A_1186 : i32 to index
        %swap3A_1189 = tpu.vector_load %arg7[%swap3A_1187, %swap3A_1188] {strides = array<i32>} : memref<512x128xi32, #tpu.memory_space<vmem>>, vector<16xi32>,
        tpu.vector_store %arg7[%swap3A_1187, %swap3A_1188], %or3A_1184 {strides = array<i32>} : memref<512x128xi32, #tpu.memory_space<vmem>>, vector<16xi32>,
        %mul3A_1190 = arith.constant 16 : i32
        %mul3A_1191 = arith.muli %mul3A_1190, %add3A_1023 : i32
        %add3A_1192 = arith.constant 2 : i32
        %add3A_1193 = arith.addi %mul3A_1191, %add3A_1192 : i32
        %broadcast_in_dim3A_1194 = vector.shape_cast %broadcast_in_dim3A_32 : vector<16xi32> to vector<16x1xi32>
        %gather3A_1195 = vector.shape_cast %broadcast_in_dim3A_1194 : vector<16x1xi32> to vector<16xi32>
        %gather3A_1196 = tpu.dynamic_gather %get3A_1027[%gather3A_1195] in [0] : vector<16xi32>, vector<16xi32> -> vector<16xi32>
        %and3A_1197 = arith.constant 3 : i32
        %and3A_1198 = vector.broadcast %and3A_1197 : i32 to vector<16xi32>
        %and3A_1199 = arith.andi %gather3A_1196, %and3A_1198 : vector<16xi32>
        %shift_right_arithmetic3A_1200 = arith.constant 2 : i32
        %shift_right_arithmetic3A_1201 = vector.broadcast %shift_right_arithmetic3A_1200 : i32 to vector<16xi32>
        %shift_right_arithmetic3A_1202 = arith.shrsi %gather3A_1196, %shift_right_arithmetic3A_1201 : vector<16xi32>
        %shift_right_arithmetic3A_1203 = arith.constant 8 : i32
        %shift_right_arithmetic3A_1204 = vector.broadcast %shift_right_arithmetic3A_1203 : i32 to vector<16xi32>
        %shift_right_arithmetic3A_1205 = arith.shrsi %shift_right_arithmetic3A_1202, %shift_right_arithmetic3A_1204 : vector<16xi32>
        %shift_left3A_1206 = arith.constant 6 : i32
        %shift_left3A_1207 = vector.broadcast %shift_left3A_1206 : i32 to vector<16xi32>
        %shift_left3A_1208 = arith.shli %shift_right_arithmetic3A_1205, %shift_left3A_1207 : vector<16xi32>
        %and3A_1209 = arith.constant 63 : i32
        %and3A_1210 = vector.broadcast %and3A_1209 : i32 to vector<16xi32>
        %and3A_1211 = arith.andi %shift_right_arithmetic3A_1202, %and3A_1210 : vector<16xi32>
        %add3A_1212 = arith.addi %shift_left3A_1208, %and3A_1211 : vector<16xi32>
        %shift_right_arithmetic3A_1213 = arith.constant 6 : i32
        %shift_right_arithmetic3A_1214 = vector.broadcast %shift_right_arithmetic3A_1213 : i32 to vector<16xi32>
        %shift_right_arithmetic3A_1215 = arith.shrsi %shift_right_arithmetic3A_1202, %shift_right_arithmetic3A_1214 : vector<16xi32>
        %and3A_1216 = arith.constant 3 : i32
        %and3A_1217 = vector.broadcast %and3A_1216 : i32 to vector<16xi32>
        %and3A_1218 = arith.andi %shift_right_arithmetic3A_1215, %and3A_1217 : vector<16xi32>
        %shift_left3A_1219 = arith.constant 5 : i32
        %shift_left3A_1220 = vector.broadcast %shift_left3A_1219 : i32 to vector<16xi32>
        %shift_left3A_1221 = arith.shli %and3A_1218, %shift_left3A_1220 : vector<16xi32>
        %add3A_1222 = arith.addi %shift_left3A_1221, %iota3A : vector<16xi32>
        %gather3A_1223 = tpu.vector_load_idx %arg7[%add3A_1212, %add3A_1222] : memref<512x128xi32, #tpu.memory_space<vmem>>[vector<16xi32>, vector<16xi32>], vector<16xi32>,
        %add3A_1224 = arith.constant 16 : i32
        %add3A_1225 = vector.broadcast %add3A_1224 : i32 to vector<16xi32>
        %add3A_1226 = arith.addi %add3A_1222, %add3A_1225 : vector<16xi32>
        %gather3A_1227 = tpu.vector_load_idx %arg7[%add3A_1212, %add3A_1226] : memref<512x128xi32, #tpu.memory_space<vmem>>[vector<16xi32>, vector<16xi32>], vector<16xi32>,
        %broadcast_in_dim3A_1228 = vector.shape_cast %and3A_7 : vector<16xi32> to vector<16x1xi32>
        %gather3A_1229 = vector.shape_cast %broadcast_in_dim3A_1228 : vector<16x1xi32> to vector<16xi32>
        %gather3A_1230 = tpu.dynamic_gather %gather3A_1223[%gather3A_1229] in [0] : vector<16xi32>, vector<16xi32> -> vector<16xi32>
        %broadcast_in_dim3A_1231 = vector.shape_cast %and3A_7 : vector<16xi32> to vector<16x1xi32>
        %gather3A_1232 = vector.shape_cast %broadcast_in_dim3A_1231 : vector<16x1xi32> to vector<16xi32>
        %gather3A_1233 = tpu.dynamic_gather %gather3A_1227[%gather3A_1232] in [0] : vector<16xi32>, vector<16xi32> -> vector<16xi32>
        %shift_right_logical3A_1234 = arith.constant 30 : i32
        %shift_right_logical3A_1235 = vector.broadcast %shift_right_logical3A_1234 : i32 to vector<16xi32>
        %shift_right_logical3A_1236 = arith.shrui %gather3A_1230, %shift_right_logical3A_1235 : vector<16xi32>
        %select_n3A_1237 = arith.select %eq3A_9, %and3A_1199, %shift_right_logical3A_1236 : vector<16xi1>, vector<16xi32>
        %select_n3A_1238 = arith.select %eq3A_9, %gather3A_1230, %gather3A_1233 : vector<16xi1>, vector<16xi32>
        %shift_right_logical3A_1239 = arith.constant 30 : i32
        %shift_right_logical3A_1240 = vector.broadcast %shift_right_logical3A_1239 : i32 to vector<16xi32>
        %shift_right_logical3A_1241 = arith.shrui %select_n3A_1238, %shift_right_logical3A_1240 : vector<16xi32>
        %shift_right_arithmetic3A_1242 = arith.constant 8 : i32
        %shift_right_arithmetic3A_1243 = arith.shrsi %add3A_1193, %shift_right_arithmetic3A_1242 : i32
        %shift_left3A_1244 = arith.constant 6 : i32
        %shift_left3A_1245 = arith.shli %shift_right_arithmetic3A_1243, %shift_left3A_1244 : i32
        %and3A_1246 = arith.constant 63 : i32
        %and3A_1247 = arith.andi %add3A_1193, %and3A_1246 : i32
        %add3A_1248 = arith.addi %shift_left3A_1245, %and3A_1247 : i32
        %shift_right_arithmetic3A_1249 = arith.constant 6 : i32
        %shift_right_arithmetic3A_1250 = arith.shrsi %add3A_1193, %shift_right_arithmetic3A_1249 : i32
        %and3A_1251 = arith.constant 3 : i32
        %and3A_1252 = arith.andi %shift_right_arithmetic3A_1250, %and3A_1251 : i32
        %shift_left3A_1253 = arith.constant 5 : i32
        %shift_left3A_1254 = arith.shli %and3A_1252, %shift_left3A_1253 : i32
        %shift_left3A_1255 = arith.constant 2 : i32
        %shift_left3A_1256 = vector.broadcast %shift_left3A_1255 : i32 to vector<16xi32>
        %shift_left3A_1257 = arith.shli %gather3A_1223, %shift_left3A_1256 : vector<16xi32>
        %or3A_1258 = arith.ori %shift_left3A_1257, %select_n3A_1237 : vector<16xi32>
        %swap3A_1259 = arith.index_cast %add3A_1248 : i32 to index
        %swap3A_1260 = arith.index_cast %shift_left3A_1254 : i32 to index
        %swap3A_1261 = tpu.vector_load %arg7[%swap3A_1259, %swap3A_1260] {strides = array<i32>} : memref<512x128xi32, #tpu.memory_space<vmem>>, vector<16xi32>,
        tpu.vector_store %arg7[%swap3A_1259, %swap3A_1260], %or3A_1258 {strides = array<i32>} : memref<512x128xi32, #tpu.memory_space<vmem>>, vector<16xi32>,
        %shift_left3A_1262 = arith.constant 2 : i32
        %shift_left3A_1263 = vector.broadcast %shift_left3A_1262 : i32 to vector<16xi32>
        %shift_left3A_1264 = arith.shli %gather3A_1227, %shift_left3A_1263 : vector<16xi32>
        %or3A_1265 = arith.ori %shift_left3A_1264, %shift_right_logical3A_1241 : vector<16xi32>
        %add3A_1266 = arith.constant 16 : i32
        %add3A_1267 = arith.addi %shift_left3A_1254, %add3A_1266 : i32
        %swap3A_1268 = arith.index_cast %add3A_1248 : i32 to index
        %swap3A_1269 = arith.index_cast %add3A_1267 : i32 to index
        %swap3A_1270 = tpu.vector_load %arg7[%swap3A_1268, %swap3A_1269] {strides = array<i32>} : memref<512x128xi32, #tpu.memory_space<vmem>>, vector<16xi32>,
        tpu.vector_store %arg7[%swap3A_1268, %swap3A_1269], %or3A_1265 {strides = array<i32>} : memref<512x128xi32, #tpu.memory_space<vmem>>, vector<16xi32>,
        %mul3A_1271 = arith.constant 16 : i32
        %mul3A_1272 = arith.muli %mul3A_1271, %add3A_1023 : i32
        %add3A_1273 = arith.constant 3 : i32
        %add3A_1274 = arith.addi %mul3A_1272, %add3A_1273 : i32
        %broadcast_in_dim3A_1275 = vector.shape_cast %broadcast_in_dim3A_34 : vector<16xi32> to vector<16x1xi32>
        %gather3A_1276 = vector.shape_cast %broadcast_in_dim3A_1275 : vector<16x1xi32> to vector<16xi32>
        %gather3A_1277 = tpu.dynamic_gather %get3A_1027[%gather3A_1276] in [0] : vector<16xi32>, vector<16xi32> -> vector<16xi32>
        %and3A_1278 = arith.constant 3 : i32
        %and3A_1279 = vector.broadcast %and3A_1278 : i32 to vector<16xi32>
        %and3A_1280 = arith.andi %gather3A_1277, %and3A_1279 : vector<16xi32>
        %shift_right_arithmetic3A_1281 = arith.constant 2 : i32
        %shift_right_arithmetic3A_1282 = vector.broadcast %shift_right_arithmetic3A_1281 : i32 to vector<16xi32>
        %shift_right_arithmetic3A_1283 = arith.shrsi %gather3A_1277, %shift_right_arithmetic3A_1282 : vector<16xi32>
        %shift_right_arithmetic3A_1284 = arith.constant 8 : i32
        %shift_right_arithmetic3A_1285 = vector.broadcast %shift_right_arithmetic3A_1284 : i32 to vector<16xi32>
        %shift_right_arithmetic3A_1286 = arith.shrsi %shift_right_arithmetic3A_1283, %shift_right_arithmetic3A_1285 : vector<16xi32>
        %shift_left3A_1287 = arith.constant 6 : i32
        %shift_left3A_1288 = vector.broadcast %shift_left3A_1287 : i32 to vector<16xi32>
        %shift_left3A_1289 = arith.shli %shift_right_arithmetic3A_1286, %shift_left3A_1288 : vector<16xi32>
        %and3A_1290 = arith.constant 63 : i32
        %and3A_1291 = vector.broadcast %and3A_1290 : i32 to vector<16xi32>
        %and3A_1292 = arith.andi %shift_right_arithmetic3A_1283, %and3A_1291 : vector<16xi32>
        %add3A_1293 = arith.addi %shift_left3A_1289, %and3A_1292 : vector<16xi32>
        %shift_right_arithmetic3A_1294 = arith.constant 6 : i32
        %shift_right_arithmetic3A_1295 = vector.broadcast %shift_right_arithmetic3A_1294 : i32 to vector<16xi32>
        %shift_right_arithmetic3A_1296 = arith.shrsi %shift_right_arithmetic3A_1283, %shift_right_arithmetic3A_1295 : vector<16xi32>
        %and3A_1297 = arith.constant 3 : i32
        %and3A_1298 = vector.broadcast %and3A_1297 : i32 to vector<16xi32>
        %and3A_1299 = arith.andi %shift_right_arithmetic3A_1296, %and3A_1298 : vector<16xi32>
        %shift_left3A_1300 = arith.constant 5 : i32
        %shift_left3A_1301 = vector.broadcast %shift_left3A_1300 : i32 to vector<16xi32>
        %shift_left3A_1302 = arith.shli %and3A_1299, %shift_left3A_1301 : vector<16xi32>
        %add3A_1303 = arith.addi %shift_left3A_1302, %iota3A : vector<16xi32>
        %gather3A_1304 = tpu.vector_load_idx %arg7[%add3A_1293, %add3A_1303] : memref<512x128xi32, #tpu.memory_space<vmem>>[vector<16xi32>, vector<16xi32>], vector<16xi32>,
        %add3A_1305 = arith.constant 16 : i32
        %add3A_1306 = vector.broadcast %add3A_1305 : i32 to vector<16xi32>
        %add3A_1307 = arith.addi %add3A_1303, %add3A_1306 : vector<16xi32>
        %gather3A_1308 = tpu.vector_load_idx %arg7[%add3A_1293, %add3A_1307] : memref<512x128xi32, #tpu.memory_space<vmem>>[vector<16xi32>, vector<16xi32>], vector<16xi32>,
        %broadcast_in_dim3A_1309 = vector.shape_cast %and3A_7 : vector<16xi32> to vector<16x1xi32>
        %gather3A_1310 = vector.shape_cast %broadcast_in_dim3A_1309 : vector<16x1xi32> to vector<16xi32>
        %gather3A_1311 = tpu.dynamic_gather %gather3A_1304[%gather3A_1310] in [0] : vector<16xi32>, vector<16xi32> -> vector<16xi32>
        %broadcast_in_dim3A_1312 = vector.shape_cast %and3A_7 : vector<16xi32> to vector<16x1xi32>
        %gather3A_1313 = vector.shape_cast %broadcast_in_dim3A_1312 : vector<16x1xi32> to vector<16xi32>
        %gather3A_1314 = tpu.dynamic_gather %gather3A_1308[%gather3A_1313] in [0] : vector<16xi32>, vector<16xi32> -> vector<16xi32>
        %shift_right_logical3A_1315 = arith.constant 30 : i32
        %shift_right_logical3A_1316 = vector.broadcast %shift_right_logical3A_1315 : i32 to vector<16xi32>
        %shift_right_logical3A_1317 = arith.shrui %gather3A_1311, %shift_right_logical3A_1316 : vector<16xi32>
        %select_n3A_1318 = arith.select %eq3A_9, %and3A_1280, %shift_right_logical3A_1317 : vector<16xi1>, vector<16xi32>
        %select_n3A_1319 = arith.select %eq3A_9, %gather3A_1311, %gather3A_1314 : vector<16xi1>, vector<16xi32>
        %shift_right_logical3A_1320 = arith.constant 30 : i32
        %shift_right_logical3A_1321 = vector.broadcast %shift_right_logical3A_1320 : i32 to vector<16xi32>
        %shift_right_logical3A_1322 = arith.shrui %select_n3A_1319, %shift_right_logical3A_1321 : vector<16xi32>
        %shift_right_arithmetic3A_1323 = arith.constant 8 : i32
        %shift_right_arithmetic3A_1324 = arith.shrsi %add3A_1274, %shift_right_arithmetic3A_1323 : i32
        %shift_left3A_1325 = arith.constant 6 : i32
        %shift_left3A_1326 = arith.shli %shift_right_arithmetic3A_1324, %shift_left3A_1325 : i32
        %and3A_1327 = arith.constant 63 : i32
        %and3A_1328 = arith.andi %add3A_1274, %and3A_1327 : i32
        %add3A_1329 = arith.addi %shift_left3A_1326, %and3A_1328 : i32
        %shift_right_arithmetic3A_1330 = arith.constant 6 : i32
        %shift_right_arithmetic3A_1331 = arith.shrsi %add3A_1274, %shift_right_arithmetic3A_1330 : i32
        %and3A_1332 = arith.constant 3 : i32
        %and3A_1333 = arith.andi %shift_right_arithmetic3A_1331, %and3A_1332 : i32
        %shift_left3A_1334 = arith.constant 5 : i32
        %shift_left3A_1335 = arith.shli %and3A_1333, %shift_left3A_1334 : i32
        %shift_left3A_1336 = arith.constant 2 : i32
        %shift_left3A_1337 = vector.broadcast %shift_left3A_1336 : i32 to vector<16xi32>
        %shift_left3A_1338 = arith.shli %gather3A_1304, %shift_left3A_1337 : vector<16xi32>
        %or3A_1339 = arith.ori %shift_left3A_1338, %select_n3A_1318 : vector<16xi32>
        %swap3A_1340 = arith.index_cast %add3A_1329 : i32 to index
        %swap3A_1341 = arith.index_cast %shift_left3A_1335 : i32 to index
        %swap3A_1342 = tpu.vector_load %arg7[%swap3A_1340, %swap3A_1341] {strides = array<i32>} : memref<512x128xi32, #tpu.memory_space<vmem>>, vector<16xi32>,
        tpu.vector_store %arg7[%swap3A_1340, %swap3A_1341], %or3A_1339 {strides = array<i32>} : memref<512x128xi32, #tpu.memory_space<vmem>>, vector<16xi32>,
        %shift_left3A_1343 = arith.constant 2 : i32
        %shift_left3A_1344 = vector.broadcast %shift_left3A_1343 : i32 to vector<16xi32>
        %shift_left3A_1345 = arith.shli %gather3A_1308, %shift_left3A_1344 : vector<16xi32>
        %or3A_1346 = arith.ori %shift_left3A_1345, %shift_right_logical3A_1322 : vector<16xi32>
        %add3A_1347 = arith.constant 16 : i32
        %add3A_1348 = arith.addi %shift_left3A_1335, %add3A_1347 : i32
        %swap3A_1349 = arith.index_cast %add3A_1329 : i32 to index
        %swap3A_1350 = arith.index_cast %add3A_1348 : i32 to index
        %swap3A_1351 = tpu.vector_load %arg7[%swap3A_1349, %swap3A_1350] {strides = array<i32>} : memref<512x128xi32, #tpu.memory_space<vmem>>, vector<16xi32>,
        tpu.vector_store %arg7[%swap3A_1349, %swap3A_1350], %or3A_1346 {strides = array<i32>} : memref<512x128xi32, #tpu.memory_space<vmem>>, vector<16xi32>,
        %mul3A_1352 = arith.constant 16 : i32
        %mul3A_1353 = arith.muli %mul3A_1352, %add3A_1023 : i32
        %add3A_1354 = arith.constant 4 : i32
        %add3A_1355 = arith.addi %mul3A_1353, %add3A_1354 : i32
        %broadcast_in_dim3A_1356 = vector.shape_cast %broadcast_in_dim3A_36 : vector<16xi32> to vector<16x1xi32>
        %gather3A_1357 = vector.shape_cast %broadcast_in_dim3A_1356 : vector<16x1xi32> to vector<16xi32>
        %gather3A_1358 = tpu.dynamic_gather %get3A_1027[%gather3A_1357] in [0] : vector<16xi32>, vector<16xi32> -> vector<16xi32>
        %and3A_1359 = arith.constant 3 : i32
        %and3A_1360 = vector.broadcast %and3A_1359 : i32 to vector<16xi32>
        %and3A_1361 = arith.andi %gather3A_1358, %and3A_1360 : vector<16xi32>
        %shift_right_arithmetic3A_1362 = arith.constant 2 : i32
        %shift_right_arithmetic3A_1363 = vector.broadcast %shift_right_arithmetic3A_1362 : i32 to vector<16xi32>
        %shift_right_arithmetic3A_1364 = arith.shrsi %gather3A_1358, %shift_right_arithmetic3A_1363 : vector<16xi32>
        %shift_right_arithmetic3A_1365 = arith.constant 8 : i32
        %shift_right_arithmetic3A_1366 = vector.broadcast %shift_right_arithmetic3A_1365 : i32 to vector<16xi32>
        %shift_right_arithmetic3A_1367 = arith.shrsi %shift_right_arithmetic3A_1364, %shift_right_arithmetic3A_1366 : vector<16xi32>
        %shift_left3A_1368 = arith.constant 6 : i32
        %shift_left3A_1369 = vector.broadcast %shift_left3A_1368 : i32 to vector<16xi32>
        %shift_left3A_1370 = arith.shli %shift_right_arithmetic3A_1367, %shift_left3A_1369 : vector<16xi32>
        %and3A_1371 = arith.constant 63 : i32
        %and3A_1372 = vector.broadcast %and3A_1371 : i32 to vector<16xi32>
        %and3A_1373 = arith.andi %shift_right_arithmetic3A_1364, %and3A_1372 : vector<16xi32>
        %add3A_1374 = arith.addi %shift_left3A_1370, %and3A_1373 : vector<16xi32>
        %shift_right_arithmetic3A_1375 = arith.constant 6 : i32
        %shift_right_arithmetic3A_1376 = vector.broadcast %shift_right_arithmetic3A_1375 : i32 to vector<16xi32>
        %shift_right_arithmetic3A_1377 = arith.shrsi %shift_right_arithmetic3A_1364, %shift_right_arithmetic3A_1376 : vector<16xi32>
        %and3A_1378 = arith.constant 3 : i32
        %and3A_1379 = vector.broadcast %and3A_1378 : i32 to vector<16xi32>
        %and3A_1380 = arith.andi %shift_right_arithmetic3A_1377, %and3A_1379 : vector<16xi32>
        %shift_left3A_1381 = arith.constant 5 : i32
        %shift_left3A_1382 = vector.broadcast %shift_left3A_1381 : i32 to vector<16xi32>
        %shift_left3A_1383 = arith.shli %and3A_1380, %shift_left3A_1382 : vector<16xi32>
        %add3A_1384 = arith.addi %shift_left3A_1383, %iota3A : vector<16xi32>
        %gather3A_1385 = tpu.vector_load_idx %arg7[%add3A_1374, %add3A_1384] : memref<512x128xi32, #tpu.memory_space<vmem>>[vector<16xi32>, vector<16xi32>], vector<16xi32>,
        %add3A_1386 = arith.constant 16 : i32
        %add3A_1387 = vector.broadcast %add3A_1386 : i32 to vector<16xi32>
        %add3A_1388 = arith.addi %add3A_1384, %add3A_1387 : vector<16xi32>
        %gather3A_1389 = tpu.vector_load_idx %arg7[%add3A_1374, %add3A_1388] : memref<512x128xi32, #tpu.memory_space<vmem>>[vector<16xi32>, vector<16xi32>], vector<16xi32>,
        %broadcast_in_dim3A_1390 = vector.shape_cast %and3A_7 : vector<16xi32> to vector<16x1xi32>
        %gather3A_1391 = vector.shape_cast %broadcast_in_dim3A_1390 : vector<16x1xi32> to vector<16xi32>
        %gather3A_1392 = tpu.dynamic_gather %gather3A_1385[%gather3A_1391] in [0] : vector<16xi32>, vector<16xi32> -> vector<16xi32>
        %broadcast_in_dim3A_1393 = vector.shape_cast %and3A_7 : vector<16xi32> to vector<16x1xi32>
        %gather3A_1394 = vector.shape_cast %broadcast_in_dim3A_1393 : vector<16x1xi32> to vector<16xi32>
        %gather3A_1395 = tpu.dynamic_gather %gather3A_1389[%gather3A_1394] in [0] : vector<16xi32>, vector<16xi32> -> vector<16xi32>
        %shift_right_logical3A_1396 = arith.constant 30 : i32
        %shift_right_logical3A_1397 = vector.broadcast %shift_right_logical3A_1396 : i32 to vector<16xi32>
        %shift_right_logical3A_1398 = arith.shrui %gather3A_1392, %shift_right_logical3A_1397 : vector<16xi32>
        %select_n3A_1399 = arith.select %eq3A_9, %and3A_1361, %shift_right_logical3A_1398 : vector<16xi1>, vector<16xi32>
        %select_n3A_1400 = arith.select %eq3A_9, %gather3A_1392, %gather3A_1395 : vector<16xi1>, vector<16xi32>
        %shift_right_logical3A_1401 = arith.constant 30 : i32
        %shift_right_logical3A_1402 = vector.broadcast %shift_right_logical3A_1401 : i32 to vector<16xi32>
        %shift_right_logical3A_1403 = arith.shrui %select_n3A_1400, %shift_right_logical3A_1402 : vector<16xi32>
        %shift_right_arithmetic3A_1404 = arith.constant 8 : i32
        %shift_right_arithmetic3A_1405 = arith.shrsi %add3A_1355, %shift_right_arithmetic3A_1404 : i32
        %shift_left3A_1406 = arith.constant 6 : i32
        %shift_left3A_1407 = arith.shli %shift_right_arithmetic3A_1405, %shift_left3A_1406 : i32
        %and3A_1408 = arith.constant 63 : i32
        %and3A_1409 = arith.andi %add3A_1355, %and3A_1408 : i32
        %add3A_1410 = arith.addi %shift_left3A_1407, %and3A_1409 : i32
        %shift_right_arithmetic3A_1411 = arith.constant 6 : i32
        %shift_right_arithmetic3A_1412 = arith.shrsi %add3A_1355, %shift_right_arithmetic3A_1411 : i32
        %and3A_1413 = arith.constant 3 : i32
        %and3A_1414 = arith.andi %shift_right_arithmetic3A_1412, %and3A_1413 : i32
        %shift_left3A_1415 = arith.constant 5 : i32
        %shift_left3A_1416 = arith.shli %and3A_1414, %shift_left3A_1415 : i32
        %shift_left3A_1417 = arith.constant 2 : i32
        %shift_left3A_1418 = vector.broadcast %shift_left3A_1417 : i32 to vector<16xi32>
        %shift_left3A_1419 = arith.shli %gather3A_1385, %shift_left3A_1418 : vector<16xi32>
        %or3A_1420 = arith.ori %shift_left3A_1419, %select_n3A_1399 : vector<16xi32>
        %swap3A_1421 = arith.index_cast %add3A_1410 : i32 to index
        %swap3A_1422 = arith.index_cast %shift_left3A_1416 : i32 to index
        %swap3A_1423 = tpu.vector_load %arg7[%swap3A_1421, %swap3A_1422] {strides = array<i32>} : memref<512x128xi32, #tpu.memory_space<vmem>>, vector<16xi32>,
        tpu.vector_store %arg7[%swap3A_1421, %swap3A_1422], %or3A_1420 {strides = array<i32>} : memref<512x128xi32, #tpu.memory_space<vmem>>, vector<16xi32>,
        %shift_left3A_1424 = arith.constant 2 : i32
        %shift_left3A_1425 = vector.broadcast %shift_left3A_1424 : i32 to vector<16xi32>
        %shift_left3A_1426 = arith.shli %gather3A_1389, %shift_left3A_1425 : vector<16xi32>
        %or3A_1427 = arith.ori %shift_left3A_1426, %shift_right_logical3A_1403 : vector<16xi32>
        %add3A_1428 = arith.constant 16 : i32
        %add3A_1429 = arith.addi %shift_left3A_1416, %add3A_1428 : i32
        %swap3A_1430 = arith.index_cast %add3A_1410 : i32 to index
        %swap3A_1431 = arith.index_cast %add3A_1429 : i32 to index
        %swap3A_1432 = tpu.vector_load %arg7[%swap3A_1430, %swap3A_1431] {strides = array<i32>} : memref<512x128xi32, #tpu.memory_space<vmem>>, vector<16xi32>,
        tpu.vector_store %arg7[%swap3A_1430, %swap3A_1431], %or3A_1427 {strides = array<i32>} : memref<512x128xi32, #tpu.memory_space<vmem>>, vector<16xi32>,
        %mul3A_1433 = arith.constant 16 : i32
        %mul3A_1434 = arith.muli %mul3A_1433, %add3A_1023 : i32
        %add3A_1435 = arith.constant 5 : i32
        %add3A_1436 = arith.addi %mul3A_1434, %add3A_1435 : i32
        %broadcast_in_dim3A_1437 = vector.shape_cast %broadcast_in_dim3A_38 : vector<16xi32> to vector<16x1xi32>
        %gather3A_1438 = vector.shape_cast %broadcast_in_dim3A_1437 : vector<16x1xi32> to vector<16xi32>
        %gather3A_1439 = tpu.dynamic_gather %get3A_1027[%gather3A_1438] in [0] : vector<16xi32>, vector<16xi32> -> vector<16xi32>
        %and3A_1440 = arith.constant 3 : i32
        %and3A_1441 = vector.broadcast %and3A_1440 : i32 to vector<16xi32>
        %and3A_1442 = arith.andi %gather3A_1439, %and3A_1441 : vector<16xi32>
        %shift_right_arithmetic3A_1443 = arith.constant 2 : i32
        %shift_right_arithmetic3A_1444 = vector.broadcast %shift_right_arithmetic3A_1443 : i32 to vector<16xi32>
        %shift_right_arithmetic3A_1445 = arith.shrsi %gather3A_1439, %shift_right_arithmetic3A_1444 : vector<16xi32>
        %shift_right_arithmetic3A_1446 = arith.constant 8 : i32
        %shift_right_arithmetic3A_1447 = vector.broadcast %shift_right_arithmetic3A_1446 : i32 to vector<16xi32>
        %shift_right_arithmetic3A_1448 = arith.shrsi %shift_right_arithmetic3A_1445, %shift_right_arithmetic3A_1447 : vector<16xi32>
        %shift_left3A_1449 = arith.constant 6 : i32
        %shift_left3A_1450 = vector.broadcast %shift_left3A_1449 : i32 to vector<16xi32>
        %shift_left3A_1451 = arith.shli %shift_right_arithmetic3A_1448, %shift_left3A_1450 : vector<16xi32>
        %and3A_1452 = arith.constant 63 : i32
        %and3A_1453 = vector.broadcast %and3A_1452 : i32 to vector<16xi32>
        %and3A_1454 = arith.andi %shift_right_arithmetic3A_1445, %and3A_1453 : vector<16xi32>
        %add3A_1455 = arith.addi %shift_left3A_1451, %and3A_1454 : vector<16xi32>
        %shift_right_arithmetic3A_1456 = arith.constant 6 : i32
        %shift_right_arithmetic3A_1457 = vector.broadcast %shift_right_arithmetic3A_1456 : i32 to vector<16xi32>
        %shift_right_arithmetic3A_1458 = arith.shrsi %shift_right_arithmetic3A_1445, %shift_right_arithmetic3A_1457 : vector<16xi32>
        %and3A_1459 = arith.constant 3 : i32
        %and3A_1460 = vector.broadcast %and3A_1459 : i32 to vector<16xi32>
        %and3A_1461 = arith.andi %shift_right_arithmetic3A_1458, %and3A_1460 : vector<16xi32>
        %shift_left3A_1462 = arith.constant 5 : i32
        %shift_left3A_1463 = vector.broadcast %shift_left3A_1462 : i32 to vector<16xi32>
        %shift_left3A_1464 = arith.shli %and3A_1461, %shift_left3A_1463 : vector<16xi32>
        %add3A_1465 = arith.addi %shift_left3A_1464, %iota3A : vector<16xi32>
        %gather3A_1466 = tpu.vector_load_idx %arg7[%add3A_1455, %add3A_1465] : memref<512x128xi32, #tpu.memory_space<vmem>>[vector<16xi32>, vector<16xi32>], vector<16xi32>,
        %add3A_1467 = arith.constant 16 : i32
        %add3A_1468 = vector.broadcast %add3A_1467 : i32 to vector<16xi32>
        %add3A_1469 = arith.addi %add3A_1465, %add3A_1468 : vector<16xi32>
        %gather3A_1470 = tpu.vector_load_idx %arg7[%add3A_1455, %add3A_1469] : memref<512x128xi32, #tpu.memory_space<vmem>>[vector<16xi32>, vector<16xi32>], vector<16xi32>,
        %broadcast_in_dim3A_1471 = vector.shape_cast %and3A_7 : vector<16xi32> to vector<16x1xi32>
        %gather3A_1472 = vector.shape_cast %broadcast_in_dim3A_1471 : vector<16x1xi32> to vector<16xi32>
        %gather3A_1473 = tpu.dynamic_gather %gather3A_1466[%gather3A_1472] in [0] : vector<16xi32>, vector<16xi32> -> vector<16xi32>
        %broadcast_in_dim3A_1474 = vector.shape_cast %and3A_7 : vector<16xi32> to vector<16x1xi32>
        %gather3A_1475 = vector.shape_cast %broadcast_in_dim3A_1474 : vector<16x1xi32> to vector<16xi32>
        %gather3A_1476 = tpu.dynamic_gather %gather3A_1470[%gather3A_1475] in [0] : vector<16xi32>, vector<16xi32> -> vector<16xi32>
        %shift_right_logical3A_1477 = arith.constant 30 : i32
        %shift_right_logical3A_1478 = vector.broadcast %shift_right_logical3A_1477 : i32 to vector<16xi32>
        %shift_right_logical3A_1479 = arith.shrui %gather3A_1473, %shift_right_logical3A_1478 : vector<16xi32>
        %select_n3A_1480 = arith.select %eq3A_9, %and3A_1442, %shift_right_logical3A_1479 : vector<16xi1>, vector<16xi32>
        %select_n3A_1481 = arith.select %eq3A_9, %gather3A_1473, %gather3A_1476 : vector<16xi1>, vector<16xi32>
        %shift_right_logical3A_1482 = arith.constant 30 : i32
        %shift_right_logical3A_1483 = vector.broadcast %shift_right_logical3A_1482 : i32 to vector<16xi32>
        %shift_right_logical3A_1484 = arith.shrui %select_n3A_1481, %shift_right_logical3A_1483 : vector<16xi32>
        %shift_right_arithmetic3A_1485 = arith.constant 8 : i32
        %shift_right_arithmetic3A_1486 = arith.shrsi %add3A_1436, %shift_right_arithmetic3A_1485 : i32
        %shift_left3A_1487 = arith.constant 6 : i32
        %shift_left3A_1488 = arith.shli %shift_right_arithmetic3A_1486, %shift_left3A_1487 : i32
        %and3A_1489 = arith.constant 63 : i32
        %and3A_1490 = arith.andi %add3A_1436, %and3A_1489 : i32
        %add3A_1491 = arith.addi %shift_left3A_1488, %and3A_1490 : i32
        %shift_right_arithmetic3A_1492 = arith.constant 6 : i32
        %shift_right_arithmetic3A_1493 = arith.shrsi %add3A_1436, %shift_right_arithmetic3A_1492 : i32
        %and3A_1494 = arith.constant 3 : i32
        %and3A_1495 = arith.andi %shift_right_arithmetic3A_1493, %and3A_1494 : i32
        %shift_left3A_1496 = arith.constant 5 : i32
        %shift_left3A_1497 = arith.shli %and3A_1495, %shift_left3A_1496 : i32
        %shift_left3A_1498 = arith.constant 2 : i32
        %shift_left3A_1499 = vector.broadcast %shift_left3A_1498 : i32 to vector<16xi32>
        %shift_left3A_1500 = arith.shli %gather3A_1466, %shift_left3A_1499 : vector<16xi32>
        %or3A_1501 = arith.ori %shift_left3A_1500, %select_n3A_1480 : vector<16xi32>
        %swap3A_1502 = arith.index_cast %add3A_1491 : i32 to index
        %swap3A_1503 = arith.index_cast %shift_left3A_1497 : i32 to index
        %swap3A_1504 = tpu.vector_load %arg7[%swap3A_1502, %swap3A_1503] {strides = array<i32>} : memref<512x128xi32, #tpu.memory_space<vmem>>, vector<16xi32>,
        tpu.vector_store %arg7[%swap3A_1502, %swap3A_1503], %or3A_1501 {strides = array<i32>} : memref<512x128xi32, #tpu.memory_space<vmem>>, vector<16xi32>,
        %shift_left3A_1505 = arith.constant 2 : i32
        %shift_left3A_1506 = vector.broadcast %shift_left3A_1505 : i32 to vector<16xi32>
        %shift_left3A_1507 = arith.shli %gather3A_1470, %shift_left3A_1506 : vector<16xi32>
        %or3A_1508 = arith.ori %shift_left3A_1507, %shift_right_logical3A_1484 : vector<16xi32>
        %add3A_1509 = arith.constant 16 : i32
        %add3A_1510 = arith.addi %shift_left3A_1497, %add3A_1509 : i32
        %swap3A_1511 = arith.index_cast %add3A_1491 : i32 to index
        %swap3A_1512 = arith.index_cast %add3A_1510 : i32 to index
        %swap3A_1513 = tpu.vector_load %arg7[%swap3A_1511, %swap3A_1512] {strides = array<i32>} : memref<512x128xi32, #tpu.memory_space<vmem>>, vector<16xi32>,
        tpu.vector_store %arg7[%swap3A_1511, %swap3A_1512], %or3A_1508 {strides = array<i32>} : memref<512x128xi32, #tpu.memory_space<vmem>>, vector<16xi32>,
        %mul3A_1514 = arith.constant 16 : i32
        %mul3A_1515 = arith.muli %mul3A_1514, %add3A_1023 : i32
        %add3A_1516 = arith.constant 6 : i32
        %add3A_1517 = arith.addi %mul3A_1515, %add3A_1516 : i32
        %broadcast_in_dim3A_1518 = vector.shape_cast %broadcast_in_dim3A_40 : vector<16xi32> to vector<16x1xi32>
        %gather3A_1519 = vector.shape_cast %broadcast_in_dim3A_1518 : vector<16x1xi32> to vector<16xi32>
        %gather3A_1520 = tpu.dynamic_gather %get3A_1027[%gather3A_1519] in [0] : vector<16xi32>, vector<16xi32> -> vector<16xi32>
        %and3A_1521 = arith.constant 3 : i32
        %and3A_1522 = vector.broadcast %and3A_1521 : i32 to vector<16xi32>
        %and3A_1523 = arith.andi %gather3A_1520, %and3A_1522 : vector<16xi32>
        %shift_right_arithmetic3A_1524 = arith.constant 2 : i32
        %shift_right_arithmetic3A_1525 = vector.broadcast %shift_right_arithmetic3A_1524 : i32 to vector<16xi32>
        %shift_right_arithmetic3A_1526 = arith.shrsi %gather3A_1520, %shift_right_arithmetic3A_1525 : vector<16xi32>
        %shift_right_arithmetic3A_1527 = arith.constant 8 : i32
        %shift_right_arithmetic3A_1528 = vector.broadcast %shift_right_arithmetic3A_1527 : i32 to vector<16xi32>
        %shift_right_arithmetic3A_1529 = arith.shrsi %shift_right_arithmetic3A_1526, %shift_right_arithmetic3A_1528 : vector<16xi32>
        %shift_left3A_1530 = arith.constant 6 : i32
        %shift_left3A_1531 = vector.broadcast %shift_left3A_1530 : i32 to vector<16xi32>
        %shift_left3A_1532 = arith.shli %shift_right_arithmetic3A_1529, %shift_left3A_1531 : vector<16xi32>
        %and3A_1533 = arith.constant 63 : i32
        %and3A_1534 = vector.broadcast %and3A_1533 : i32 to vector<16xi32>
        %and3A_1535 = arith.andi %shift_right_arithmetic3A_1526, %and3A_1534 : vector<16xi32>
        %add3A_1536 = arith.addi %shift_left3A_1532, %and3A_1535 : vector<16xi32>
        %shift_right_arithmetic3A_1537 = arith.constant 6 : i32
        %shift_right_arithmetic3A_1538 = vector.broadcast %shift_right_arithmetic3A_1537 : i32 to vector<16xi32>
        %shift_right_arithmetic3A_1539 = arith.shrsi %shift_right_arithmetic3A_1526, %shift_right_arithmetic3A_1538 : vector<16xi32>
        %and3A_1540 = arith.constant 3 : i32
        %and3A_1541 = vector.broadcast %and3A_1540 : i32 to vector<16xi32>
        %and3A_1542 = arith.andi %shift_right_arithmetic3A_1539, %and3A_1541 : vector<16xi32>
        %shift_left3A_1543 = arith.constant 5 : i32
        %shift_left3A_1544 = vector.broadcast %shift_left3A_1543 : i32 to vector<16xi32>
        %shift_left3A_1545 = arith.shli %and3A_1542, %shift_left3A_1544 : vector<16xi32>
        %add3A_1546 = arith.addi %shift_left3A_1545, %iota3A : vector<16xi32>
        %gather3A_1547 = tpu.vector_load_idx %arg7[%add3A_1536, %add3A_1546] : memref<512x128xi32, #tpu.memory_space<vmem>>[vector<16xi32>, vector<16xi32>], vector<16xi32>,
        %add3A_1548 = arith.constant 16 : i32
        %add3A_1549 = vector.broadcast %add3A_1548 : i32 to vector<16xi32>
        %add3A_1550 = arith.addi %add3A_1546, %add3A_1549 : vector<16xi32>
        %gather3A_1551 = tpu.vector_load_idx %arg7[%add3A_1536, %add3A_1550] : memref<512x128xi32, #tpu.memory_space<vmem>>[vector<16xi32>, vector<16xi32>], vector<16xi32>,
        %broadcast_in_dim3A_1552 = vector.shape_cast %and3A_7 : vector<16xi32> to vector<16x1xi32>
        %gather3A_1553 = vector.shape_cast %broadcast_in_dim3A_1552 : vector<16x1xi32> to vector<16xi32>
        %gather3A_1554 = tpu.dynamic_gather %gather3A_1547[%gather3A_1553] in [0] : vector<16xi32>, vector<16xi32> -> vector<16xi32>
        %broadcast_in_dim3A_1555 = vector.shape_cast %and3A_7 : vector<16xi32> to vector<16x1xi32>
        %gather3A_1556 = vector.shape_cast %broadcast_in_dim3A_1555 : vector<16x1xi32> to vector<16xi32>
        %gather3A_1557 = tpu.dynamic_gather %gather3A_1551[%gather3A_1556] in [0] : vector<16xi32>, vector<16xi32> -> vector<16xi32>
        %shift_right_logical3A_1558 = arith.constant 30 : i32
        %shift_right_logical3A_1559 = vector.broadcast %shift_right_logical3A_1558 : i32 to vector<16xi32>
        %shift_right_logical3A_1560 = arith.shrui %gather3A_1554, %shift_right_logical3A_1559 : vector<16xi32>
        %select_n3A_1561 = arith.select %eq3A_9, %and3A_1523, %shift_right_logical3A_1560 : vector<16xi1>, vector<16xi32>
        %select_n3A_1562 = arith.select %eq3A_9, %gather3A_1554, %gather3A_1557 : vector<16xi1>, vector<16xi32>
        %shift_right_logical3A_1563 = arith.constant 30 : i32
        %shift_right_logical3A_1564 = vector.broadcast %shift_right_logical3A_1563 : i32 to vector<16xi32>
        %shift_right_logical3A_1565 = arith.shrui %select_n3A_1562, %shift_right_logical3A_1564 : vector<16xi32>
        %shift_right_arithmetic3A_1566 = arith.constant 8 : i32
        %shift_right_arithmetic3A_1567 = arith.shrsi %add3A_1517, %shift_right_arithmetic3A_1566 : i32
        %shift_left3A_1568 = arith.constant 6 : i32
        %shift_left3A_1569 = arith.shli %shift_right_arithmetic3A_1567, %shift_left3A_1568 : i32
        %and3A_1570 = arith.constant 63 : i32
        %and3A_1571 = arith.andi %add3A_1517, %and3A_1570 : i32
        %add3A_1572 = arith.addi %shift_left3A_1569, %and3A_1571 : i32
        %shift_right_arithmetic3A_1573 = arith.constant 6 : i32
        %shift_right_arithmetic3A_1574 = arith.shrsi %add3A_1517, %shift_right_arithmetic3A_1573 : i32
        %and3A_1575 = arith.constant 3 : i32
        %and3A_1576 = arith.andi %shift_right_arithmetic3A_1574, %and3A_1575 : i32
        %shift_left3A_1577 = arith.constant 5 : i32
        %shift_left3A_1578 = arith.shli %and3A_1576, %shift_left3A_1577 : i32
        %shift_left3A_1579 = arith.constant 2 : i32
        %shift_left3A_1580 = vector.broadcast %shift_left3A_1579 : i32 to vector<16xi32>
        %shift_left3A_1581 = arith.shli %gather3A_1547, %shift_left3A_1580 : vector<16xi32>
        %or3A_1582 = arith.ori %shift_left3A_1581, %select_n3A_1561 : vector<16xi32>
        %swap3A_1583 = arith.index_cast %add3A_1572 : i32 to index
        %swap3A_1584 = arith.index_cast %shift_left3A_1578 : i32 to index
        %swap3A_1585 = tpu.vector_load %arg7[%swap3A_1583, %swap3A_1584] {strides = array<i32>} : memref<512x128xi32, #tpu.memory_space<vmem>>, vector<16xi32>,
        tpu.vector_store %arg7[%swap3A_1583, %swap3A_1584], %or3A_1582 {strides = array<i32>} : memref<512x128xi32, #tpu.memory_space<vmem>>, vector<16xi32>,
        %shift_left3A_1586 = arith.constant 2 : i32
        %shift_left3A_1587 = vector.broadcast %shift_left3A_1586 : i32 to vector<16xi32>
        %shift_left3A_1588 = arith.shli %gather3A_1551, %shift_left3A_1587 : vector<16xi32>
        %or3A_1589 = arith.ori %shift_left3A_1588, %shift_right_logical3A_1565 : vector<16xi32>
        %add3A_1590 = arith.constant 16 : i32
        %add3A_1591 = arith.addi %shift_left3A_1578, %add3A_1590 : i32
        %swap3A_1592 = arith.index_cast %add3A_1572 : i32 to index
        %swap3A_1593 = arith.index_cast %add3A_1591 : i32 to index
        %swap3A_1594 = tpu.vector_load %arg7[%swap3A_1592, %swap3A_1593] {strides = array<i32>} : memref<512x128xi32, #tpu.memory_space<vmem>>, vector<16xi32>,
        tpu.vector_store %arg7[%swap3A_1592, %swap3A_1593], %or3A_1589 {strides = array<i32>} : memref<512x128xi32, #tpu.memory_space<vmem>>, vector<16xi32>,
        %mul3A_1595 = arith.constant 16 : i32
        %mul3A_1596 = arith.muli %mul3A_1595, %add3A_1023 : i32
        %add3A_1597 = arith.constant 7 : i32
        %add3A_1598 = arith.addi %mul3A_1596, %add3A_1597 : i32
        %broadcast_in_dim3A_1599 = vector.shape_cast %broadcast_in_dim3A_42 : vector<16xi32> to vector<16x1xi32>
        %gather3A_1600 = vector.shape_cast %broadcast_in_dim3A_1599 : vector<16x1xi32> to vector<16xi32>
        %gather3A_1601 = tpu.dynamic_gather %get3A_1027[%gather3A_1600] in [0] : vector<16xi32>, vector<16xi32> -> vector<16xi32>
        %and3A_1602 = arith.constant 3 : i32
        %and3A_1603 = vector.broadcast %and3A_1602 : i32 to vector<16xi32>
        %and3A_1604 = arith.andi %gather3A_1601, %and3A_1603 : vector<16xi32>
        %shift_right_arithmetic3A_1605 = arith.constant 2 : i32
        %shift_right_arithmetic3A_1606 = vector.broadcast %shift_right_arithmetic3A_1605 : i32 to vector<16xi32>
        %shift_right_arithmetic3A_1607 = arith.shrsi %gather3A_1601, %shift_right_arithmetic3A_1606 : vector<16xi32>
        %shift_right_arithmetic3A_1608 = arith.constant 8 : i32
        %shift_right_arithmetic3A_1609 = vector.broadcast %shift_right_arithmetic3A_1608 : i32 to vector<16xi32>
        %shift_right_arithmetic3A_1610 = arith.shrsi %shift_right_arithmetic3A_1607, %shift_right_arithmetic3A_1609 : vector<16xi32>
        %shift_left3A_1611 = arith.constant 6 : i32
        %shift_left3A_1612 = vector.broadcast %shift_left3A_1611 : i32 to vector<16xi32>
        %shift_left3A_1613 = arith.shli %shift_right_arithmetic3A_1610, %shift_left3A_1612 : vector<16xi32>
        %and3A_1614 = arith.constant 63 : i32
        %and3A_1615 = vector.broadcast %and3A_1614 : i32 to vector<16xi32>
        %and3A_1616 = arith.andi %shift_right_arithmetic3A_1607, %and3A_1615 : vector<16xi32>
        %add3A_1617 = arith.addi %shift_left3A_1613, %and3A_1616 : vector<16xi32>
        %shift_right_arithmetic3A_1618 = arith.constant 6 : i32
        %shift_right_arithmetic3A_1619 = vector.broadcast %shift_right_arithmetic3A_1618 : i32 to vector<16xi32>
        %shift_right_arithmetic3A_1620 = arith.shrsi %shift_right_arithmetic3A_1607, %shift_right_arithmetic3A_1619 : vector<16xi32>
        %and3A_1621 = arith.constant 3 : i32
        %and3A_1622 = vector.broadcast %and3A_1621 : i32 to vector<16xi32>
        %and3A_1623 = arith.andi %shift_right_arithmetic3A_1620, %and3A_1622 : vector<16xi32>
        %shift_left3A_1624 = arith.constant 5 : i32
        %shift_left3A_1625 = vector.broadcast %shift_left3A_1624 : i32 to vector<16xi32>
        %shift_left3A_1626 = arith.shli %and3A_1623, %shift_left3A_1625 : vector<16xi32>
        %add3A_1627 = arith.addi %shift_left3A_1626, %iota3A : vector<16xi32>
        %gather3A_1628 = tpu.vector_load_idx %arg7[%add3A_1617, %add3A_1627] : memref<512x128xi32, #tpu.memory_space<vmem>>[vector<16xi32>, vector<16xi32>], vector<16xi32>,
        %add3A_1629 = arith.constant 16 : i32
        %add3A_1630 = vector.broadcast %add3A_1629 : i32 to vector<16xi32>
        %add3A_1631 = arith.addi %add3A_1627, %add3A_1630 : vector<16xi32>
        %gather3A_1632 = tpu.vector_load_idx %arg7[%add3A_1617, %add3A_1631] : memref<512x128xi32, #tpu.memory_space<vmem>>[vector<16xi32>, vector<16xi32>], vector<16xi32>,
        %broadcast_in_dim3A_1633 = vector.shape_cast %and3A_7 : vector<16xi32> to vector<16x1xi32>
        %gather3A_1634 = vector.shape_cast %broadcast_in_dim3A_1633 : vector<16x1xi32> to vector<16xi32>
        %gather3A_1635 = tpu.dynamic_gather %gather3A_1628[%gather3A_1634] in [0] : vector<16xi32>, vector<16xi32> -> vector<16xi32>
        %broadcast_in_dim3A_1636 = vector.shape_cast %and3A_7 : vector<16xi32> to vector<16x1xi32>
        %gather3A_1637 = vector.shape_cast %broadcast_in_dim3A_1636 : vector<16x1xi32> to vector<16xi32>
        %gather3A_1638 = tpu.dynamic_gather %gather3A_1632[%gather3A_1637] in [0] : vector<16xi32>, vector<16xi32> -> vector<16xi32>
        %shift_right_logical3A_1639 = arith.constant 30 : i32
        %shift_right_logical3A_1640 = vector.broadcast %shift_right_logical3A_1639 : i32 to vector<16xi32>
        %shift_right_logical3A_1641 = arith.shrui %gather3A_1635, %shift_right_logical3A_1640 : vector<16xi32>
        %select_n3A_1642 = arith.select %eq3A_9, %and3A_1604, %shift_right_logical3A_1641 : vector<16xi1>, vector<16xi32>
        %select_n3A_1643 = arith.select %eq3A_9, %gather3A_1635, %gather3A_1638 : vector<16xi1>, vector<16xi32>
        %shift_right_logical3A_1644 = arith.constant 30 : i32
        %shift_right_logical3A_1645 = vector.broadcast %shift_right_logical3A_1644 : i32 to vector<16xi32>
        %shift_right_logical3A_1646 = arith.shrui %select_n3A_1643, %shift_right_logical3A_1645 : vector<16xi32>
        %shift_right_arithmetic3A_1647 = arith.constant 8 : i32
        %shift_right_arithmetic3A_1648 = arith.shrsi %add3A_1598, %shift_right_arithmetic3A_1647 : i32
        %shift_left3A_1649 = arith.constant 6 : i32
        %shift_left3A_1650 = arith.shli %shift_right_arithmetic3A_1648, %shift_left3A_1649 : i32
        %and3A_1651 = arith.constant 63 : i32
        %and3A_1652 = arith.andi %add3A_1598, %and3A_1651 : i32
        %add3A_1653 = arith.addi %shift_left3A_1650, %and3A_1652 : i32
        %shift_right_arithmetic3A_1654 = arith.constant 6 : i32
        %shift_right_arithmetic3A_1655 = arith.shrsi %add3A_1598, %shift_right_arithmetic3A_1654 : i32
        %and3A_1656 = arith.constant 3 : i32
        %and3A_1657 = arith.andi %shift_right_arithmetic3A_1655, %and3A_1656 : i32
        %shift_left3A_1658 = arith.constant 5 : i32
        %shift_left3A_1659 = arith.shli %and3A_1657, %shift_left3A_1658 : i32
        %shift_left3A_1660 = arith.constant 2 : i32
        %shift_left3A_1661 = vector.broadcast %shift_left3A_1660 : i32 to vector<16xi32>
        %shift_left3A_1662 = arith.shli %gather3A_1628, %shift_left3A_1661 : vector<16xi32>
        %or3A_1663 = arith.ori %shift_left3A_1662, %select_n3A_1642 : vector<16xi32>
        %swap3A_1664 = arith.index_cast %add3A_1653 : i32 to index
        %swap3A_1665 = arith.index_cast %shift_left3A_1659 : i32 to index
        %swap3A_1666 = tpu.vector_load %arg7[%swap3A_1664, %swap3A_1665] {strides = array<i32>} : memref<512x128xi32, #tpu.memory_space<vmem>>, vector<16xi32>,
        tpu.vector_store %arg7[%swap3A_1664, %swap3A_1665], %or3A_1663 {strides = array<i32>} : memref<512x128xi32, #tpu.memory_space<vmem>>, vector<16xi32>,
        %shift_left3A_1667 = arith.constant 2 : i32
        %shift_left3A_1668 = vector.broadcast %shift_left3A_1667 : i32 to vector<16xi32>
        %shift_left3A_1669 = arith.shli %gather3A_1632, %shift_left3A_1668 : vector<16xi32>
        %or3A_1670 = arith.ori %shift_left3A_1669, %shift_right_logical3A_1646 : vector<16xi32>
        %add3A_1671 = arith.constant 16 : i32
        %add3A_1672 = arith.addi %shift_left3A_1659, %add3A_1671 : i32
        %swap3A_1673 = arith.index_cast %add3A_1653 : i32 to index
        %swap3A_1674 = arith.index_cast %add3A_1672 : i32 to index
        %swap3A_1675 = tpu.vector_load %arg7[%swap3A_1673, %swap3A_1674] {strides = array<i32>} : memref<512x128xi32, #tpu.memory_space<vmem>>, vector<16xi32>,
        tpu.vector_store %arg7[%swap3A_1673, %swap3A_1674], %or3A_1670 {strides = array<i32>} : memref<512x128xi32, #tpu.memory_space<vmem>>, vector<16xi32>,
        %mul3A_1676 = arith.constant 16 : i32
        %mul3A_1677 = arith.muli %mul3A_1676, %add3A_1023 : i32
        %add3A_1678 = arith.constant 8 : i32
        %add3A_1679 = arith.addi %mul3A_1677, %add3A_1678 : i32
        %broadcast_in_dim3A_1680 = vector.shape_cast %broadcast_in_dim3A_44 : vector<16xi32> to vector<16x1xi32>
        %gather3A_1681 = vector.shape_cast %broadcast_in_dim3A_1680 : vector<16x1xi32> to vector<16xi32>
        %gather3A_1682 = tpu.dynamic_gather %get3A_1027[%gather3A_1681] in [0] : vector<16xi32>, vector<16xi32> -> vector<16xi32>
        %and3A_1683 = arith.constant 3 : i32
        %and3A_1684 = vector.broadcast %and3A_1683 : i32 to vector<16xi32>
        %and3A_1685 = arith.andi %gather3A_1682, %and3A_1684 : vector<16xi32>
        %shift_right_arithmetic3A_1686 = arith.constant 2 : i32
        %shift_right_arithmetic3A_1687 = vector.broadcast %shift_right_arithmetic3A_1686 : i32 to vector<16xi32>
        %shift_right_arithmetic3A_1688 = arith.shrsi %gather3A_1682, %shift_right_arithmetic3A_1687 : vector<16xi32>
        %shift_right_arithmetic3A_1689 = arith.constant 8 : i32
        %shift_right_arithmetic3A_1690 = vector.broadcast %shift_right_arithmetic3A_1689 : i32 to vector<16xi32>
        %shift_right_arithmetic3A_1691 = arith.shrsi %shift_right_arithmetic3A_1688, %shift_right_arithmetic3A_1690 : vector<16xi32>
        %shift_left3A_1692 = arith.constant 6 : i32
        %shift_left3A_1693 = vector.broadcast %shift_left3A_1692 : i32 to vector<16xi32>
        %shift_left3A_1694 = arith.shli %shift_right_arithmetic3A_1691, %shift_left3A_1693 : vector<16xi32>
        %and3A_1695 = arith.constant 63 : i32
        %and3A_1696 = vector.broadcast %and3A_1695 : i32 to vector<16xi32>
        %and3A_1697 = arith.andi %shift_right_arithmetic3A_1688, %and3A_1696 : vector<16xi32>
        %add3A_1698 = arith.addi %shift_left3A_1694, %and3A_1697 : vector<16xi32>
        %shift_right_arithmetic3A_1699 = arith.constant 6 : i32
        %shift_right_arithmetic3A_1700 = vector.broadcast %shift_right_arithmetic3A_1699 : i32 to vector<16xi32>
        %shift_right_arithmetic3A_1701 = arith.shrsi %shift_right_arithmetic3A_1688, %shift_right_arithmetic3A_1700 : vector<16xi32>
        %and3A_1702 = arith.constant 3 : i32
        %and3A_1703 = vector.broadcast %and3A_1702 : i32 to vector<16xi32>
        %and3A_1704 = arith.andi %shift_right_arithmetic3A_1701, %and3A_1703 : vector<16xi32>
        %shift_left3A_1705 = arith.constant 5 : i32
        %shift_left3A_1706 = vector.broadcast %shift_left3A_1705 : i32 to vector<16xi32>
        %shift_left3A_1707 = arith.shli %and3A_1704, %shift_left3A_1706 : vector<16xi32>
        %add3A_1708 = arith.addi %shift_left3A_1707, %iota3A : vector<16xi32>
        %gather3A_1709 = tpu.vector_load_idx %arg7[%add3A_1698, %add3A_1708] : memref<512x128xi32, #tpu.memory_space<vmem>>[vector<16xi32>, vector<16xi32>], vector<16xi32>,
        %add3A_1710 = arith.constant 16 : i32
        %add3A_1711 = vector.broadcast %add3A_1710 : i32 to vector<16xi32>
        %add3A_1712 = arith.addi %add3A_1708, %add3A_1711 : vector<16xi32>
        %gather3A_1713 = tpu.vector_load_idx %arg7[%add3A_1698, %add3A_1712] : memref<512x128xi32, #tpu.memory_space<vmem>>[vector<16xi32>, vector<16xi32>], vector<16xi32>,
        %broadcast_in_dim3A_1714 = vector.shape_cast %and3A_7 : vector<16xi32> to vector<16x1xi32>
        %gather3A_1715 = vector.shape_cast %broadcast_in_dim3A_1714 : vector<16x1xi32> to vector<16xi32>
        %gather3A_1716 = tpu.dynamic_gather %gather3A_1709[%gather3A_1715] in [0] : vector<16xi32>, vector<16xi32> -> vector<16xi32>
        %broadcast_in_dim3A_1717 = vector.shape_cast %and3A_7 : vector<16xi32> to vector<16x1xi32>
        %gather3A_1718 = vector.shape_cast %broadcast_in_dim3A_1717 : vector<16x1xi32> to vector<16xi32>
        %gather3A_1719 = tpu.dynamic_gather %gather3A_1713[%gather3A_1718] in [0] : vector<16xi32>, vector<16xi32> -> vector<16xi32>
        %shift_right_logical3A_1720 = arith.constant 30 : i32
        %shift_right_logical3A_1721 = vector.broadcast %shift_right_logical3A_1720 : i32 to vector<16xi32>
        %shift_right_logical3A_1722 = arith.shrui %gather3A_1716, %shift_right_logical3A_1721 : vector<16xi32>
        %select_n3A_1723 = arith.select %eq3A_9, %and3A_1685, %shift_right_logical3A_1722 : vector<16xi1>, vector<16xi32>
        %select_n3A_1724 = arith.select %eq3A_9, %gather3A_1716, %gather3A_1719 : vector<16xi1>, vector<16xi32>
        %shift_right_logical3A_1725 = arith.constant 30 : i32
        %shift_right_logical3A_1726 = vector.broadcast %shift_right_logical3A_1725 : i32 to vector<16xi32>
        %shift_right_logical3A_1727 = arith.shrui %select_n3A_1724, %shift_right_logical3A_1726 : vector<16xi32>
        %shift_right_arithmetic3A_1728 = arith.constant 8 : i32
        %shift_right_arithmetic3A_1729 = arith.shrsi %add3A_1679, %shift_right_arithmetic3A_1728 : i32
        %shift_left3A_1730 = arith.constant 6 : i32
        %shift_left3A_1731 = arith.shli %shift_right_arithmetic3A_1729, %shift_left3A_1730 : i32
        %and3A_1732 = arith.constant 63 : i32
        %and3A_1733 = arith.andi %add3A_1679, %and3A_1732 : i32
        %add3A_1734 = arith.addi %shift_left3A_1731, %and3A_1733 : i32
        %shift_right_arithmetic3A_1735 = arith.constant 6 : i32
        %shift_right_arithmetic3A_1736 = arith.shrsi %add3A_1679, %shift_right_arithmetic3A_1735 : i32
        %and3A_1737 = arith.constant 3 : i32
        %and3A_1738 = arith.andi %shift_right_arithmetic3A_1736, %and3A_1737 : i32
        %shift_left3A_1739 = arith.constant 5 : i32
        %shift_left3A_1740 = arith.shli %and3A_1738, %shift_left3A_1739 : i32
        %shift_left3A_1741 = arith.constant 2 : i32
        %shift_left3A_1742 = vector.broadcast %shift_left3A_1741 : i32 to vector<16xi32>
        %shift_left3A_1743 = arith.shli %gather3A_1709, %shift_left3A_1742 : vector<16xi32>
        %or3A_1744 = arith.ori %shift_left3A_1743, %select_n3A_1723 : vector<16xi32>
        %swap3A_1745 = arith.index_cast %add3A_1734 : i32 to index
        %swap3A_1746 = arith.index_cast %shift_left3A_1740 : i32 to index
        %swap3A_1747 = tpu.vector_load %arg7[%swap3A_1745, %swap3A_1746] {strides = array<i32>} : memref<512x128xi32, #tpu.memory_space<vmem>>, vector<16xi32>,
        tpu.vector_store %arg7[%swap3A_1745, %swap3A_1746], %or3A_1744 {strides = array<i32>} : memref<512x128xi32, #tpu.memory_space<vmem>>, vector<16xi32>,
        %shift_left3A_1748 = arith.constant 2 : i32
        %shift_left3A_1749 = vector.broadcast %shift_left3A_1748 : i32 to vector<16xi32>
        %shift_left3A_1750 = arith.shli %gather3A_1713, %shift_left3A_1749 : vector<16xi32>
        %or3A_1751 = arith.ori %shift_left3A_1750, %shift_right_logical3A_1727 : vector<16xi32>
        %add3A_1752 = arith.constant 16 : i32
        %add3A_1753 = arith.addi %shift_left3A_1740, %add3A_1752 : i32
        %swap3A_1754 = arith.index_cast %add3A_1734 : i32 to index
        %swap3A_1755 = arith.index_cast %add3A_1753 : i32 to index
        %swap3A_1756 = tpu.vector_load %arg7[%swap3A_1754, %swap3A_1755] {strides = array<i32>} : memref<512x128xi32, #tpu.memory_space<vmem>>, vector<16xi32>,
        tpu.vector_store %arg7[%swap3A_1754, %swap3A_1755], %or3A_1751 {strides = array<i32>} : memref<512x128xi32, #tpu.memory_space<vmem>>, vector<16xi32>,
        %mul3A_1757 = arith.constant 16 : i32
        %mul3A_1758 = arith.muli %mul3A_1757, %add3A_1023 : i32
        %add3A_1759 = arith.constant 9 : i32
        %add3A_1760 = arith.addi %mul3A_1758, %add3A_1759 : i32
        %broadcast_in_dim3A_1761 = vector.shape_cast %broadcast_in_dim3A_46 : vector<16xi32> to vector<16x1xi32>
        %gather3A_1762 = vector.shape_cast %broadcast_in_dim3A_1761 : vector<16x1xi32> to vector<16xi32>
        %gather3A_1763 = tpu.dynamic_gather %get3A_1027[%gather3A_1762] in [0] : vector<16xi32>, vector<16xi32> -> vector<16xi32>
        %and3A_1764 = arith.constant 3 : i32
        %and3A_1765 = vector.broadcast %and3A_1764 : i32 to vector<16xi32>
        %and3A_1766 = arith.andi %gather3A_1763, %and3A_1765 : vector<16xi32>
        %shift_right_arithmetic3A_1767 = arith.constant 2 : i32
        %shift_right_arithmetic3A_1768 = vector.broadcast %shift_right_arithmetic3A_1767 : i32 to vector<16xi32>
        %shift_right_arithmetic3A_1769 = arith.shrsi %gather3A_1763, %shift_right_arithmetic3A_1768 : vector<16xi32>
        %shift_right_arithmetic3A_1770 = arith.constant 8 : i32
        %shift_right_arithmetic3A_1771 = vector.broadcast %shift_right_arithmetic3A_1770 : i32 to vector<16xi32>
        %shift_right_arithmetic3A_1772 = arith.shrsi %shift_right_arithmetic3A_1769, %shift_right_arithmetic3A_1771 : vector<16xi32>
        %shift_left3A_1773 = arith.constant 6 : i32
        %shift_left3A_1774 = vector.broadcast %shift_left3A_1773 : i32 to vector<16xi32>
        %shift_left3A_1775 = arith.shli %shift_right_arithmetic3A_1772, %shift_left3A_1774 : vector<16xi32>
        %and3A_1776 = arith.constant 63 : i32
        %and3A_1777 = vector.broadcast %and3A_1776 : i32 to vector<16xi32>
        %and3A_1778 = arith.andi %shift_right_arithmetic3A_1769, %and3A_1777 : vector<16xi32>
        %add3A_1779 = arith.addi %shift_left3A_1775, %and3A_1778 : vector<16xi32>
        %shift_right_arithmetic3A_1780 = arith.constant 6 : i32
        %shift_right_arithmetic3A_1781 = vector.broadcast %shift_right_arithmetic3A_1780 : i32 to vector<16xi32>
        %shift_right_arithmetic3A_1782 = arith.shrsi %shift_right_arithmetic3A_1769, %shift_right_arithmetic3A_1781 : vector<16xi32>
        %and3A_1783 = arith.constant 3 : i32
        %and3A_1784 = vector.broadcast %and3A_1783 : i32 to vector<16xi32>
        %and3A_1785 = arith.andi %shift_right_arithmetic3A_1782, %and3A_1784 : vector<16xi32>
        %shift_left3A_1786 = arith.constant 5 : i32
        %shift_left3A_1787 = vector.broadcast %shift_left3A_1786 : i32 to vector<16xi32>
        %shift_left3A_1788 = arith.shli %and3A_1785, %shift_left3A_1787 : vector<16xi32>
        %add3A_1789 = arith.addi %shift_left3A_1788, %iota3A : vector<16xi32>
        %gather3A_1790 = tpu.vector_load_idx %arg7[%add3A_1779, %add3A_1789] : memref<512x128xi32, #tpu.memory_space<vmem>>[vector<16xi32>, vector<16xi32>], vector<16xi32>,
        %add3A_1791 = arith.constant 16 : i32
        %add3A_1792 = vector.broadcast %add3A_1791 : i32 to vector<16xi32>
        %add3A_1793 = arith.addi %add3A_1789, %add3A_1792 : vector<16xi32>
        %gather3A_1794 = tpu.vector_load_idx %arg7[%add3A_1779, %add3A_1793] : memref<512x128xi32, #tpu.memory_space<vmem>>[vector<16xi32>, vector<16xi32>], vector<16xi32>,
        %broadcast_in_dim3A_1795 = vector.shape_cast %and3A_7 : vector<16xi32> to vector<16x1xi32>
        %gather3A_1796 = vector.shape_cast %broadcast_in_dim3A_1795 : vector<16x1xi32> to vector<16xi32>
        %gather3A_1797 = tpu.dynamic_gather %gather3A_1790[%gather3A_1796] in [0] : vector<16xi32>, vector<16xi32> -> vector<16xi32>
        %broadcast_in_dim3A_1798 = vector.shape_cast %and3A_7 : vector<16xi32> to vector<16x1xi32>
        %gather3A_1799 = vector.shape_cast %broadcast_in_dim3A_1798 : vector<16x1xi32> to vector<16xi32>
        %gather3A_1800 = tpu.dynamic_gather %gather3A_1794[%gather3A_1799] in [0] : vector<16xi32>, vector<16xi32> -> vector<16xi32>
        %shift_right_logical3A_1801 = arith.constant 30 : i32
        %shift_right_logical3A_1802 = vector.broadcast %shift_right_logical3A_1801 : i32 to vector<16xi32>
        %shift_right_logical3A_1803 = arith.shrui %gather3A_1797, %shift_right_logical3A_1802 : vector<16xi32>
        %select_n3A_1804 = arith.select %eq3A_9, %and3A_1766, %shift_right_logical3A_1803 : vector<16xi1>, vector<16xi32>
        %select_n3A_1805 = arith.select %eq3A_9, %gather3A_1797, %gather3A_1800 : vector<16xi1>, vector<16xi32>
        %shift_right_logical3A_1806 = arith.constant 30 : i32
        %shift_right_logical3A_1807 = vector.broadcast %shift_right_logical3A_1806 : i32 to vector<16xi32>
        %shift_right_logical3A_1808 = arith.shrui %select_n3A_1805, %shift_right_logical3A_1807 : vector<16xi32>
        %shift_right_arithmetic3A_1809 = arith.constant 8 : i32
        %shift_right_arithmetic3A_1810 = arith.shrsi %add3A_1760, %shift_right_arithmetic3A_1809 : i32
        %shift_left3A_1811 = arith.constant 6 : i32
        %shift_left3A_1812 = arith.shli %shift_right_arithmetic3A_1810, %shift_left3A_1811 : i32
        %and3A_1813 = arith.constant 63 : i32
        %and3A_1814 = arith.andi %add3A_1760, %and3A_1813 : i32
        %add3A_1815 = arith.addi %shift_left3A_1812, %and3A_1814 : i32
        %shift_right_arithmetic3A_1816 = arith.constant 6 : i32
        %shift_right_arithmetic3A_1817 = arith.shrsi %add3A_1760, %shift_right_arithmetic3A_1816 : i32
        %and3A_1818 = arith.constant 3 : i32
        %and3A_1819 = arith.andi %shift_right_arithmetic3A_1817, %and3A_1818 : i32
        %shift_left3A_1820 = arith.constant 5 : i32
        %shift_left3A_1821 = arith.shli %and3A_1819, %shift_left3A_1820 : i32
        %shift_left3A_1822 = arith.constant 2 : i32
        %shift_left3A_1823 = vector.broadcast %shift_left3A_1822 : i32 to vector<16xi32>
        %shift_left3A_1824 = arith.shli %gather3A_1790, %shift_left3A_1823 : vector<16xi32>
        %or3A_1825 = arith.ori %shift_left3A_1824, %select_n3A_1804 : vector<16xi32>
        %swap3A_1826 = arith.index_cast %add3A_1815 : i32 to index
        %swap3A_1827 = arith.index_cast %shift_left3A_1821 : i32 to index
        %swap3A_1828 = tpu.vector_load %arg7[%swap3A_1826, %swap3A_1827] {strides = array<i32>} : memref<512x128xi32, #tpu.memory_space<vmem>>, vector<16xi32>,
        tpu.vector_store %arg7[%swap3A_1826, %swap3A_1827], %or3A_1825 {strides = array<i32>} : memref<512x128xi32, #tpu.memory_space<vmem>>, vector<16xi32>,
        %shift_left3A_1829 = arith.constant 2 : i32
        %shift_left3A_1830 = vector.broadcast %shift_left3A_1829 : i32 to vector<16xi32>
        %shift_left3A_1831 = arith.shli %gather3A_1794, %shift_left3A_1830 : vector<16xi32>
        %or3A_1832 = arith.ori %shift_left3A_1831, %shift_right_logical3A_1808 : vector<16xi32>
        %add3A_1833 = arith.constant 16 : i32
        %add3A_1834 = arith.addi %shift_left3A_1821, %add3A_1833 : i32
        %swap3A_1835 = arith.index_cast %add3A_1815 : i32 to index
        %swap3A_1836 = arith.index_cast %add3A_1834 : i32 to index
        %swap3A_1837 = tpu.vector_load %arg7[%swap3A_1835, %swap3A_1836] {strides = array<i32>} : memref<512x128xi32, #tpu.memory_space<vmem>>, vector<16xi32>,
        tpu.vector_store %arg7[%swap3A_1835, %swap3A_1836], %or3A_1832 {strides = array<i32>} : memref<512x128xi32, #tpu.memory_space<vmem>>, vector<16xi32>,
        %mul3A_1838 = arith.constant 16 : i32
        %mul3A_1839 = arith.muli %mul3A_1838, %add3A_1023 : i32
        %add3A_1840 = arith.constant 10 : i32
        %add3A_1841 = arith.addi %mul3A_1839, %add3A_1840 : i32
        %broadcast_in_dim3A_1842 = vector.shape_cast %broadcast_in_dim3A_48 : vector<16xi32> to vector<16x1xi32>
        %gather3A_1843 = vector.shape_cast %broadcast_in_dim3A_1842 : vector<16x1xi32> to vector<16xi32>
        %gather3A_1844 = tpu.dynamic_gather %get3A_1027[%gather3A_1843] in [0] : vector<16xi32>, vector<16xi32> -> vector<16xi32>
        %and3A_1845 = arith.constant 3 : i32
        %and3A_1846 = vector.broadcast %and3A_1845 : i32 to vector<16xi32>
        %and3A_1847 = arith.andi %gather3A_1844, %and3A_1846 : vector<16xi32>
        %shift_right_arithmetic3A_1848 = arith.constant 2 : i32
        %shift_right_arithmetic3A_1849 = vector.broadcast %shift_right_arithmetic3A_1848 : i32 to vector<16xi32>
        %shift_right_arithmetic3A_1850 = arith.shrsi %gather3A_1844, %shift_right_arithmetic3A_1849 : vector<16xi32>
        %shift_right_arithmetic3A_1851 = arith.constant 8 : i32
        %shift_right_arithmetic3A_1852 = vector.broadcast %shift_right_arithmetic3A_1851 : i32 to vector<16xi32>
        %shift_right_arithmetic3A_1853 = arith.shrsi %shift_right_arithmetic3A_1850, %shift_right_arithmetic3A_1852 : vector<16xi32>
        %shift_left3A_1854 = arith.constant 6 : i32
        %shift_left3A_1855 = vector.broadcast %shift_left3A_1854 : i32 to vector<16xi32>
        %shift_left3A_1856 = arith.shli %shift_right_arithmetic3A_1853, %shift_left3A_1855 : vector<16xi32>
        %and3A_1857 = arith.constant 63 : i32
        %and3A_1858 = vector.broadcast %and3A_1857 : i32 to vector<16xi32>
        %and3A_1859 = arith.andi %shift_right_arithmetic3A_1850, %and3A_1858 : vector<16xi32>
        %add3A_1860 = arith.addi %shift_left3A_1856, %and3A_1859 : vector<16xi32>
        %shift_right_arithmetic3A_1861 = arith.constant 6 : i32
        %shift_right_arithmetic3A_1862 = vector.broadcast %shift_right_arithmetic3A_1861 : i32 to vector<16xi32>
        %shift_right_arithmetic3A_1863 = arith.shrsi %shift_right_arithmetic3A_1850, %shift_right_arithmetic3A_1862 : vector<16xi32>
        %and3A_1864 = arith.constant 3 : i32
        %and3A_1865 = vector.broadcast %and3A_1864 : i32 to vector<16xi32>
        %and3A_1866 = arith.andi %shift_right_arithmetic3A_1863, %and3A_1865 : vector<16xi32>
        %shift_left3A_1867 = arith.constant 5 : i32
        %shift_left3A_1868 = vector.broadcast %shift_left3A_1867 : i32 to vector<16xi32>
        %shift_left3A_1869 = arith.shli %and3A_1866, %shift_left3A_1868 : vector<16xi32>
        %add3A_1870 = arith.addi %shift_left3A_1869, %iota3A : vector<16xi32>
        %gather3A_1871 = tpu.vector_load_idx %arg7[%add3A_1860, %add3A_1870] : memref<512x128xi32, #tpu.memory_space<vmem>>[vector<16xi32>, vector<16xi32>], vector<16xi32>,
        %add3A_1872 = arith.constant 16 : i32
        %add3A_1873 = vector.broadcast %add3A_1872 : i32 to vector<16xi32>
        %add3A_1874 = arith.addi %add3A_1870, %add3A_1873 : vector<16xi32>
        %gather3A_1875 = tpu.vector_load_idx %arg7[%add3A_1860, %add3A_1874] : memref<512x128xi32, #tpu.memory_space<vmem>>[vector<16xi32>, vector<16xi32>], vector<16xi32>,
        %broadcast_in_dim3A_1876 = vector.shape_cast %and3A_7 : vector<16xi32> to vector<16x1xi32>
        %gather3A_1877 = vector.shape_cast %broadcast_in_dim3A_1876 : vector<16x1xi32> to vector<16xi32>
        %gather3A_1878 = tpu.dynamic_gather %gather3A_1871[%gather3A_1877] in [0] : vector<16xi32>, vector<16xi32> -> vector<16xi32>
        %broadcast_in_dim3A_1879 = vector.shape_cast %and3A_7 : vector<16xi32> to vector<16x1xi32>
        %gather3A_1880 = vector.shape_cast %broadcast_in_dim3A_1879 : vector<16x1xi32> to vector<16xi32>
        %gather3A_1881 = tpu.dynamic_gather %gather3A_1875[%gather3A_1880] in [0] : vector<16xi32>, vector<16xi32> -> vector<16xi32>
        %shift_right_logical3A_1882 = arith.constant 30 : i32
        %shift_right_logical3A_1883 = vector.broadcast %shift_right_logical3A_1882 : i32 to vector<16xi32>
        %shift_right_logical3A_1884 = arith.shrui %gather3A_1878, %shift_right_logical3A_1883 : vector<16xi32>
        %select_n3A_1885 = arith.select %eq3A_9, %and3A_1847, %shift_right_logical3A_1884 : vector<16xi1>, vector<16xi32>
        %select_n3A_1886 = arith.select %eq3A_9, %gather3A_1878, %gather3A_1881 : vector<16xi1>, vector<16xi32>
        %shift_right_logical3A_1887 = arith.constant 30 : i32
        %shift_right_logical3A_1888 = vector.broadcast %shift_right_logical3A_1887 : i32 to vector<16xi32>
        %shift_right_logical3A_1889 = arith.shrui %select_n3A_1886, %shift_right_logical3A_1888 : vector<16xi32>
        %shift_right_arithmetic3A_1890 = arith.constant 8 : i32
        %shift_right_arithmetic3A_1891 = arith.shrsi %add3A_1841, %shift_right_arithmetic3A_1890 : i32
        %shift_left3A_1892 = arith.constant 6 : i32
        %shift_left3A_1893 = arith.shli %shift_right_arithmetic3A_1891, %shift_left3A_1892 : i32
        %and3A_1894 = arith.constant 63 : i32
        %and3A_1895 = arith.andi %add3A_1841, %and3A_1894 : i32
        %add3A_1896 = arith.addi %shift_left3A_1893, %and3A_1895 : i32
        %shift_right_arithmetic3A_1897 = arith.constant 6 : i32
        %shift_right_arithmetic3A_1898 = arith.shrsi %add3A_1841, %shift_right_arithmetic3A_1897 : i32
        %and3A_1899 = arith.constant 3 : i32
        %and3A_1900 = arith.andi %shift_right_arithmetic3A_1898, %and3A_1899 : i32
        %shift_left3A_1901 = arith.constant 5 : i32
        %shift_left3A_1902 = arith.shli %and3A_1900, %shift_left3A_1901 : i32
        %shift_left3A_1903 = arith.constant 2 : i32
        %shift_left3A_1904 = vector.broadcast %shift_left3A_1903 : i32 to vector<16xi32>
        %shift_left3A_1905 = arith.shli %gather3A_1871, %shift_left3A_1904 : vector<16xi32>
        %or3A_1906 = arith.ori %shift_left3A_1905, %select_n3A_1885 : vector<16xi32>
        %swap3A_1907 = arith.index_cast %add3A_1896 : i32 to index
        %swap3A_1908 = arith.index_cast %shift_left3A_1902 : i32 to index
        %swap3A_1909 = tpu.vector_load %arg7[%swap3A_1907, %swap3A_1908] {strides = array<i32>} : memref<512x128xi32, #tpu.memory_space<vmem>>, vector<16xi32>,
        tpu.vector_store %arg7[%swap3A_1907, %swap3A_1908], %or3A_1906 {strides = array<i32>} : memref<512x128xi32, #tpu.memory_space<vmem>>, vector<16xi32>,
        %shift_left3A_1910 = arith.constant 2 : i32
        %shift_left3A_1911 = vector.broadcast %shift_left3A_1910 : i32 to vector<16xi32>
        %shift_left3A_1912 = arith.shli %gather3A_1875, %shift_left3A_1911 : vector<16xi32>
        %or3A_1913 = arith.ori %shift_left3A_1912, %shift_right_logical3A_1889 : vector<16xi32>
        %add3A_1914 = arith.constant 16 : i32
        %add3A_1915 = arith.addi %shift_left3A_1902, %add3A_1914 : i32
        %swap3A_1916 = arith.index_cast %add3A_1896 : i32 to index
        %swap3A_1917 = arith.index_cast %add3A_1915 : i32 to index
        %swap3A_1918 = tpu.vector_load %arg7[%swap3A_1916, %swap3A_1917] {strides = array<i32>} : memref<512x128xi32, #tpu.memory_space<vmem>>, vector<16xi32>,
        tpu.vector_store %arg7[%swap3A_1916, %swap3A_1917], %or3A_1913 {strides = array<i32>} : memref<512x128xi32, #tpu.memory_space<vmem>>, vector<16xi32>,
        %mul3A_1919 = arith.constant 16 : i32
        %mul3A_1920 = arith.muli %mul3A_1919, %add3A_1023 : i32
        %add3A_1921 = arith.constant 11 : i32
        %add3A_1922 = arith.addi %mul3A_1920, %add3A_1921 : i32
        %broadcast_in_dim3A_1923 = vector.shape_cast %broadcast_in_dim3A_50 : vector<16xi32> to vector<16x1xi32>
        %gather3A_1924 = vector.shape_cast %broadcast_in_dim3A_1923 : vector<16x1xi32> to vector<16xi32>
        %gather3A_1925 = tpu.dynamic_gather %get3A_1027[%gather3A_1924] in [0] : vector<16xi32>, vector<16xi32> -> vector<16xi32>
        %and3A_1926 = arith.constant 3 : i32
        %and3A_1927 = vector.broadcast %and3A_1926 : i32 to vector<16xi32>
        %and3A_1928 = arith.andi %gather3A_1925, %and3A_1927 : vector<16xi32>
        %shift_right_arithmetic3A_1929 = arith.constant 2 : i32
        %shift_right_arithmetic3A_1930 = vector.broadcast %shift_right_arithmetic3A_1929 : i32 to vector<16xi32>
        %shift_right_arithmetic3A_1931 = arith.shrsi %gather3A_1925, %shift_right_arithmetic3A_1930 : vector<16xi32>
        %shift_right_arithmetic3A_1932 = arith.constant 8 : i32
        %shift_right_arithmetic3A_1933 = vector.broadcast %shift_right_arithmetic3A_1932 : i32 to vector<16xi32>
        %shift_right_arithmetic3A_1934 = arith.shrsi %shift_right_arithmetic3A_1931, %shift_right_arithmetic3A_1933 : vector<16xi32>
        %shift_left3A_1935 = arith.constant 6 : i32
        %shift_left3A_1936 = vector.broadcast %shift_left3A_1935 : i32 to vector<16xi32>
        %shift_left3A_1937 = arith.shli %shift_right_arithmetic3A_1934, %shift_left3A_1936 : vector<16xi32>
        %and3A_1938 = arith.constant 63 : i32
        %and3A_1939 = vector.broadcast %and3A_1938 : i32 to vector<16xi32>
        %and3A_1940 = arith.andi %shift_right_arithmetic3A_1931, %and3A_1939 : vector<16xi32>
        %add3A_1941 = arith.addi %shift_left3A_1937, %and3A_1940 : vector<16xi32>
        %shift_right_arithmetic3A_1942 = arith.constant 6 : i32
        %shift_right_arithmetic3A_1943 = vector.broadcast %shift_right_arithmetic3A_1942 : i32 to vector<16xi32>
        %shift_right_arithmetic3A_1944 = arith.shrsi %shift_right_arithmetic3A_1931, %shift_right_arithmetic3A_1943 : vector<16xi32>
        %and3A_1945 = arith.constant 3 : i32
        %and3A_1946 = vector.broadcast %and3A_1945 : i32 to vector<16xi32>
        %and3A_1947 = arith.andi %shift_right_arithmetic3A_1944, %and3A_1946 : vector<16xi32>
        %shift_left3A_1948 = arith.constant 5 : i32
        %shift_left3A_1949 = vector.broadcast %shift_left3A_1948 : i32 to vector<16xi32>
        %shift_left3A_1950 = arith.shli %and3A_1947, %shift_left3A_1949 : vector<16xi32>
        %add3A_1951 = arith.addi %shift_left3A_1950, %iota3A : vector<16xi32>
        %gather3A_1952 = tpu.vector_load_idx %arg7[%add3A_1941, %add3A_1951] : memref<512x128xi32, #tpu.memory_space<vmem>>[vector<16xi32>, vector<16xi32>], vector<16xi32>,
        %add3A_1953 = arith.constant 16 : i32
        %add3A_1954 = vector.broadcast %add3A_1953 : i32 to vector<16xi32>
        %add3A_1955 = arith.addi %add3A_1951, %add3A_1954 : vector<16xi32>
        %gather3A_1956 = tpu.vector_load_idx %arg7[%add3A_1941, %add3A_1955] : memref<512x128xi32, #tpu.memory_space<vmem>>[vector<16xi32>, vector<16xi32>], vector<16xi32>,
        %broadcast_in_dim3A_1957 = vector.shape_cast %and3A_7 : vector<16xi32> to vector<16x1xi32>
        %gather3A_1958 = vector.shape_cast %broadcast_in_dim3A_1957 : vector<16x1xi32> to vector<16xi32>
        %gather3A_1959 = tpu.dynamic_gather %gather3A_1952[%gather3A_1958] in [0] : vector<16xi32>, vector<16xi32> -> vector<16xi32>
        %broadcast_in_dim3A_1960 = vector.shape_cast %and3A_7 : vector<16xi32> to vector<16x1xi32>
        %gather3A_1961 = vector.shape_cast %broadcast_in_dim3A_1960 : vector<16x1xi32> to vector<16xi32>
        %gather3A_1962 = tpu.dynamic_gather %gather3A_1956[%gather3A_1961] in [0] : vector<16xi32>, vector<16xi32> -> vector<16xi32>
        %shift_right_logical3A_1963 = arith.constant 30 : i32
        %shift_right_logical3A_1964 = vector.broadcast %shift_right_logical3A_1963 : i32 to vector<16xi32>
        %shift_right_logical3A_1965 = arith.shrui %gather3A_1959, %shift_right_logical3A_1964 : vector<16xi32>
        %select_n3A_1966 = arith.select %eq3A_9, %and3A_1928, %shift_right_logical3A_1965 : vector<16xi1>, vector<16xi32>
        %select_n3A_1967 = arith.select %eq3A_9, %gather3A_1959, %gather3A_1962 : vector<16xi1>, vector<16xi32>
        %shift_right_logical3A_1968 = arith.constant 30 : i32
        %shift_right_logical3A_1969 = vector.broadcast %shift_right_logical3A_1968 : i32 to vector<16xi32>
        %shift_right_logical3A_1970 = arith.shrui %select_n3A_1967, %shift_right_logical3A_1969 : vector<16xi32>
        %shift_right_arithmetic3A_1971 = arith.constant 8 : i32
        %shift_right_arithmetic3A_1972 = arith.shrsi %add3A_1922, %shift_right_arithmetic3A_1971 : i32
        %shift_left3A_1973 = arith.constant 6 : i32
        %shift_left3A_1974 = arith.shli %shift_right_arithmetic3A_1972, %shift_left3A_1973 : i32
        %and3A_1975 = arith.constant 63 : i32
        %and3A_1976 = arith.andi %add3A_1922, %and3A_1975 : i32
        %add3A_1977 = arith.addi %shift_left3A_1974, %and3A_1976 : i32
        %shift_right_arithmetic3A_1978 = arith.constant 6 : i32
        %shift_right_arithmetic3A_1979 = arith.shrsi %add3A_1922, %shift_right_arithmetic3A_1978 : i32
        %and3A_1980 = arith.constant 3 : i32
        %and3A_1981 = arith.andi %shift_right_arithmetic3A_1979, %and3A_1980 : i32
        %shift_left3A_1982 = arith.constant 5 : i32
        %shift_left3A_1983 = arith.shli %and3A_1981, %shift_left3A_1982 : i32
        %shift_left3A_1984 = arith.constant 2 : i32
        %shift_left3A_1985 = vector.broadcast %shift_left3A_1984 : i32 to vector<16xi32>
        %shift_left3A_1986 = arith.shli %gather3A_1952, %shift_left3A_1985 : vector<16xi32>
        %or3A_1987 = arith.ori %shift_left3A_1986, %select_n3A_1966 : vector<16xi32>
        %swap3A_1988 = arith.index_cast %add3A_1977 : i32 to index
        %swap3A_1989 = arith.index_cast %shift_left3A_1983 : i32 to index
        %swap3A_1990 = tpu.vector_load %arg7[%swap3A_1988, %swap3A_1989] {strides = array<i32>} : memref<512x128xi32, #tpu.memory_space<vmem>>, vector<16xi32>,
        tpu.vector_store %arg7[%swap3A_1988, %swap3A_1989], %or3A_1987 {strides = array<i32>} : memref<512x128xi32, #tpu.memory_space<vmem>>, vector<16xi32>,
        %shift_left3A_1991 = arith.constant 2 : i32
        %shift_left3A_1992 = vector.broadcast %shift_left3A_1991 : i32 to vector<16xi32>
        %shift_left3A_1993 = arith.shli %gather3A_1956, %shift_left3A_1992 : vector<16xi32>
        %or3A_1994 = arith.ori %shift_left3A_1993, %shift_right_logical3A_1970 : vector<16xi32>
        %add3A_1995 = arith.constant 16 : i32
        %add3A_1996 = arith.addi %shift_left3A_1983, %add3A_1995 : i32
        %swap3A_1997 = arith.index_cast %add3A_1977 : i32 to index
        %swap3A_1998 = arith.index_cast %add3A_1996 : i32 to index
        %swap3A_1999 = tpu.vector_load %arg7[%swap3A_1997, %swap3A_1998] {strides = array<i32>} : memref<512x128xi32, #tpu.memory_space<vmem>>, vector<16xi32>,
        tpu.vector_store %arg7[%swap3A_1997, %swap3A_1998], %or3A_1994 {strides = array<i32>} : memref<512x128xi32, #tpu.memory_space<vmem>>, vector<16xi32>,
        %mul3A_2000 = arith.constant 16 : i32
        %mul3A_2001 = arith.muli %mul3A_2000, %add3A_1023 : i32
        %add3A_2002 = arith.constant 12 : i32
        %add3A_2003 = arith.addi %mul3A_2001, %add3A_2002 : i32
        %broadcast_in_dim3A_2004 = vector.shape_cast %broadcast_in_dim3A_52 : vector<16xi32> to vector<16x1xi32>
        %gather3A_2005 = vector.shape_cast %broadcast_in_dim3A_2004 : vector<16x1xi32> to vector<16xi32>
        %gather3A_2006 = tpu.dynamic_gather %get3A_1027[%gather3A_2005] in [0] : vector<16xi32>, vector<16xi32> -> vector<16xi32>
        %and3A_2007 = arith.constant 3 : i32
        %and3A_2008 = vector.broadcast %and3A_2007 : i32 to vector<16xi32>
        %and3A_2009 = arith.andi %gather3A_2006, %and3A_2008 : vector<16xi32>
        %shift_right_arithmetic3A_2010 = arith.constant 2 : i32
        %shift_right_arithmetic3A_2011 = vector.broadcast %shift_right_arithmetic3A_2010 : i32 to vector<16xi32>
        %shift_right_arithmetic3A_2012 = arith.shrsi %gather3A_2006, %shift_right_arithmetic3A_2011 : vector<16xi32>
        %shift_right_arithmetic3A_2013 = arith.constant 8 : i32
        %shift_right_arithmetic3A_2014 = vector.broadcast %shift_right_arithmetic3A_2013 : i32 to vector<16xi32>
        %shift_right_arithmetic3A_2015 = arith.shrsi %shift_right_arithmetic3A_2012, %shift_right_arithmetic3A_2014 : vector<16xi32>
        %shift_left3A_2016 = arith.constant 6 : i32
        %shift_left3A_2017 = vector.broadcast %shift_left3A_2016 : i32 to vector<16xi32>
        %shift_left3A_2018 = arith.shli %shift_right_arithmetic3A_2015, %shift_left3A_2017 : vector<16xi32>
        %and3A_2019 = arith.constant 63 : i32
        %and3A_2020 = vector.broadcast %and3A_2019 : i32 to vector<16xi32>
        %and3A_2021 = arith.andi %shift_right_arithmetic3A_2012, %and3A_2020 : vector<16xi32>
        %add3A_2022 = arith.addi %shift_left3A_2018, %and3A_2021 : vector<16xi32>
        %shift_right_arithmetic3A_2023 = arith.constant 6 : i32
        %shift_right_arithmetic3A_2024 = vector.broadcast %shift_right_arithmetic3A_2023 : i32 to vector<16xi32>
        %shift_right_arithmetic3A_2025 = arith.shrsi %shift_right_arithmetic3A_2012, %shift_right_arithmetic3A_2024 : vector<16xi32>
        %and3A_2026 = arith.constant 3 : i32
        %and3A_2027 = vector.broadcast %and3A_2026 : i32 to vector<16xi32>
        %and3A_2028 = arith.andi %shift_right_arithmetic3A_2025, %and3A_2027 : vector<16xi32>
        %shift_left3A_2029 = arith.constant 5 : i32
        %shift_left3A_2030 = vector.broadcast %shift_left3A_2029 : i32 to vector<16xi32>
        %shift_left3A_2031 = arith.shli %and3A_2028, %shift_left3A_2030 : vector<16xi32>
        %add3A_2032 = arith.addi %shift_left3A_2031, %iota3A : vector<16xi32>
        %gather3A_2033 = tpu.vector_load_idx %arg7[%add3A_2022, %add3A_2032] : memref<512x128xi32, #tpu.memory_space<vmem>>[vector<16xi32>, vector<16xi32>], vector<16xi32>,
        %add3A_2034 = arith.constant 16 : i32
        %add3A_2035 = vector.broadcast %add3A_2034 : i32 to vector<16xi32>
        %add3A_2036 = arith.addi %add3A_2032, %add3A_2035 : vector<16xi32>
        %gather3A_2037 = tpu.vector_load_idx %arg7[%add3A_2022, %add3A_2036] : memref<512x128xi32, #tpu.memory_space<vmem>>[vector<16xi32>, vector<16xi32>], vector<16xi32>,
        %broadcast_in_dim3A_2038 = vector.shape_cast %and3A_7 : vector<16xi32> to vector<16x1xi32>
        %gather3A_2039 = vector.shape_cast %broadcast_in_dim3A_2038 : vector<16x1xi32> to vector<16xi32>
        %gather3A_2040 = tpu.dynamic_gather %gather3A_2033[%gather3A_2039] in [0] : vector<16xi32>, vector<16xi32> -> vector<16xi32>
        %broadcast_in_dim3A_2041 = vector.shape_cast %and3A_7 : vector<16xi32> to vector<16x1xi32>
        %gather3A_2042 = vector.shape_cast %broadcast_in_dim3A_2041 : vector<16x1xi32> to vector<16xi32>
        %gather3A_2043 = tpu.dynamic_gather %gather3A_2037[%gather3A_2042] in [0] : vector<16xi32>, vector<16xi32> -> vector<16xi32>
        %shift_right_logical3A_2044 = arith.constant 30 : i32
        %shift_right_logical3A_2045 = vector.broadcast %shift_right_logical3A_2044 : i32 to vector<16xi32>
        %shift_right_logical3A_2046 = arith.shrui %gather3A_2040, %shift_right_logical3A_2045 : vector<16xi32>
        %select_n3A_2047 = arith.select %eq3A_9, %and3A_2009, %shift_right_logical3A_2046 : vector<16xi1>, vector<16xi32>
        %select_n3A_2048 = arith.select %eq3A_9, %gather3A_2040, %gather3A_2043 : vector<16xi1>, vector<16xi32>
        %shift_right_logical3A_2049 = arith.constant 30 : i32
        %shift_right_logical3A_2050 = vector.broadcast %shift_right_logical3A_2049 : i32 to vector<16xi32>
        %shift_right_logical3A_2051 = arith.shrui %select_n3A_2048, %shift_right_logical3A_2050 : vector<16xi32>
        %shift_right_arithmetic3A_2052 = arith.constant 8 : i32
        %shift_right_arithmetic3A_2053 = arith.shrsi %add3A_2003, %shift_right_arithmetic3A_2052 : i32
        %shift_left3A_2054 = arith.constant 6 : i32
        %shift_left3A_2055 = arith.shli %shift_right_arithmetic3A_2053, %shift_left3A_2054 : i32
        %and3A_2056 = arith.constant 63 : i32
        %and3A_2057 = arith.andi %add3A_2003, %and3A_2056 : i32
        %add3A_2058 = arith.addi %shift_left3A_2055, %and3A_2057 : i32
        %shift_right_arithmetic3A_2059 = arith.constant 6 : i32
        %shift_right_arithmetic3A_2060 = arith.shrsi %add3A_2003, %shift_right_arithmetic3A_2059 : i32
        %and3A_2061 = arith.constant 3 : i32
        %and3A_2062 = arith.andi %shift_right_arithmetic3A_2060, %and3A_2061 : i32
        %shift_left3A_2063 = arith.constant 5 : i32
        %shift_left3A_2064 = arith.shli %and3A_2062, %shift_left3A_2063 : i32
        %shift_left3A_2065 = arith.constant 2 : i32
        %shift_left3A_2066 = vector.broadcast %shift_left3A_2065 : i32 to vector<16xi32>
        %shift_left3A_2067 = arith.shli %gather3A_2033, %shift_left3A_2066 : vector<16xi32>
        %or3A_2068 = arith.ori %shift_left3A_2067, %select_n3A_2047 : vector<16xi32>
        %swap3A_2069 = arith.index_cast %add3A_2058 : i32 to index
        %swap3A_2070 = arith.index_cast %shift_left3A_2064 : i32 to index
        %swap3A_2071 = tpu.vector_load %arg7[%swap3A_2069, %swap3A_2070] {strides = array<i32>} : memref<512x128xi32, #tpu.memory_space<vmem>>, vector<16xi32>,
        tpu.vector_store %arg7[%swap3A_2069, %swap3A_2070], %or3A_2068 {strides = array<i32>} : memref<512x128xi32, #tpu.memory_space<vmem>>, vector<16xi32>,
        %shift_left3A_2072 = arith.constant 2 : i32
        %shift_left3A_2073 = vector.broadcast %shift_left3A_2072 : i32 to vector<16xi32>
        %shift_left3A_2074 = arith.shli %gather3A_2037, %shift_left3A_2073 : vector<16xi32>
        %or3A_2075 = arith.ori %shift_left3A_2074, %shift_right_logical3A_2051 : vector<16xi32>
        %add3A_2076 = arith.constant 16 : i32
        %add3A_2077 = arith.addi %shift_left3A_2064, %add3A_2076 : i32
        %swap3A_2078 = arith.index_cast %add3A_2058 : i32 to index
        %swap3A_2079 = arith.index_cast %add3A_2077 : i32 to index
        %swap3A_2080 = tpu.vector_load %arg7[%swap3A_2078, %swap3A_2079] {strides = array<i32>} : memref<512x128xi32, #tpu.memory_space<vmem>>, vector<16xi32>,
        tpu.vector_store %arg7[%swap3A_2078, %swap3A_2079], %or3A_2075 {strides = array<i32>} : memref<512x128xi32, #tpu.memory_space<vmem>>, vector<16xi32>,
        %mul3A_2081 = arith.constant 16 : i32
        %mul3A_2082 = arith.muli %mul3A_2081, %add3A_1023 : i32
        %add3A_2083 = arith.constant 13 : i32
        %add3A_2084 = arith.addi %mul3A_2082, %add3A_2083 : i32
        %broadcast_in_dim3A_2085 = vector.shape_cast %broadcast_in_dim3A_54 : vector<16xi32> to vector<16x1xi32>
        %gather3A_2086 = vector.shape_cast %broadcast_in_dim3A_2085 : vector<16x1xi32> to vector<16xi32>
        %gather3A_2087 = tpu.dynamic_gather %get3A_1027[%gather3A_2086] in [0] : vector<16xi32>, vector<16xi32> -> vector<16xi32>
        %and3A_2088 = arith.constant 3 : i32
        %and3A_2089 = vector.broadcast %and3A_2088 : i32 to vector<16xi32>
        %and3A_2090 = arith.andi %gather3A_2087, %and3A_2089 : vector<16xi32>
        %shift_right_arithmetic3A_2091 = arith.constant 2 : i32
        %shift_right_arithmetic3A_2092 = vector.broadcast %shift_right_arithmetic3A_2091 : i32 to vector<16xi32>
        %shift_right_arithmetic3A_2093 = arith.shrsi %gather3A_2087, %shift_right_arithmetic3A_2092 : vector<16xi32>
        %shift_right_arithmetic3A_2094 = arith.constant 8 : i32
        %shift_right_arithmetic3A_2095 = vector.broadcast %shift_right_arithmetic3A_2094 : i32 to vector<16xi32>
        %shift_right_arithmetic3A_2096 = arith.shrsi %shift_right_arithmetic3A_2093, %shift_right_arithmetic3A_2095 : vector<16xi32>
        %shift_left3A_2097 = arith.constant 6 : i32
        %shift_left3A_2098 = vector.broadcast %shift_left3A_2097 : i32 to vector<16xi32>
        %shift_left3A_2099 = arith.shli %shift_right_arithmetic3A_2096, %shift_left3A_2098 : vector<16xi32>
        %and3A_2100 = arith.constant 63 : i32
        %and3A_2101 = vector.broadcast %and3A_2100 : i32 to vector<16xi32>
        %and3A_2102 = arith.andi %shift_right_arithmetic3A_2093, %and3A_2101 : vector<16xi32>
        %add3A_2103 = arith.addi %shift_left3A_2099, %and3A_2102 : vector<16xi32>
        %shift_right_arithmetic3A_2104 = arith.constant 6 : i32
        %shift_right_arithmetic3A_2105 = vector.broadcast %shift_right_arithmetic3A_2104 : i32 to vector<16xi32>
        %shift_right_arithmetic3A_2106 = arith.shrsi %shift_right_arithmetic3A_2093, %shift_right_arithmetic3A_2105 : vector<16xi32>
        %and3A_2107 = arith.constant 3 : i32
        %and3A_2108 = vector.broadcast %and3A_2107 : i32 to vector<16xi32>
        %and3A_2109 = arith.andi %shift_right_arithmetic3A_2106, %and3A_2108 : vector<16xi32>
        %shift_left3A_2110 = arith.constant 5 : i32
        %shift_left3A_2111 = vector.broadcast %shift_left3A_2110 : i32 to vector<16xi32>
        %shift_left3A_2112 = arith.shli %and3A_2109, %shift_left3A_2111 : vector<16xi32>
        %add3A_2113 = arith.addi %shift_left3A_2112, %iota3A : vector<16xi32>
        %gather3A_2114 = tpu.vector_load_idx %arg7[%add3A_2103, %add3A_2113] : memref<512x128xi32, #tpu.memory_space<vmem>>[vector<16xi32>, vector<16xi32>], vector<16xi32>,
        %add3A_2115 = arith.constant 16 : i32
        %add3A_2116 = vector.broadcast %add3A_2115 : i32 to vector<16xi32>
        %add3A_2117 = arith.addi %add3A_2113, %add3A_2116 : vector<16xi32>
        %gather3A_2118 = tpu.vector_load_idx %arg7[%add3A_2103, %add3A_2117] : memref<512x128xi32, #tpu.memory_space<vmem>>[vector<16xi32>, vector<16xi32>], vector<16xi32>,
        %broadcast_in_dim3A_2119 = vector.shape_cast %and3A_7 : vector<16xi32> to vector<16x1xi32>
        %gather3A_2120 = vector.shape_cast %broadcast_in_dim3A_2119 : vector<16x1xi32> to vector<16xi32>
        %gather3A_2121 = tpu.dynamic_gather %gather3A_2114[%gather3A_2120] in [0] : vector<16xi32>, vector<16xi32> -> vector<16xi32>
        %broadcast_in_dim3A_2122 = vector.shape_cast %and3A_7 : vector<16xi32> to vector<16x1xi32>
        %gather3A_2123 = vector.shape_cast %broadcast_in_dim3A_2122 : vector<16x1xi32> to vector<16xi32>
        %gather3A_2124 = tpu.dynamic_gather %gather3A_2118[%gather3A_2123] in [0] : vector<16xi32>, vector<16xi32> -> vector<16xi32>
        %shift_right_logical3A_2125 = arith.constant 30 : i32
        %shift_right_logical3A_2126 = vector.broadcast %shift_right_logical3A_2125 : i32 to vector<16xi32>
        %shift_right_logical3A_2127 = arith.shrui %gather3A_2121, %shift_right_logical3A_2126 : vector<16xi32>
        %select_n3A_2128 = arith.select %eq3A_9, %and3A_2090, %shift_right_logical3A_2127 : vector<16xi1>, vector<16xi32>
        %select_n3A_2129 = arith.select %eq3A_9, %gather3A_2121, %gather3A_2124 : vector<16xi1>, vector<16xi32>
        %shift_right_logical3A_2130 = arith.constant 30 : i32
        %shift_right_logical3A_2131 = vector.broadcast %shift_right_logical3A_2130 : i32 to vector<16xi32>
        %shift_right_logical3A_2132 = arith.shrui %select_n3A_2129, %shift_right_logical3A_2131 : vector<16xi32>
        %shift_right_arithmetic3A_2133 = arith.constant 8 : i32
        %shift_right_arithmetic3A_2134 = arith.shrsi %add3A_2084, %shift_right_arithmetic3A_2133 : i32
        %shift_left3A_2135 = arith.constant 6 : i32
        %shift_left3A_2136 = arith.shli %shift_right_arithmetic3A_2134, %shift_left3A_2135 : i32
        %and3A_2137 = arith.constant 63 : i32
        %and3A_2138 = arith.andi %add3A_2084, %and3A_2137 : i32
        %add3A_2139 = arith.addi %shift_left3A_2136, %and3A_2138 : i32
        %shift_right_arithmetic3A_2140 = arith.constant 6 : i32
        %shift_right_arithmetic3A_2141 = arith.shrsi %add3A_2084, %shift_right_arithmetic3A_2140 : i32
        %and3A_2142 = arith.constant 3 : i32
        %and3A_2143 = arith.andi %shift_right_arithmetic3A_2141, %and3A_2142 : i32
        %shift_left3A_2144 = arith.constant 5 : i32
        %shift_left3A_2145 = arith.shli %and3A_2143, %shift_left3A_2144 : i32
        %shift_left3A_2146 = arith.constant 2 : i32
        %shift_left3A_2147 = vector.broadcast %shift_left3A_2146 : i32 to vector<16xi32>
        %shift_left3A_2148 = arith.shli %gather3A_2114, %shift_left3A_2147 : vector<16xi32>
        %or3A_2149 = arith.ori %shift_left3A_2148, %select_n3A_2128 : vector<16xi32>
        %swap3A_2150 = arith.index_cast %add3A_2139 : i32 to index
        %swap3A_2151 = arith.index_cast %shift_left3A_2145 : i32 to index
        %swap3A_2152 = tpu.vector_load %arg7[%swap3A_2150, %swap3A_2151] {strides = array<i32>} : memref<512x128xi32, #tpu.memory_space<vmem>>, vector<16xi32>,
        tpu.vector_store %arg7[%swap3A_2150, %swap3A_2151], %or3A_2149 {strides = array<i32>} : memref<512x128xi32, #tpu.memory_space<vmem>>, vector<16xi32>,
        %shift_left3A_2153 = arith.constant 2 : i32
        %shift_left3A_2154 = vector.broadcast %shift_left3A_2153 : i32 to vector<16xi32>
        %shift_left3A_2155 = arith.shli %gather3A_2118, %shift_left3A_2154 : vector<16xi32>
        %or3A_2156 = arith.ori %shift_left3A_2155, %shift_right_logical3A_2132 : vector<16xi32>
        %add3A_2157 = arith.constant 16 : i32
        %add3A_2158 = arith.addi %shift_left3A_2145, %add3A_2157 : i32
        %swap3A_2159 = arith.index_cast %add3A_2139 : i32 to index
        %swap3A_2160 = arith.index_cast %add3A_2158 : i32 to index
        %swap3A_2161 = tpu.vector_load %arg7[%swap3A_2159, %swap3A_2160] {strides = array<i32>} : memref<512x128xi32, #tpu.memory_space<vmem>>, vector<16xi32>,
        tpu.vector_store %arg7[%swap3A_2159, %swap3A_2160], %or3A_2156 {strides = array<i32>} : memref<512x128xi32, #tpu.memory_space<vmem>>, vector<16xi32>,
        %mul3A_2162 = arith.constant 16 : i32
        %mul3A_2163 = arith.muli %mul3A_2162, %add3A_1023 : i32
        %add3A_2164 = arith.constant 14 : i32
        %add3A_2165 = arith.addi %mul3A_2163, %add3A_2164 : i32
        %broadcast_in_dim3A_2166 = vector.shape_cast %broadcast_in_dim3A_56 : vector<16xi32> to vector<16x1xi32>
        %gather3A_2167 = vector.shape_cast %broadcast_in_dim3A_2166 : vector<16x1xi32> to vector<16xi32>
        %gather3A_2168 = tpu.dynamic_gather %get3A_1027[%gather3A_2167] in [0] : vector<16xi32>, vector<16xi32> -> vector<16xi32>
        %and3A_2169 = arith.constant 3 : i32
        %and3A_2170 = vector.broadcast %and3A_2169 : i32 to vector<16xi32>
        %and3A_2171 = arith.andi %gather3A_2168, %and3A_2170 : vector<16xi32>
        %shift_right_arithmetic3A_2172 = arith.constant 2 : i32
        %shift_right_arithmetic3A_2173 = vector.broadcast %shift_right_arithmetic3A_2172 : i32 to vector<16xi32>
        %shift_right_arithmetic3A_2174 = arith.shrsi %gather3A_2168, %shift_right_arithmetic3A_2173 : vector<16xi32>
        %shift_right_arithmetic3A_2175 = arith.constant 8 : i32
        %shift_right_arithmetic3A_2176 = vector.broadcast %shift_right_arithmetic3A_2175 : i32 to vector<16xi32>
        %shift_right_arithmetic3A_2177 = arith.shrsi %shift_right_arithmetic3A_2174, %shift_right_arithmetic3A_2176 : vector<16xi32>
        %shift_left3A_2178 = arith.constant 6 : i32
        %shift_left3A_2179 = vector.broadcast %shift_left3A_2178 : i32 to vector<16xi32>
        %shift_left3A_2180 = arith.shli %shift_right_arithmetic3A_2177, %shift_left3A_2179 : vector<16xi32>
        %and3A_2181 = arith.constant 63 : i32
        %and3A_2182 = vector.broadcast %and3A_2181 : i32 to vector<16xi32>
        %and3A_2183 = arith.andi %shift_right_arithmetic3A_2174, %and3A_2182 : vector<16xi32>
        %add3A_2184 = arith.addi %shift_left3A_2180, %and3A_2183 : vector<16xi32>
        %shift_right_arithmetic3A_2185 = arith.constant 6 : i32
        %shift_right_arithmetic3A_2186 = vector.broadcast %shift_right_arithmetic3A_2185 : i32 to vector<16xi32>
        %shift_right_arithmetic3A_2187 = arith.shrsi %shift_right_arithmetic3A_2174, %shift_right_arithmetic3A_2186 : vector<16xi32>
        %and3A_2188 = arith.constant 3 : i32
        %and3A_2189 = vector.broadcast %and3A_2188 : i32 to vector<16xi32>
        %and3A_2190 = arith.andi %shift_right_arithmetic3A_2187, %and3A_2189 : vector<16xi32>
        %shift_left3A_2191 = arith.constant 5 : i32
        %shift_left3A_2192 = vector.broadcast %shift_left3A_2191 : i32 to vector<16xi32>
        %shift_left3A_2193 = arith.shli %and3A_2190, %shift_left3A_2192 : vector<16xi32>
        %add3A_2194 = arith.addi %shift_left3A_2193, %iota3A : vector<16xi32>
        %gather3A_2195 = tpu.vector_load_idx %arg7[%add3A_2184, %add3A_2194] : memref<512x128xi32, #tpu.memory_space<vmem>>[vector<16xi32>, vector<16xi32>], vector<16xi32>,
        %add3A_2196 = arith.constant 16 : i32
        %add3A_2197 = vector.broadcast %add3A_2196 : i32 to vector<16xi32>
        %add3A_2198 = arith.addi %add3A_2194, %add3A_2197 : vector<16xi32>
        %gather3A_2199 = tpu.vector_load_idx %arg7[%add3A_2184, %add3A_2198] : memref<512x128xi32, #tpu.memory_space<vmem>>[vector<16xi32>, vector<16xi32>], vector<16xi32>,
        %broadcast_in_dim3A_2200 = vector.shape_cast %and3A_7 : vector<16xi32> to vector<16x1xi32>
        %gather3A_2201 = vector.shape_cast %broadcast_in_dim3A_2200 : vector<16x1xi32> to vector<16xi32>
        %gather3A_2202 = tpu.dynamic_gather %gather3A_2195[%gather3A_2201] in [0] : vector<16xi32>, vector<16xi32> -> vector<16xi32>
        %broadcast_in_dim3A_2203 = vector.shape_cast %and3A_7 : vector<16xi32> to vector<16x1xi32>
        %gather3A_2204 = vector.shape_cast %broadcast_in_dim3A_2203 : vector<16x1xi32> to vector<16xi32>
        %gather3A_2205 = tpu.dynamic_gather %gather3A_2199[%gather3A_2204] in [0] : vector<16xi32>, vector<16xi32> -> vector<16xi32>
        %shift_right_logical3A_2206 = arith.constant 30 : i32
        %shift_right_logical3A_2207 = vector.broadcast %shift_right_logical3A_2206 : i32 to vector<16xi32>
        %shift_right_logical3A_2208 = arith.shrui %gather3A_2202, %shift_right_logical3A_2207 : vector<16xi32>
        %select_n3A_2209 = arith.select %eq3A_9, %and3A_2171, %shift_right_logical3A_2208 : vector<16xi1>, vector<16xi32>
        %select_n3A_2210 = arith.select %eq3A_9, %gather3A_2202, %gather3A_2205 : vector<16xi1>, vector<16xi32>
        %shift_right_logical3A_2211 = arith.constant 30 : i32
        %shift_right_logical3A_2212 = vector.broadcast %shift_right_logical3A_2211 : i32 to vector<16xi32>
        %shift_right_logical3A_2213 = arith.shrui %select_n3A_2210, %shift_right_logical3A_2212 : vector<16xi32>
        %shift_right_arithmetic3A_2214 = arith.constant 8 : i32
        %shift_right_arithmetic3A_2215 = arith.shrsi %add3A_2165, %shift_right_arithmetic3A_2214 : i32
        %shift_left3A_2216 = arith.constant 6 : i32
        %shift_left3A_2217 = arith.shli %shift_right_arithmetic3A_2215, %shift_left3A_2216 : i32
        %and3A_2218 = arith.constant 63 : i32
        %and3A_2219 = arith.andi %add3A_2165, %and3A_2218 : i32
        %add3A_2220 = arith.addi %shift_left3A_2217, %and3A_2219 : i32
        %shift_right_arithmetic3A_2221 = arith.constant 6 : i32
        %shift_right_arithmetic3A_2222 = arith.shrsi %add3A_2165, %shift_right_arithmetic3A_2221 : i32
        %and3A_2223 = arith.constant 3 : i32
        %and3A_2224 = arith.andi %shift_right_arithmetic3A_2222, %and3A_2223 : i32
        %shift_left3A_2225 = arith.constant 5 : i32
        %shift_left3A_2226 = arith.shli %and3A_2224, %shift_left3A_2225 : i32
        %shift_left3A_2227 = arith.constant 2 : i32
        %shift_left3A_2228 = vector.broadcast %shift_left3A_2227 : i32 to vector<16xi32>
        %shift_left3A_2229 = arith.shli %gather3A_2195, %shift_left3A_2228 : vector<16xi32>
        %or3A_2230 = arith.ori %shift_left3A_2229, %select_n3A_2209 : vector<16xi32>
        %swap3A_2231 = arith.index_cast %add3A_2220 : i32 to index
        %swap3A_2232 = arith.index_cast %shift_left3A_2226 : i32 to index
        %swap3A_2233 = tpu.vector_load %arg7[%swap3A_2231, %swap3A_2232] {strides = array<i32>} : memref<512x128xi32, #tpu.memory_space<vmem>>, vector<16xi32>,
        tpu.vector_store %arg7[%swap3A_2231, %swap3A_2232], %or3A_2230 {strides = array<i32>} : memref<512x128xi32, #tpu.memory_space<vmem>>, vector<16xi32>,
        %shift_left3A_2234 = arith.constant 2 : i32
        %shift_left3A_2235 = vector.broadcast %shift_left3A_2234 : i32 to vector<16xi32>
        %shift_left3A_2236 = arith.shli %gather3A_2199, %shift_left3A_2235 : vector<16xi32>
        %or3A_2237 = arith.ori %shift_left3A_2236, %shift_right_logical3A_2213 : vector<16xi32>
        %add3A_2238 = arith.constant 16 : i32
        %add3A_2239 = arith.addi %shift_left3A_2226, %add3A_2238 : i32
        %swap3A_2240 = arith.index_cast %add3A_2220 : i32 to index
        %swap3A_2241 = arith.index_cast %add3A_2239 : i32 to index
        %swap3A_2242 = tpu.vector_load %arg7[%swap3A_2240, %swap3A_2241] {strides = array<i32>} : memref<512x128xi32, #tpu.memory_space<vmem>>, vector<16xi32>,
        tpu.vector_store %arg7[%swap3A_2240, %swap3A_2241], %or3A_2237 {strides = array<i32>} : memref<512x128xi32, #tpu.memory_space<vmem>>, vector<16xi32>,
        %mul3A_2243 = arith.constant 16 : i32
        %mul3A_2244 = arith.muli %mul3A_2243, %add3A_1023 : i32
        %add3A_2245 = arith.constant 15 : i32
        %add3A_2246 = arith.addi %mul3A_2244, %add3A_2245 : i32
        %broadcast_in_dim3A_2247 = vector.shape_cast %broadcast_in_dim3A_58 : vector<16xi32> to vector<16x1xi32>
        %gather3A_2248 = vector.shape_cast %broadcast_in_dim3A_2247 : vector<16x1xi32> to vector<16xi32>
        %gather3A_2249 = tpu.dynamic_gather %get3A_1027[%gather3A_2248] in [0] : vector<16xi32>, vector<16xi32> -> vector<16xi32>
        %and3A_2250 = arith.constant 3 : i32
        %and3A_2251 = vector.broadcast %and3A_2250 : i32 to vector<16xi32>
        %and3A_2252 = arith.andi %gather3A_2249, %and3A_2251 : vector<16xi32>
        %shift_right_arithmetic3A_2253 = arith.constant 2 : i32
        %shift_right_arithmetic3A_2254 = vector.broadcast %shift_right_arithmetic3A_2253 : i32 to vector<16xi32>
        %shift_right_arithmetic3A_2255 = arith.shrsi %gather3A_2249, %shift_right_arithmetic3A_2254 : vector<16xi32>
        %shift_right_arithmetic3A_2256 = arith.constant 8 : i32
        %shift_right_arithmetic3A_2257 = vector.broadcast %shift_right_arithmetic3A_2256 : i32 to vector<16xi32>
        %shift_right_arithmetic3A_2258 = arith.shrsi %shift_right_arithmetic3A_2255, %shift_right_arithmetic3A_2257 : vector<16xi32>
        %shift_left3A_2259 = arith.constant 6 : i32
        %shift_left3A_2260 = vector.broadcast %shift_left3A_2259 : i32 to vector<16xi32>
        %shift_left3A_2261 = arith.shli %shift_right_arithmetic3A_2258, %shift_left3A_2260 : vector<16xi32>
        %and3A_2262 = arith.constant 63 : i32
        %and3A_2263 = vector.broadcast %and3A_2262 : i32 to vector<16xi32>
        %and3A_2264 = arith.andi %shift_right_arithmetic3A_2255, %and3A_2263 : vector<16xi32>
        %add3A_2265 = arith.addi %shift_left3A_2261, %and3A_2264 : vector<16xi32>
        %shift_right_arithmetic3A_2266 = arith.constant 6 : i32
        %shift_right_arithmetic3A_2267 = vector.broadcast %shift_right_arithmetic3A_2266 : i32 to vector<16xi32>
        %shift_right_arithmetic3A_2268 = arith.shrsi %shift_right_arithmetic3A_2255, %shift_right_arithmetic3A_2267 : vector<16xi32>
        %and3A_2269 = arith.constant 3 : i32
        %and3A_2270 = vector.broadcast %and3A_2269 : i32 to vector<16xi32>
        %and3A_2271 = arith.andi %shift_right_arithmetic3A_2268, %and3A_2270 : vector<16xi32>
        %shift_left3A_2272 = arith.constant 5 : i32
        %shift_left3A_2273 = vector.broadcast %shift_left3A_2272 : i32 to vector<16xi32>
        %shift_left3A_2274 = arith.shli %and3A_2271, %shift_left3A_2273 : vector<16xi32>
        %add3A_2275 = arith.addi %shift_left3A_2274, %iota3A : vector<16xi32>
        %gather3A_2276 = tpu.vector_load_idx %arg7[%add3A_2265, %add3A_2275] : memref<512x128xi32, #tpu.memory_space<vmem>>[vector<16xi32>, vector<16xi32>], vector<16xi32>,
        %add3A_2277 = arith.constant 16 : i32
        %add3A_2278 = vector.broadcast %add3A_2277 : i32 to vector<16xi32>
        %add3A_2279 = arith.addi %add3A_2275, %add3A_2278 : vector<16xi32>
        %gather3A_2280 = tpu.vector_load_idx %arg7[%add3A_2265, %add3A_2279] : memref<512x128xi32, #tpu.memory_space<vmem>>[vector<16xi32>, vector<16xi32>], vector<16xi32>,
        %broadcast_in_dim3A_2281 = vector.shape_cast %and3A_7 : vector<16xi32> to vector<16x1xi32>
        %gather3A_2282 = vector.shape_cast %broadcast_in_dim3A_2281 : vector<16x1xi32> to vector<16xi32>
        %gather3A_2283 = tpu.dynamic_gather %gather3A_2276[%gather3A_2282] in [0] : vector<16xi32>, vector<16xi32> -> vector<16xi32>
        %broadcast_in_dim3A_2284 = vector.shape_cast %and3A_7 : vector<16xi32> to vector<16x1xi32>
        %gather3A_2285 = vector.shape_cast %broadcast_in_dim3A_2284 : vector<16x1xi32> to vector<16xi32>
        %gather3A_2286 = tpu.dynamic_gather %gather3A_2280[%gather3A_2285] in [0] : vector<16xi32>, vector<16xi32> -> vector<16xi32>
        %shift_right_logical3A_2287 = arith.constant 30 : i32
        %shift_right_logical3A_2288 = vector.broadcast %shift_right_logical3A_2287 : i32 to vector<16xi32>
        %shift_right_logical3A_2289 = arith.shrui %gather3A_2283, %shift_right_logical3A_2288 : vector<16xi32>
        %select_n3A_2290 = arith.select %eq3A_9, %and3A_2252, %shift_right_logical3A_2289 : vector<16xi1>, vector<16xi32>
        %select_n3A_2291 = arith.select %eq3A_9, %gather3A_2283, %gather3A_2286 : vector<16xi1>, vector<16xi32>
        %shift_right_logical3A_2292 = arith.constant 30 : i32
        %shift_right_logical3A_2293 = vector.broadcast %shift_right_logical3A_2292 : i32 to vector<16xi32>
        %shift_right_logical3A_2294 = arith.shrui %select_n3A_2291, %shift_right_logical3A_2293 : vector<16xi32>
        %shift_right_arithmetic3A_2295 = arith.constant 8 : i32
        %shift_right_arithmetic3A_2296 = arith.shrsi %add3A_2246, %shift_right_arithmetic3A_2295 : i32
        %shift_left3A_2297 = arith.constant 6 : i32
        %shift_left3A_2298 = arith.shli %shift_right_arithmetic3A_2296, %shift_left3A_2297 : i32
        %and3A_2299 = arith.constant 63 : i32
        %and3A_2300 = arith.andi %add3A_2246, %and3A_2299 : i32
        %add3A_2301 = arith.addi %shift_left3A_2298, %and3A_2300 : i32
        %shift_right_arithmetic3A_2302 = arith.constant 6 : i32
        %shift_right_arithmetic3A_2303 = arith.shrsi %add3A_2246, %shift_right_arithmetic3A_2302 : i32
        %and3A_2304 = arith.constant 3 : i32
        %and3A_2305 = arith.andi %shift_right_arithmetic3A_2303, %and3A_2304 : i32
        %shift_left3A_2306 = arith.constant 5 : i32
        %shift_left3A_2307 = arith.shli %and3A_2305, %shift_left3A_2306 : i32
        %shift_left3A_2308 = arith.constant 2 : i32
        %shift_left3A_2309 = vector.broadcast %shift_left3A_2308 : i32 to vector<16xi32>
        %shift_left3A_2310 = arith.shli %gather3A_2276, %shift_left3A_2309 : vector<16xi32>
        %or3A_2311 = arith.ori %shift_left3A_2310, %select_n3A_2290 : vector<16xi32>
        %swap3A_2312 = arith.index_cast %add3A_2301 : i32 to index
        %swap3A_2313 = arith.index_cast %shift_left3A_2307 : i32 to index
        %swap3A_2314 = tpu.vector_load %arg7[%swap3A_2312, %swap3A_2313] {strides = array<i32>} : memref<512x128xi32, #tpu.memory_space<vmem>>, vector<16xi32>,
        tpu.vector_store %arg7[%swap3A_2312, %swap3A_2313], %or3A_2311 {strides = array<i32>} : memref<512x128xi32, #tpu.memory_space<vmem>>, vector<16xi32>,
        %shift_left3A_2315 = arith.constant 2 : i32
        %shift_left3A_2316 = vector.broadcast %shift_left3A_2315 : i32 to vector<16xi32>
        %shift_left3A_2317 = arith.shli %gather3A_2280, %shift_left3A_2316 : vector<16xi32>
        %or3A_2318 = arith.ori %shift_left3A_2317, %shift_right_logical3A_2294 : vector<16xi32>
        %add3A_2319 = arith.constant 16 : i32
        %add3A_2320 = arith.addi %shift_left3A_2307, %add3A_2319 : i32
        %swap3A_2321 = arith.index_cast %add3A_2301 : i32 to index
        %swap3A_2322 = arith.index_cast %add3A_2320 : i32 to index
        %swap3A_2323 = tpu.vector_load %arg7[%swap3A_2321, %swap3A_2322] {strides = array<i32>} : memref<512x128xi32, #tpu.memory_space<vmem>>, vector<16xi32>,
        tpu.vector_store %arg7[%swap3A_2321, %swap3A_2322], %or3A_2318 {strides = array<i32>} : memref<512x128xi32, #tpu.memory_space<vmem>>, vector<16xi32>,
      }
      %scan3A_1018 = arith.constant 127 : i32
      "tpu.region"() ({
        %run_scoped3A = tpu.sem_alloc : memref<!tpu.dma_semaphore, #tpu.memory_space<semaphore_mem>>
        %dma_start3A = arith.constant 0 : i32
        %dma_start3A_1019 = arith.constant 0 : i32
        %dma_start3A_1020 = tpu.memref_slice %arg3[%add3A, %dma_start3A, %dma_start3A_1019] : memref<4x512x128xi32, #tpu.memory_space<hbm>> -> memref<1x512x128xi32, #tpu.memory_space<hbm>>
        %dma_start3A_1021 = tpu.memref_squeeze %dma_start3A_1020 : memref<1x512x128xi32, #tpu.memory_space<hbm>> -> memref<512x128xi32, #tpu.memory_space<hbm>>
        %dma_start3A_1022 = arith.constant 0 : i32
        %dma_start3A_1023 = arith.constant 0 : i32
        %dma_start3A_1024 = tpu.memref_slice %arg3[%add3A, %dma_start3A_1022, %dma_start3A_1023] : memref<4x512x128xi32, #tpu.memory_space<hbm>> -> memref<1x512x128xi32, #tpu.memory_space<hbm>>
        %dma_start3A_1025 = tpu.memref_squeeze %dma_start3A_1024 : memref<1x512x128xi32, #tpu.memory_space<hbm>> -> memref<512x128xi32, #tpu.memory_space<hbm>>
        tpu.enqueue_dma source(%arg7 : memref<512x128xi32, #tpu.memory_space<vmem>>) target(%dma_start3A_1025 : memref<512x128xi32, #tpu.memory_space<hbm>>) target_semaphore(%run_scoped3A : memref<!tpu.dma_semaphore, #tpu.memory_space<semaphore_mem>>)
        %dma_wait3A = arith.constant 0 : i32
        %dma_wait3A_1026 = arith.constant 0 : i32
        %dma_wait3A_1027 = tpu.memref_slice %arg3[%add3A, %dma_wait3A, %dma_wait3A_1026] : memref<4x512x128xi32, #tpu.memory_space<hbm>> -> memref<1x512x128xi32, #tpu.memory_space<hbm>>
        %dma_wait3A_1028 = tpu.memref_squeeze %dma_wait3A_1027 : memref<1x512x128xi32, #tpu.memory_space<hbm>> -> memref<512x128xi32, #tpu.memory_space<hbm>>
        %dma_wait3A_1029 = arith.constant 0 : i32
        %dma_wait3A_1030 = arith.constant 0 : i32
        %dma_wait3A_1031 = tpu.memref_slice %arg3[%add3A, %dma_wait3A_1029, %dma_wait3A_1030] : memref<4x512x128xi32, #tpu.memory_space<hbm>> -> memref<1x512x128xi32, #tpu.memory_space<hbm>>
        %dma_wait3A_1032 = tpu.memref_squeeze %dma_wait3A_1031 : memref<1x512x128xi32, #tpu.memory_space<hbm>> -> memref<512x128xi32, #tpu.memory_space<hbm>>
        tpu.wait_dma2 semaphore(%run_scoped3A : memref<!tpu.dma_semaphore, #tpu.memory_space<semaphore_mem>>) src(%arg7 : memref<512x128xi32, #tpu.memory_space<vmem>>) dst(%dma_wait3A_1032 : memref<512x128xi32, #tpu.memory_space<hbm>>)
        tpu.yield
      }) : () -> ()
    } else {
    }
    return
  }
}

module attributes {stable_mosaic.version = 14 : i64} {
  func.func @body(%arg0: i32, %arg1: memref<128x128xi32, #tpu.memory_space<vmem>>, %arg2: memref<128x1024xbf16, #tpu.memory_space<vmem>>, %arg3: memref<1x1024xi32, #tpu.memory_space<vmem>>, %arg4: memref<1x1024xf32, #tpu.memory_space<vmem>>, %arg5: memref<512x1024xf32, #tpu.memory_space<vmem>>) attributes {dimension_semantics = [#tpu.dimension_semantics<arbitrary>], iteration_bounds = array<i64: 16>, scalar_prefetch = 0 : i64, scratch_operands = 0 : i64, tpu.core_type = #tpu.core_type<tc>, window_params = [{transform_indices = @transform_0, window_bounds = array<i64: 128, 128>}, {pipeline_mode = #tpu.pipeline_mode<synchronous>, transform_indices = @transform_1, window_bounds = array<i64: 128, 1024>}, {pipeline_mode = #tpu.pipeline_mode<synchronous>, transform_indices = @transform_2, window_bounds = array<i64: 1, 1024>}, {pipeline_mode = #tpu.pipeline_mode<synchronous>, transform_indices = @transform_3, window_bounds = array<i64: 1, 1024>}, {transform_indices = @transform_4, window_bounds = array<i64: 512, 1024>}]} {
    %get3A = arith.constant 0 : index
    %get3A_0 = arith.constant 0 : index
    %get3A_1 = vector.load %arg1[%get3A, %get3A_0] : memref<128x128xi32, #tpu.memory_space<vmem>>, vector<128x128xi32>
    %slice3A = vector.extract_strided_slice %get3A_1 {offsets = [0, 0], sizes = [64, 32], strides = [1, 1]} : vector<128x128xi32> to vector<64x32xi32>
    %and3A = arith.constant 255 : i32
    %and3A_2 = vector.broadcast %and3A : i32 to vector<64x32xi32>
    %and3A_3 = arith.andi %slice3A, %and3A_2 : vector<64x32xi32>
    %shift_right_arithmetic3A = arith.constant 8 : i32
    %shift_right_arithmetic3A_4 = vector.broadcast %shift_right_arithmetic3A : i32 to vector<64x32xi32>
    %shift_right_arithmetic3A_5 = arith.shrsi %slice3A, %shift_right_arithmetic3A_4 : vector<64x32xi32>
    %and3A_6 = arith.constant 255 : i32
    %and3A_7 = vector.broadcast %and3A_6 : i32 to vector<64x32xi32>
    %and3A_8 = arith.andi %shift_right_arithmetic3A_5, %and3A_7 : vector<64x32xi32>
    %shift_right_arithmetic3A_9 = arith.constant 16 : i32
    %shift_right_arithmetic3A_10 = vector.broadcast %shift_right_arithmetic3A_9 : i32 to vector<64x32xi32>
    %shift_right_arithmetic3A_11 = arith.shrsi %slice3A, %shift_right_arithmetic3A_10 : vector<64x32xi32>
    %and3A_12 = arith.constant 255 : i32
    %and3A_13 = vector.broadcast %and3A_12 : i32 to vector<64x32xi32>
    %and3A_14 = arith.andi %shift_right_arithmetic3A_11, %and3A_13 : vector<64x32xi32>
    %shift_right_arithmetic3A_15 = arith.constant 24 : i32
    %shift_right_arithmetic3A_16 = vector.broadcast %shift_right_arithmetic3A_15 : i32 to vector<64x32xi32>
    %shift_right_arithmetic3A_17 = arith.shrsi %slice3A, %shift_right_arithmetic3A_16 : vector<64x32xi32>
    %and3A_18 = arith.constant 255 : i32
    %and3A_19 = vector.broadcast %and3A_18 : i32 to vector<64x32xi32>
    %and3A_20 = arith.andi %shift_right_arithmetic3A_17, %and3A_19 : vector<64x32xi32>
    %concatenate3A = tpu.concatenate %and3A_3, %and3A_8, %and3A_14, %and3A_20 in 1 : vector<64x32xi32>, vector<64x32xi32>, vector<64x32xi32>, vector<64x32xi32> -> vector<64x128xi32>
    %slice3A_21 = vector.extract_strided_slice %get3A_1 {offsets = [0, 32], sizes = [64, 32], strides = [1, 1]} : vector<128x128xi32> to vector<64x32xi32>
    %and3A_22 = arith.constant 255 : i32
    %and3A_23 = vector.broadcast %and3A_22 : i32 to vector<64x32xi32>
    %and3A_24 = arith.andi %slice3A_21, %and3A_23 : vector<64x32xi32>
    %shift_right_arithmetic3A_25 = arith.constant 8 : i32
    %shift_right_arithmetic3A_26 = vector.broadcast %shift_right_arithmetic3A_25 : i32 to vector<64x32xi32>
    %shift_right_arithmetic3A_27 = arith.shrsi %slice3A_21, %shift_right_arithmetic3A_26 : vector<64x32xi32>
    %and3A_28 = arith.constant 255 : i32
    %and3A_29 = vector.broadcast %and3A_28 : i32 to vector<64x32xi32>
    %and3A_30 = arith.andi %shift_right_arithmetic3A_27, %and3A_29 : vector<64x32xi32>
    %shift_right_arithmetic3A_31 = arith.constant 16 : i32
    %shift_right_arithmetic3A_32 = vector.broadcast %shift_right_arithmetic3A_31 : i32 to vector<64x32xi32>
    %shift_right_arithmetic3A_33 = arith.shrsi %slice3A_21, %shift_right_arithmetic3A_32 : vector<64x32xi32>
    %and3A_34 = arith.constant 255 : i32
    %and3A_35 = vector.broadcast %and3A_34 : i32 to vector<64x32xi32>
    %and3A_36 = arith.andi %shift_right_arithmetic3A_33, %and3A_35 : vector<64x32xi32>
    %shift_right_arithmetic3A_37 = arith.constant 24 : i32
    %shift_right_arithmetic3A_38 = vector.broadcast %shift_right_arithmetic3A_37 : i32 to vector<64x32xi32>
    %shift_right_arithmetic3A_39 = arith.shrsi %slice3A_21, %shift_right_arithmetic3A_38 : vector<64x32xi32>
    %and3A_40 = arith.constant 255 : i32
    %and3A_41 = vector.broadcast %and3A_40 : i32 to vector<64x32xi32>
    %and3A_42 = arith.andi %shift_right_arithmetic3A_39, %and3A_41 : vector<64x32xi32>
    %concatenate3A_43 = tpu.concatenate %and3A_24, %and3A_30, %and3A_36, %and3A_42 in 1 : vector<64x32xi32>, vector<64x32xi32>, vector<64x32xi32>, vector<64x32xi32> -> vector<64x128xi32>
    %slice3A_44 = vector.extract_strided_slice %get3A_1 {offsets = [0, 64], sizes = [64, 32], strides = [1, 1]} : vector<128x128xi32> to vector<64x32xi32>
    %and3A_45 = arith.constant 255 : i32
    %and3A_46 = vector.broadcast %and3A_45 : i32 to vector<64x32xi32>
    %and3A_47 = arith.andi %slice3A_44, %and3A_46 : vector<64x32xi32>
    %shift_right_arithmetic3A_48 = arith.constant 8 : i32
    %shift_right_arithmetic3A_49 = vector.broadcast %shift_right_arithmetic3A_48 : i32 to vector<64x32xi32>
    %shift_right_arithmetic3A_50 = arith.shrsi %slice3A_44, %shift_right_arithmetic3A_49 : vector<64x32xi32>
    %and3A_51 = arith.constant 255 : i32
    %and3A_52 = vector.broadcast %and3A_51 : i32 to vector<64x32xi32>
    %and3A_53 = arith.andi %shift_right_arithmetic3A_50, %and3A_52 : vector<64x32xi32>
    %shift_right_arithmetic3A_54 = arith.constant 16 : i32
    %shift_right_arithmetic3A_55 = vector.broadcast %shift_right_arithmetic3A_54 : i32 to vector<64x32xi32>
    %shift_right_arithmetic3A_56 = arith.shrsi %slice3A_44, %shift_right_arithmetic3A_55 : vector<64x32xi32>
    %and3A_57 = arith.constant 255 : i32
    %and3A_58 = vector.broadcast %and3A_57 : i32 to vector<64x32xi32>
    %and3A_59 = arith.andi %shift_right_arithmetic3A_56, %and3A_58 : vector<64x32xi32>
    %shift_right_arithmetic3A_60 = arith.constant 24 : i32
    %shift_right_arithmetic3A_61 = vector.broadcast %shift_right_arithmetic3A_60 : i32 to vector<64x32xi32>
    %shift_right_arithmetic3A_62 = arith.shrsi %slice3A_44, %shift_right_arithmetic3A_61 : vector<64x32xi32>
    %and3A_63 = arith.constant 255 : i32
    %and3A_64 = vector.broadcast %and3A_63 : i32 to vector<64x32xi32>
    %and3A_65 = arith.andi %shift_right_arithmetic3A_62, %and3A_64 : vector<64x32xi32>
    %concatenate3A_66 = tpu.concatenate %and3A_47, %and3A_53, %and3A_59, %and3A_65 in 1 : vector<64x32xi32>, vector<64x32xi32>, vector<64x32xi32>, vector<64x32xi32> -> vector<64x128xi32>
    %slice3A_67 = vector.extract_strided_slice %get3A_1 {offsets = [0, 96], sizes = [64, 32], strides = [1, 1]} : vector<128x128xi32> to vector<64x32xi32>
    %and3A_68 = arith.constant 255 : i32
    %and3A_69 = vector.broadcast %and3A_68 : i32 to vector<64x32xi32>
    %and3A_70 = arith.andi %slice3A_67, %and3A_69 : vector<64x32xi32>
    %shift_right_arithmetic3A_71 = arith.constant 8 : i32
    %shift_right_arithmetic3A_72 = vector.broadcast %shift_right_arithmetic3A_71 : i32 to vector<64x32xi32>
    %shift_right_arithmetic3A_73 = arith.shrsi %slice3A_67, %shift_right_arithmetic3A_72 : vector<64x32xi32>
    %and3A_74 = arith.constant 255 : i32
    %and3A_75 = vector.broadcast %and3A_74 : i32 to vector<64x32xi32>
    %and3A_76 = arith.andi %shift_right_arithmetic3A_73, %and3A_75 : vector<64x32xi32>
    %shift_right_arithmetic3A_77 = arith.constant 16 : i32
    %shift_right_arithmetic3A_78 = vector.broadcast %shift_right_arithmetic3A_77 : i32 to vector<64x32xi32>
    %shift_right_arithmetic3A_79 = arith.shrsi %slice3A_67, %shift_right_arithmetic3A_78 : vector<64x32xi32>
    %and3A_80 = arith.constant 255 : i32
    %and3A_81 = vector.broadcast %and3A_80 : i32 to vector<64x32xi32>
    %and3A_82 = arith.andi %shift_right_arithmetic3A_79, %and3A_81 : vector<64x32xi32>
    %shift_right_arithmetic3A_83 = arith.constant 24 : i32
    %shift_right_arithmetic3A_84 = vector.broadcast %shift_right_arithmetic3A_83 : i32 to vector<64x32xi32>
    %shift_right_arithmetic3A_85 = arith.shrsi %slice3A_67, %shift_right_arithmetic3A_84 : vector<64x32xi32>
    %and3A_86 = arith.constant 255 : i32
    %and3A_87 = vector.broadcast %and3A_86 : i32 to vector<64x32xi32>
    %and3A_88 = arith.andi %shift_right_arithmetic3A_85, %and3A_87 : vector<64x32xi32>
    %concatenate3A_89 = tpu.concatenate %and3A_70, %and3A_76, %and3A_82, %and3A_88 in 1 : vector<64x32xi32>, vector<64x32xi32>, vector<64x32xi32>, vector<64x32xi32> -> vector<64x128xi32>
    %slice3A_90 = vector.extract_strided_slice %get3A_1 {offsets = [64, 0], sizes = [64, 32], strides = [1, 1]} : vector<128x128xi32> to vector<64x32xi32>
    %and3A_91 = arith.constant 255 : i32
    %and3A_92 = vector.broadcast %and3A_91 : i32 to vector<64x32xi32>
    %and3A_93 = arith.andi %slice3A_90, %and3A_92 : vector<64x32xi32>
    %shift_right_arithmetic3A_94 = arith.constant 8 : i32
    %shift_right_arithmetic3A_95 = vector.broadcast %shift_right_arithmetic3A_94 : i32 to vector<64x32xi32>
    %shift_right_arithmetic3A_96 = arith.shrsi %slice3A_90, %shift_right_arithmetic3A_95 : vector<64x32xi32>
    %and3A_97 = arith.constant 255 : i32
    %and3A_98 = vector.broadcast %and3A_97 : i32 to vector<64x32xi32>
    %and3A_99 = arith.andi %shift_right_arithmetic3A_96, %and3A_98 : vector<64x32xi32>
    %shift_right_arithmetic3A_100 = arith.constant 16 : i32
    %shift_right_arithmetic3A_101 = vector.broadcast %shift_right_arithmetic3A_100 : i32 to vector<64x32xi32>
    %shift_right_arithmetic3A_102 = arith.shrsi %slice3A_90, %shift_right_arithmetic3A_101 : vector<64x32xi32>
    %and3A_103 = arith.constant 255 : i32
    %and3A_104 = vector.broadcast %and3A_103 : i32 to vector<64x32xi32>
    %and3A_105 = arith.andi %shift_right_arithmetic3A_102, %and3A_104 : vector<64x32xi32>
    %shift_right_arithmetic3A_106 = arith.constant 24 : i32
    %shift_right_arithmetic3A_107 = vector.broadcast %shift_right_arithmetic3A_106 : i32 to vector<64x32xi32>
    %shift_right_arithmetic3A_108 = arith.shrsi %slice3A_90, %shift_right_arithmetic3A_107 : vector<64x32xi32>
    %and3A_109 = arith.constant 255 : i32
    %and3A_110 = vector.broadcast %and3A_109 : i32 to vector<64x32xi32>
    %and3A_111 = arith.andi %shift_right_arithmetic3A_108, %and3A_110 : vector<64x32xi32>
    %concatenate3A_112 = tpu.concatenate %and3A_93, %and3A_99, %and3A_105, %and3A_111 in 1 : vector<64x32xi32>, vector<64x32xi32>, vector<64x32xi32>, vector<64x32xi32> -> vector<64x128xi32>
    %slice3A_113 = vector.extract_strided_slice %get3A_1 {offsets = [64, 32], sizes = [64, 32], strides = [1, 1]} : vector<128x128xi32> to vector<64x32xi32>
    %and3A_114 = arith.constant 255 : i32
    %and3A_115 = vector.broadcast %and3A_114 : i32 to vector<64x32xi32>
    %and3A_116 = arith.andi %slice3A_113, %and3A_115 : vector<64x32xi32>
    %shift_right_arithmetic3A_117 = arith.constant 8 : i32
    %shift_right_arithmetic3A_118 = vector.broadcast %shift_right_arithmetic3A_117 : i32 to vector<64x32xi32>
    %shift_right_arithmetic3A_119 = arith.shrsi %slice3A_113, %shift_right_arithmetic3A_118 : vector<64x32xi32>
    %and3A_120 = arith.constant 255 : i32
    %and3A_121 = vector.broadcast %and3A_120 : i32 to vector<64x32xi32>
    %and3A_122 = arith.andi %shift_right_arithmetic3A_119, %and3A_121 : vector<64x32xi32>
    %shift_right_arithmetic3A_123 = arith.constant 16 : i32
    %shift_right_arithmetic3A_124 = vector.broadcast %shift_right_arithmetic3A_123 : i32 to vector<64x32xi32>
    %shift_right_arithmetic3A_125 = arith.shrsi %slice3A_113, %shift_right_arithmetic3A_124 : vector<64x32xi32>
    %and3A_126 = arith.constant 255 : i32
    %and3A_127 = vector.broadcast %and3A_126 : i32 to vector<64x32xi32>
    %and3A_128 = arith.andi %shift_right_arithmetic3A_125, %and3A_127 : vector<64x32xi32>
    %shift_right_arithmetic3A_129 = arith.constant 24 : i32
    %shift_right_arithmetic3A_130 = vector.broadcast %shift_right_arithmetic3A_129 : i32 to vector<64x32xi32>
    %shift_right_arithmetic3A_131 = arith.shrsi %slice3A_113, %shift_right_arithmetic3A_130 : vector<64x32xi32>
    %and3A_132 = arith.constant 255 : i32
    %and3A_133 = vector.broadcast %and3A_132 : i32 to vector<64x32xi32>
    %and3A_134 = arith.andi %shift_right_arithmetic3A_131, %and3A_133 : vector<64x32xi32>
    %concatenate3A_135 = tpu.concatenate %and3A_116, %and3A_122, %and3A_128, %and3A_134 in 1 : vector<64x32xi32>, vector<64x32xi32>, vector<64x32xi32>, vector<64x32xi32> -> vector<64x128xi32>
    %slice3A_136 = vector.extract_strided_slice %get3A_1 {offsets = [64, 64], sizes = [64, 32], strides = [1, 1]} : vector<128x128xi32> to vector<64x32xi32>
    %and3A_137 = arith.constant 255 : i32
    %and3A_138 = vector.broadcast %and3A_137 : i32 to vector<64x32xi32>
    %and3A_139 = arith.andi %slice3A_136, %and3A_138 : vector<64x32xi32>
    %shift_right_arithmetic3A_140 = arith.constant 8 : i32
    %shift_right_arithmetic3A_141 = vector.broadcast %shift_right_arithmetic3A_140 : i32 to vector<64x32xi32>
    %shift_right_arithmetic3A_142 = arith.shrsi %slice3A_136, %shift_right_arithmetic3A_141 : vector<64x32xi32>
    %and3A_143 = arith.constant 255 : i32
    %and3A_144 = vector.broadcast %and3A_143 : i32 to vector<64x32xi32>
    %and3A_145 = arith.andi %shift_right_arithmetic3A_142, %and3A_144 : vector<64x32xi32>
    %shift_right_arithmetic3A_146 = arith.constant 16 : i32
    %shift_right_arithmetic3A_147 = vector.broadcast %shift_right_arithmetic3A_146 : i32 to vector<64x32xi32>
    %shift_right_arithmetic3A_148 = arith.shrsi %slice3A_136, %shift_right_arithmetic3A_147 : vector<64x32xi32>
    %and3A_149 = arith.constant 255 : i32
    %and3A_150 = vector.broadcast %and3A_149 : i32 to vector<64x32xi32>
    %and3A_151 = arith.andi %shift_right_arithmetic3A_148, %and3A_150 : vector<64x32xi32>
    %shift_right_arithmetic3A_152 = arith.constant 24 : i32
    %shift_right_arithmetic3A_153 = vector.broadcast %shift_right_arithmetic3A_152 : i32 to vector<64x32xi32>
    %shift_right_arithmetic3A_154 = arith.shrsi %slice3A_136, %shift_right_arithmetic3A_153 : vector<64x32xi32>
    %and3A_155 = arith.constant 255 : i32
    %and3A_156 = vector.broadcast %and3A_155 : i32 to vector<64x32xi32>
    %and3A_157 = arith.andi %shift_right_arithmetic3A_154, %and3A_156 : vector<64x32xi32>
    %concatenate3A_158 = tpu.concatenate %and3A_139, %and3A_145, %and3A_151, %and3A_157 in 1 : vector<64x32xi32>, vector<64x32xi32>, vector<64x32xi32>, vector<64x32xi32> -> vector<64x128xi32>
    %slice3A_159 = vector.extract_strided_slice %get3A_1 {offsets = [64, 96], sizes = [64, 32], strides = [1, 1]} : vector<128x128xi32> to vector<64x32xi32>
    %and3A_160 = arith.constant 255 : i32
    %and3A_161 = vector.broadcast %and3A_160 : i32 to vector<64x32xi32>
    %and3A_162 = arith.andi %slice3A_159, %and3A_161 : vector<64x32xi32>
    %shift_right_arithmetic3A_163 = arith.constant 8 : i32
    %shift_right_arithmetic3A_164 = vector.broadcast %shift_right_arithmetic3A_163 : i32 to vector<64x32xi32>
    %shift_right_arithmetic3A_165 = arith.shrsi %slice3A_159, %shift_right_arithmetic3A_164 : vector<64x32xi32>
    %and3A_166 = arith.constant 255 : i32
    %and3A_167 = vector.broadcast %and3A_166 : i32 to vector<64x32xi32>
    %and3A_168 = arith.andi %shift_right_arithmetic3A_165, %and3A_167 : vector<64x32xi32>
    %shift_right_arithmetic3A_169 = arith.constant 16 : i32
    %shift_right_arithmetic3A_170 = vector.broadcast %shift_right_arithmetic3A_169 : i32 to vector<64x32xi32>
    %shift_right_arithmetic3A_171 = arith.shrsi %slice3A_159, %shift_right_arithmetic3A_170 : vector<64x32xi32>
    %and3A_172 = arith.constant 255 : i32
    %and3A_173 = vector.broadcast %and3A_172 : i32 to vector<64x32xi32>
    %and3A_174 = arith.andi %shift_right_arithmetic3A_171, %and3A_173 : vector<64x32xi32>
    %shift_right_arithmetic3A_175 = arith.constant 24 : i32
    %shift_right_arithmetic3A_176 = vector.broadcast %shift_right_arithmetic3A_175 : i32 to vector<64x32xi32>
    %shift_right_arithmetic3A_177 = arith.shrsi %slice3A_159, %shift_right_arithmetic3A_176 : vector<64x32xi32>
    %and3A_178 = arith.constant 255 : i32
    %and3A_179 = vector.broadcast %and3A_178 : i32 to vector<64x32xi32>
    %and3A_180 = arith.andi %shift_right_arithmetic3A_177, %and3A_179 : vector<64x32xi32>
    %concatenate3A_181 = tpu.concatenate %and3A_162, %and3A_168, %and3A_174, %and3A_180 in 1 : vector<64x32xi32>, vector<64x32xi32>, vector<64x32xi32>, vector<64x32xi32> -> vector<64x128xi32>
    %concatenate3A_182 = tpu.concatenate %concatenate3A, %concatenate3A_43, %concatenate3A_66, %concatenate3A_89, %concatenate3A_112, %concatenate3A_135, %concatenate3A_158, %concatenate3A_181 in 0 : vector<64x128xi32>, vector<64x128xi32>, vector<64x128xi32>, vector<64x128xi32>, vector<64x128xi32>, vector<64x128xi32>, vector<64x128xi32>, vector<64x128xi32> -> vector<512x128xi32>
    %convert_element_type3A = arith.sitofp %concatenate3A_182 : vector<512x128xi32> to vector<512x128xf32>
    %convert_element_type3A_183 = arith.truncf %convert_element_type3A : vector<512x128xf32> to vector<512x128xbf16>
    %get3A_184 = arith.constant 0 : index
    %get3A_185 = arith.constant 0 : index
    %get3A_186 = vector.load %arg2[%get3A_184, %get3A_185] : memref<128x1024xbf16, #tpu.memory_space<vmem>>, vector<128x1024xbf16>
    %dot_general3A = arith.constant dense<0.000000e+00> : vector<512x1024xf32>
    %dot_general3A_187 = tpu.matmul %convert_element_type3A_183, %get3A_186, %dot_general3A {dimension_numbers = #tpu.dot_dimension_numbers<[1], [0], [0], [1], [0, 0, 1, 1], [], []>, transpose_lhs_hint = false} : vector<512x128xbf16>, vector<128x1024xbf16>, vector<512x1024xf32> -> vector<512x1024xf32>
    %convert_element_type3A_188 = arith.fptosi %dot_general3A_187 : vector<512x1024xf32> to vector<512x1024xi32>
    %get3A_189 = arith.constant 0 : index
    %get3A_190 = arith.constant 0 : index
    %get3A_191 = vector.load %arg3[%get3A_189, %get3A_190] : memref<1x1024xi32, #tpu.memory_space<vmem>>, vector<1x1024xi32>
    %and3A_192 = vector.broadcast %get3A_191 : vector<1x1024xi32> to vector<512x1024xi32>
    %and3A_193 = arith.andi %convert_element_type3A_188, %and3A_192 : vector<512x1024xi32>
    %ne3A = arith.constant 0 : i32
    %ne3A_194 = vector.broadcast %ne3A : i32 to vector<512x1024xi32>
    %ne3A_195 = arith.cmpi ne, %and3A_193, %ne3A_194 : vector<512x1024xi32>
    %get3A_196 = arith.constant 0 : index
    %get3A_197 = arith.constant 0 : index
    %get3A_198 = vector.load %arg4[%get3A_196, %get3A_197] : memref<1x1024xf32, #tpu.memory_space<vmem>>, vector<1x1024xf32>
    %jit3A = arith.constant 0.000000e+00 : f32
    %broadcast_in_dim3A = vector.shape_cast %get3A_198 : vector<1x1024xf32> to vector<1x1024xf32>
    %broadcast_in_dim3A_199 = vector.broadcast %broadcast_in_dim3A : vector<1x1024xf32> to vector<512x1024xf32>
    %broadcast_in_dim3A_200 = vector.broadcast %jit3A : f32 to vector<512x1024xf32>
    %select_n3A = arith.select %ne3A_195, %broadcast_in_dim3A_199, %broadcast_in_dim3A_200 : vector<512x1024xi1>, vector<512x1024xf32>
    %swap3A = arith.constant 0 : index
    %swap3A_201 = arith.constant 0 : index
    %swap3A_202 = vector.load %arg5[%swap3A, %swap3A_201] : memref<512x1024xf32, #tpu.memory_space<vmem>>, vector<512x1024xf32>
    tpu.vector_store %arg5[%swap3A, %swap3A_201], %select_n3A {strides = array<i32>} : memref<512x1024xf32, #tpu.memory_space<vmem>>, vector<512x1024xf32>,
    return
  }
  func.func @transform_0(%arg0: i32) -> (i32, i32) {
    %c0_i32 = arith.constant 0 : i32
    %c0_i32_0 = arith.constant 0 : i32
    return %arg0, %c0_i32 : i32, i32
  }
  func.func @transform_1(%arg0: i32) -> (i32, i32) {
    %c0_i32 = arith.constant 0 : i32
    %c0_i32_0 = arith.constant 0 : i32
    %c0_i32_1 = arith.constant 0 : i32
    return %c0_i32, %c0_i32_0 : i32, i32
  }
  func.func @transform_2(%arg0: i32) -> (i32, i32) {
    %c0_i32 = arith.constant 0 : i32
    %c0_i32_0 = arith.constant 0 : i32
    %c0_i32_1 = arith.constant 0 : i32
    return %c0_i32, %c0_i32_0 : i32, i32
  }
  func.func @transform_3(%arg0: i32) -> (i32, i32) {
    %c0_i32 = arith.constant 0 : i32
    %c0_i32_0 = arith.constant 0 : i32
    %c0_i32_1 = arith.constant 0 : i32
    return %c0_i32, %c0_i32_0 : i32, i32
  }
  func.func @transform_4(%arg0: i32) -> (i32, i32) {
    %c0_i32 = arith.constant 0 : i32
    %c0_i32_0 = arith.constant 0 : i32
    return %arg0, %c0_i32 : i32, i32
  }
}

</mosaic_0001>

<sc_bundles>
// kernel: kernel.4.cloned.1.call-start
scs
__scs_entry_jumppad:
0x0: {  	(pc) =	sbr.rel $0x88, $3  }
0x1: {  	(tag) =	ssettag $0x0;
	lr =	simm.s32 $0x1  }
0x2: {  	[smem:$0x3F9F] =	sst lr;
	_ =	strace $0xD0000000  }
0x3: {  	_ = 	snop  }
0x4: {  	_ = 	snop  }
0x5: {  	_ = 	snop  }
0x6: {  	_ = 	snop  }
0x7: {  	_ = 	snop  }
__scs_overlays_trampoline_lowered:
0x8: {  	[smem:$0x3FAE] =	sst s0  }
0x9: {  	[smem:$0x3FAF] =	sst s1  }
0xa: {  	[smem:$0x3FB0] =	sst s2  }
0xb: {  	[smem:$0x3FB1] =	sst s3  }
0xc: {  	[smem:$0x3FB2] =	sst s4  }
0xd: {  	[smem:$0x3FB3] =	sst s5  }
0xe: {  	[smem:$0x3FB4] =	sst s6  }
0xf: {  	[smem:$0x3FB5] =	sst s7  }
0x10: {  	[smem:$0x3FB6] =	sst s8  }
0x11: {  	[smem:$0x3FB7] =	sst s9;
	s0 =	simm.s32 @!p0 $0x0  }
0x12: {  	s1 =	sld [smem:$0x3F9D];
	s0 =	simm.s32 @p0 $0x1  }
0x13: {  	[smem:$0x3FB8] =	sst s0;
	s0 =	simm.s32 @!p1 $0x0  }
0x14: {  	s2 =	sld [smem:$0x3F9C];
	s0 =	simm.s32 @p1 $0x1  }
0x15: {  	[smem:$0x3FB9] =	sst s0;
	s0 =	simm.s32 @!p2 $0x0  }
0x16: {  	s3 =	sld [smem:$0x3FDB];
	s0 =	simm.s32 @p2 $0x1  }
0x17: {  	s4 =	simm.s32 $0x1BF5;
	[smem:$0x3FBB] =	sst s0  }
0x18: {  	s0 =	sld [smem:$0x3F9E];
	_ =	swait.ge [sflag:s4], $0x0  }
0x19: {  	s7 =	sld [smem:$0x3F9F]  }
0x1a: {  	s8 =	sadd.s32 $0xFFFFE003, lr  }
0x1b: {  	s9 =	sadd.s32 $0xFFFFFEF7, lr;
	s5 =	simm.s32 $0xFFFFFFFF;
	p2 =	slt.u32 s8, $0xFFFFF086  }
0x1c: {  	p1 =	slt.u32 s9, $0xF7A;
	s5 =	simm.s32 @!p2 $0x0  }
0x1d: {  	s5 =	simm.s32 @p1 $0x1;
	p0 =	seq.s32 s7, s2  }
0x1e: {  	s7 =	smul.u32 @!p0 $0xF7A, s2;
	p2 =	seq.s32 @!p0 s5, $0x0  }
0x1f: {  	s9 =	smul.u32 $0xF7A, s1;
	s8 =	simm.s32 @!p0 $0x1BF5;
	p2 =	por !p2, p0  }
0x20: {  	[sflag:s8] =	ssyncset.s32 @!p0 $0xFFFFF086;
	s6 =	sadd.s32 @!p0 s3, s7;
	s7 =	simm.s32 @!p0 $0x108  }
0x21: {  	s3 =	sadd.s32 s3, s9;
	s6 =	sadd.s32 @!p0 $0x88, s6;
	s7 =	simm.s32 @p2 $0x1082  }
0x22: {  	[simem:s7], [sflag:s8] =	dma.local @!p0 [hbm:s6], $0xF7A  }
0x23: {  	s9 =	sor.u32 $0xD0000000, s2;
	s6 =	simm.s32 $0x108;
	_ =	swait.ge @!p0 [sflag:s8], $0x0  }
0x24: {  	s3 =	sadd.s32 $0x88, s3;
	s6 =	simm.s32 @!p1 $0x1082;
	[sflag:s4] =	ssyncset.s32 $0xFFFFF086  }
0x25: {  	[simem:s6], [sflag:s4] =	dma.local [hbm:s3], $0xF7A  }
0x26: {  	[smem:$0x3F9F] =	sst s1;
	(tag) =	ssettag s2;
	_ =	strace s9  }
0x27: {  	s1 =	sld [smem:$0x3FAF]  }
0x28: {  	s2 =	sld [smem:$0x3FB0]  }
0x29: {  	s4 =	sld [smem:$0x3FB2]  }
0x2a: {  	p0 =	seq.s32 s5, $0x0;
	s5 =	sld [smem:$0x3FB3]  }
0x2b: {  	s6 =	sld [smem:$0x3FB4]  }
0x2c: {  	s7 =	sld [smem:$0x3FB5]  }
0x2d: {  	s3 =	simm.s32 $0x108;
	s8 =	sld [smem:$0x3FB6]  }
0x2e: {  	s3 =	simm.s32 @!p0 $0x1082;
	s9 =	sld [smem:$0x3FB7]  }
0x2f: {  	lr =	sadd.s32 s0, s3;
	s0 =	sld [smem:$0x3FAE]  }
0x30: {  	s3 =	sld [smem:$0x3FB1]  }
0x31: {  	[smem:$0x3FBA] =	sst s10  }
0x32: {  	s10 =	sld [smem:$0x3FB8];
	_ =	sdelay $0x3  }
0x33: {  	p0 =	seq.s32 s10, $0x1;
	s10 =	sld [smem:$0x3FBA];
	_ =	sdelay $0x3  }
0x34: {  	[smem:$0x3FBA] =	sst s10  }
0x35: {  	s10 =	sld [smem:$0x3FB9];
	_ =	sdelay $0x3  }
0x36: {  	p1 =	seq.s32 s10, $0x1;
	s10 =	sld [smem:$0x3FBA];
	_ =	sdelay $0x3  }
0x37: {  	[smem:$0x3FBA] =	sst s10  }
0x38: {  	s10 =	sld [smem:$0x3FBB]  }
0x39: {  	_ = 	snop;
	(pc) =	sbr.ind lr, $3  }
0x3a: {  	_ = 	snop  }
0x3b: {  	_ = 	snop  }
0x3c: {  	p2 =	seq.s32 s10, $0x1;
	s10 =	sld [smem:$0x3FBA]  }
0x3d: {  	_ =	shalt  }
0x3e: {  	_ =	shalt  }
0x3f: {  	_ =	shalt  }
0x40: {  	_ =	shalt  }
0x41: {  	_ =	shalt  }
0x42: {  	_ =	shalt  }
0x43: {  	_ =	shalt  }
0x44: {  	_ =	shalt  }
0x45: {  	_ =	shalt  }
0x46: {  	_ =	shalt  }
0x47: {  	_ =	shalt  }
0x48: {  	_ =	shalt  }
0x49: {  	_ =	shalt  }
0x4a: {  	_ =	shalt  }
0x4b: {  	_ =	shalt  }
0x4c: {  	_ =	shalt  }
0x4d: {  	_ =	shalt  }
0x4e: {  	_ =	shalt  }
0x4f: {  	_ =	shalt  }
0x50: {  	_ =	shalt  }
0x51: {  	_ =	shalt  }
0x52: {  	_ =	shalt  }
0x53: {  	_ =	shalt  }
0x54: {  	_ =	shalt  }
0x55: {  	_ =	shalt  }
0x56: {  	_ =	shalt  }
0x57: {  	_ =	shalt  }
0x58: {  	_ =	shalt  }
0x59: {  	_ =	shalt  }
0x5a: {  	_ =	shalt  }
0x5b: {  	_ =	shalt  }
0x5c: {  	_ =	shalt  }
0x5d: {  	_ =	shalt  }
0x5e: {  	_ =	shalt  }
0x5f: {  	_ =	shalt  }
0x60: {  	_ =	shalt  }
0x61: {  	_ =	shalt  }
0x62: {  	_ =	shalt  }
0x63: {  	_ =	shalt  }
0x64: {  	_ =	shalt  }
0x65: {  	_ =	shalt  }
0x66: {  	_ =	shalt  }
0x67: {  	_ =	shalt  }
0x68: {  	_ =	shalt  }
0x69: {  	_ =	shalt  }
0x6a: {  	_ =	shalt  }
0x6b: {  	_ =	shalt  }
0x6c: {  	_ =	shalt  }
0x6d: {  	_ =	shalt  }
0x6e: {  	_ =	shalt  }
0x6f: {  	_ =	shalt  }
0x70: {  	_ =	shalt  }
0x71: {  	_ =	shalt  }
0x72: {  	_ =	shalt  }
0x73: {  	_ =	shalt  }
0x74: {  	_ =	shalt  }
0x75: {  	_ =	shalt  }
0x76: {  	_ =	shalt  }
0x77: {  	_ =	shalt  }
0x78: {  	_ =	shalt  }
0x79: {  	_ =	shalt  }
0x7a: {  	_ =	shalt  }
0x7b: {  	_ =	shalt  }
0x7c: {  	_ =	shalt  }
0x7d: {  	_ =	shalt  }
0x7e: {  	_ =	shalt  }
0x7f: {  	_ =	shalt  }
0x80: {  	_ =	shalt  }
0x81: {  	_ =	shalt  }
0x82: {  	_ =	shalt  }
0x83: {  	_ =	shalt  }
0x84: {  	_ =	shalt  }
0x85: {  	_ =	shalt  }
0x86: {  	_ =	shalt  }
0x87: {  	_ =	shalt  }
.Lfunc_end0:
.L_simem_size_0:
called_computation_lowered:
.L_overlay_start_0:
0x88: {  	s2 =	sld [smem:$0x3FD9]  }
0x89: {  	s3 =	sld [smem:$0x3FFE];
	_ =	sdelay $0x1  }
0x8a: {  	s1 =	srdreg.scid  }
0x8b: {  	s0 =	sand.u32 $0x1, s1  }
0x8c: {  	s18 =	sshll.u32 s0, $0xA;
	s2 =	sadd.s32 s3, s2  }
0x8d: {  	s2 =	sadd.s32 s2, s18  }
0x8e: {  	[smem:$0x3FC6] =	sst s2  }
0x8f: {  	_ = 	snop  }
0x90: {  	s2 =	sld [smem:$0x3FC9]  }
0x91: {  	s19 =	sld [smem:$0x3FD0];
	(tm) =	ssettm $0x1  }
0x92: {  	s4 =	sld [smem:$0x3FFB];
	_ =	sdelay $0x3  }
0x93: {  	_ =	strace s4  }
0x94: {  	s4 =	sld [smem:$0x3FFC];
	_ =	sdelay $0x3  }
0x95: {  	_ =	strace s4  }
0x96: {  	s4 =	sld [smem:$0x3FFD];
	_ =	sdelay $0x3  }
0x97: {  	_ =	strace s4  }
0x98: {  	_ =	strace $0x8FFFFFFF  }
0x99: {  	s20 =	sld [smem:$0x3FDB];
	_ =	sdelay $0x1  }
0x9a: {  	s5 =	simm.s32 $_scs_section_size  }
0x9b: {  	s6 =	simm.s32 $_size__tile_overlayer_lowered;
	s7 =	simm.s32 $_tile_overlayer_lowered  }
0x9c: {  	s23 =	simm.s32 $0x1BFF;
	s22 =	sshll.u32 s7, $0x1;
	s4 =	sadd.s32 s5, s20  }
0x9d: {  	s8 =	simm.s32 $0x0;
	s21 =	sshll.u32 s6, $0x1;
	s6 =	sadd.s32 s22, s4  }
0x9e: {  	[timem:s8], [sflag:s23] =	dma.local [hbm:s6], s21  }
0x9f: {  	_ =	swait.ge [sflag:s23], s21  }
0xa0: {  	s5 =	ssub.s32 $0x0, s21;
	[sflag:s23] =	ssyncset.done $0x0  }
0xa1: {  	[sflag:s23] =	ssyncadd.s32 s5;
	_ =	sdelay $0x1  }
0xa2: {  	s24 =	simm.s32 $0x1B8B  }
0xa3: {  	_ =	swait.ge [sflag:s24], $0x1  }
0xa4: {  	[sflag:s24] =	ssyncset.done $0x0  }
0xa5: {  	s25 =	simm.s32 $0x1B8E;
	[sflag:s24] =	ssyncadd.s32 $0xFFFFFFFF  }
0xa6: {  	s26 =	simm.s32 $execute0_lowered;
	[smem:$0x3FD2] =	sst s25  }
0xa7: {  	s5 =	sshll.u32 s26, $0x1;
	_ =	strace $0x80000046;
	[dreg:$0x1] =	wrdreg $0xFFFFFFFF  }
0xa8: {  	s28 =	simm.s32 $_size_execute0_lowered;
	s4 =	sadd.s32 s4, s5;
	[dreg:$0x0] =	wrdreg $0x0  }
0xa9: {  	s5 =	sshll.u32 s28, $0x1;
	[dreg:$0x2] =	wrdreg s4  }
0xaa: {  	[dreg:$0x3] =	wrdreg s5  }
0xab: {  	[dreg:$0x4] =	wrdreg $0xC0  }
0xac: {  	_ =	task [dreg:s8], $0x5FFFF  }
0xad: {  	[dreg:$0x1] =	wrdreg $0xFFFFFFFF  }
0xae: {  	[dreg:$0x0] =	wrdreg $0x60  }
0xaf: {  	[dreg:$0x2] =	wrdreg s2  }
0xb0: {  	[dreg:$0x3] =	wrdreg s19  }
0xb1: {  	[dreg:$0x4] =	wrdreg $0x9  }
0xb2: {  	_ =	task.clear_ibuf [dreg:s8], $0x5FFFF;
	_ =	strace $0x90000046  }
0xb3: {  	s29 =	simm.s32 $0x9;
	_ =	strace $0x80000048  }
0xb4: {  	_ =	swait.ge [sflag:s29], $0x1  }
0xb5: {  	[sflag:s29] =	ssyncadd.s32 $0xFFFFFFFF  }
0xb6: {  	_ =	strace $0x90000048  }
0xb7: {  	_ =	sfence  }
0xb8: {  	s30 =	sld [smem:$0x0];
	_ =	sdelay $0x2  }
0xb9: {  	s31 =	sshll.u32 s1, $0xD;
	s1 =	sshrl.u32 s1, $0x2  }
0xba: {  	s3 =	sand.u32 $0x4000, s31;
	s1 =	sadd.s32 s1, s30  }
0xbb: {  	s0 =	sor.u32 s3, s0;
	s1 =	sshll.u32 s1, $0x11  }
0xbc: {  	s0 =	sor.u32 s1, s0  }
0xbd: {  	s0 =	sadd.s32 $0x8F2B, s0  }
0xbe: {  	[sflag:s0] =	ssyncadd.remote.s32 $0x1  }
0xbf: {  	_ =	sfence.sel $0xFFFF  }
0xc0: {  	[dreg:$0x0] =	wrdreg $0xFFFFFFFF;
	(pc) =	sbr.abs _section_cstart, $3  }
0xc1: {  	[dreg:$0x1] =	wrdreg $0xFFFFFFFF  }
0xc2: {  	_ =	task.clear_ibuf [dreg:s8], $0x2FFFF;
	_ =	strace $0x9FFFFFFF  }
0xc3: {  	(tm) =	ssettm $0x7FFFFFFF  }
tec
execute0_lowered:
.L_overlay_start_1:
0x0: {  	(tag) =	ssettag $0x1  }
0x1: {  	s1 =	stileid.u32  }
0x2: {  	p0 =	sgt.u32 s1, $0x1  }
.Ltmp0:
0x3: {  	_ = 	snop;
	(pc) =	sbr.rel @p0 .LBB2_7-.Ltmp0, $4  }
0x4: {  	s4 =	rddreg [dreg:$0x0]  }
0x5: {  	s3 =	rddreg [dreg:$0x1];
	s2 =	simm.s32 $0x0  }
0x6: {  	[smem:$0x7FF] =	sst s2  }
0x7: {  	s0 =	rddreg [dreg:$0x2];
	_ =	strace $0x80000047  }
0x8: {  	v0 =	vimm.s32 $0xEDCBA987;
	v1 =	vimm.s32 $0x6543210F;
	v6 =	vimm.s32 $0x2  }
0x9: {  	v7 =	vimm.s32 $0x4;
	v8 =	vimm.s32 $0x3;
	v9 =	vimm.s32 $0x7  }
0xa: {  	vm0 =	vmmov $0x1;
	v12 =	vimm.s32 $0x5;
	v13 =	vimm.s32 $0x6  }
0xb: {  	s5 =	srdreg.scid;
	v14 =	vimm.s32 $0x8;
	v2 =	vunpack.c.l.s4.s8 v0;
	v1 =	vunpack.c.l.s4.s8 v1  }
0xc: {  	s6 =	sshll.u32 s1, $0x1;
	v15 =	vimm.s32 $0x9;
	v16 =	vimm.s32 $0xA;
	v0 =	vlaneseq.u32;
	s5 =	sand.u32 $0x1, s5  }
0xd: {  	s9 =	simm.s32 $0x800;
	s10 =	simm.s32 $0x1880;
	v3 =	vmul.u32 $0xFFFFFFFF, v0;
	s7 =	ssub.s32 $0x2, s5;
	v4 =	vunpack.c.0.s8.s32 v2;
	v5 =	vunpack.c.0.s8.s32 v1  }
0xe: {  	v17 =	vimm.s32 $0xB;
	v18 =	vimm.s32 $0xC;
	v19 =	vimm.s32 $0xD;
	s11 =	simm.s32 $0x0;
	s5 =	sor.u32 s5, s6;
	s31 =	sshrl.u32 s7, $0x1  }
0xf: {  	v20 =	vimm.s32 $0xE;
	s8 =	sshll.u32 s5, $0xD;
	s5 =	sshll.u32 s5, $0x4;
	v2 =	vadd.s32 $0x1, v3;
	s6 =	ssub.s32 s7, s31;
	v3 =	vcombine.low v5, v4  }
0x10: {  	v21 =	vimm.s32 $0xF;
	v10 =	vor.u32 $0x10, v0;
	v1 =	vimm.s32 $0x0;
	s3 =	sadd.s32 s3, s8;
	s4 =	sadd.s32 s4, s5;
	s7 =	simm.s32 $0x200  }
0x11: {  	s8 =	simm.s32 $0x1;
	v4 =	vadd.s32 $0xFFFFFFFF, v0;
	v5 =	vimm.s32 $0x1;
	s5 =	smax.u32 s6, $0x1;
	s6 =	simm.s32 $0x80;
	v11 =	vand.u32 $0xF, v3  }
.LBB2_2:
0x12: {  	s12 =	simm.s32 $0x0  }
0x13: {  	[tilespmem:s12], [sflag:$0x1] =	stream.strided.gather [hbm4b:s4+s6], $0x800, s7, s6, $0x38;
	[tilespmem:$0x11880] =	vst v63  }
0x14: {  	_ =	swait.ge [sflag:s8], $0x800  }
0x15: {  	[sflag:s8] =	ssyncset.done $0x0  }
0x16: {  	[sflag:s8] =	ssyncadd.s32 $0xFFFFF800  }
0x17: {  	[tilespmem:$0x800] =	vst v1  }
0x18: {  	v22 =	vld [tilespmem:s12+$0x0];
	_ =	sdelay $0x3  }
0x19: {  	v23 =	vmov s12  }
0x1a: {  	vm3 =	vne.s32 v23, v0;
	vm1 =	vne.s32 v22, $0x2  }
0x1b: {  	vm2 =	vmand vm3, vm1  }
0x1c: {  	v22 =	vsel vm2, $0x1, v1  }
0x1d: {  	(xrf0) =	vadd.scan.msk.s32 $0xffff, v22;
	_ =	sdelay $0x5  }
0x1e: {  	v22, _, _ =	vpop (xrf0)  }
0x1f: {  	v24 =	vadd.s32 s12, v22  }
0x20: {  	v25 =	vshll.u32 v24, $0x1  }
0x21: {  	v23 =	vsub.s32 v25, v23  }
0x22: {  	v23 =	vadd.s32 v2, v23  }
0x23: {  	v23 =	vnsel vm3, $0x40000000, v23  }
0x24: {  	v62 =	vsub.s32 $0x80000000, v23  }
0x25: {  	(xrf0) =	vmax.scan.msk.u32 $0xffff, v62;
	_ =	sdelay $0x5  }
0x26: {  	v23 =	vxor.u32 $0x80000000, v23;
	v25, _, _ =	vpop (xrf0)  }
0x27: {  	(xrf0) =	vmin.scan.msk.u32 $0xffff, v23;
	v23 =	vxor.u32 $0x7FFFFFFF, v25  }
0x28: {  	s16 =	simm.s32 $0x40000000;
	v23 =	vadd.s32 $0x1, v23  }
0x29: {  	vm1 =	vlt.s32 v23, s16  }
0x2a: {  	v23 =	vnsel vm1, s16, v23  }
0x2b: {  	v23 =	vperm.xlane v23, v3  }
0x2c: {  	vm1 =	veq.s32 v0, $0x0  }
0x2d: {  	(v2sf) =	vpush v22, $0xF;
	v22, _, _ =	vpop (xrf0);
	v23 =	vsel vm1, s16, v23  }
0x2e: {  	(v2sf) =	vpush v22, $0xF;
	v22 =	vshra.s32 v23, $0x1F  }
0x2f: {  	v22 =	vand.u32 v22, v23  }
0x30: {  	v22 =	vadd.s32 s12, v22  }
0x31: {  	v22 =	vadd.s32 v4, v22  }
0x32: {  	v23 =	vshra.s32 v22, $0x1  }
0x33: {  	vm3 =	vgt.s32 v23, $0x0  }
0x34: {  	v23 =	vnsel vm3, $0x0, v23;
	_ =	sdelay $0x2  }
0x35: {  	v63 =	vor.u32 s12, v0  }
0x36: {  	[tilespmem:v24+s9+$0x0] =	vst.idx.msk vm2, v63  }
0x37: {  	v23 =	vld.idx.msk [tilespmem:v23+s9+$0x0], $0xffff;
	_ =	sdelay $0x2  }
0x38: {  	s15 =	spop (v2sf)  }
0x39: {  	s13 =	spop (v2sf)  }
0x3a: {  	v22 =	vand.u32 $0x1, v22;
	s17 =	sxor.u32 $0x80000000, s13;
	v23 =	vshll.u32 v23, $0x2  }
0x3b: {  	s14 =	simm.s32 $0x10;
	p0 =	sgt.s32 s17, $0x40000000;
	v22 =	vor.u32 v23, v22  }
0x3c: {  	s15 =	sadd.s32 $0x0, s15;
	s13 =	simm.s32 $0x1080;
	s17 =	smov.u32 @p0 s16;
	v22 =	vadd.s32 $0x1, v22  }
.LBB2_3:
0x3d: {  	s16 =	smov.u32 s17  }
0x3e: {  	p0 =	sne.s32 s14, $0x7F0;
	s12 =	sadd.s32 $0x10, s12;
	[tilespmem:s13+$0x0] =	vst v22;
	s13 =	sadd.s32 $0x10, s13  }
0x3f: {  	s17 =	smov.u32 s14;
	s14 =	sadd.s32 $0x10, s14;
	v22 =	vld [tilespmem:s12+$0x0];
	_ =	sdelay $0x3  }
0x40: {  	v23 =	vmov s17  }
0x41: {  	vm3 =	vne.s32 v23, v0;
	vm2 =	vne.s32 v22, $0x2  }
0x42: {  	vm2 =	vmand vm3, vm2  }
0x43: {  	v22 =	vsel vm2, $0x1, v1  }
0x44: {  	(xrf0) =	vadd.scan.msk.s32 $0xffff, v22;
	_ =	sdelay $0x5  }
0x45: {  	v22, _, _ =	vpop (xrf0)  }
0x46: {  	v24 =	vadd.s32 s15, v22;
	(v2sf) =	vpush v22, $0xF  }
0x47: {  	v22 =	vshll.u32 v24, $0x1  }
0x48: {  	v22 =	vsub.s32 v22, v23  }
0x49: {  	v22 =	vadd.s32 v2, v22  }
0x4a: {  	v23 =	vor.u32 s17, v0;
	v22 =	vnsel vm3, $0x40000000, v22  }
0x4b: {  	v25 =	vsub.s32 $0x80000000, v22;
	[tilespmem:v24+s9+$0x0] =	vst.idx.msk vm2, v23;
	v22 =	vxor.u32 $0x80000000, v22  }
0x4c: {  	(xrf0) =	vmax.scan.msk.u32 $0xffff, v25  }
0x4d: {  	(xrf0) =	vmin.scan.msk.u32 $0xffff, v22;
	_ =	sdelay $0x4  }
0x4e: {  	v22, _, _ =	vpop (xrf0)  }
0x4f: {  	v22 =	vxor.u32 $0x7FFFFFFF, v22;
	v23, _, _ =	vpop (xrf0)  }
0x50: {  	v22 =	vadd.s32 $0x1, v22;
	(v2sf) =	vpush v23, $0xF  }
0x51: {  	vm2 =	vlt.s32 v22, s16;
	s18 =	spop (v2sf)  }
0x52: {  	v22 =	vnsel vm2, s16, v22;
	s15 =	sadd.s32 s15, s18  }
0x53: {  	v22 =	vperm.xlane v22, v3;
	_ =	sdelay $0x1  }
0x54: {  	v22 =	vsel vm1, s16, v22  }
0x55: {  	v23 =	vshra.s32 v22, $0x1F  }
0x56: {  	v22 =	vand.u32 v23, v22  }
0x57: {  	v22 =	vadd.s32 s17, v22  }
0x58: {  	v22 =	vadd.s32 v4, v22  }
0x59: {  	v23 =	vshra.s32 v22, $0x1  }
0x5a: {  	vm2 =	vgt.s32 v23, $0x0  }
0x5b: {  	v23 =	vnsel vm2, $0x0, v23;
	_ =	sdelay $0x2  }
0x5c: {  	s17 =	spop (v2sf)  }
0x5d: {  	s17 =	sxor.u32 $0x80000000, s17  }
0x5e: {  	v23 =	vld.idx.msk [tilespmem:v23+s9+$0x0], $0xffff;
	p1 =	slt.s32 s16, s17  }
0x5f: {  	s17 =	smov.u32 @p1 s16;
	_ =	sdelay $0x2  }
.Ltmp1:
0x60: {  	(pc) =	sbr.rel @p0 .LBB2_3-.Ltmp1, $4  }
0x61: {  	_ = 	snop  }
0x62: {  	v22 =	vand.u32 $0x1, v22;
	v23 =	vshll.u32 v23, $0x2  }
0x63: {  	v22 =	vor.u32 v23, v22  }
0x64: {  	v22 =	vadd.s32 $0x1, v22  }
0x65: {  	[tilespmem:s13+$0x0] =	vst v22  }
0x66: {  	v22 =	vld [tilespmem:$0x1080];
	_ =	sdelay $0x4  }
0x67: {  	v23 =	vperm.xlane v22, v5;
	_ =	sdelay $0x1  }
0x68: {  	v24 =	vshrl.u32 v23, $0x2;
	v25 =	vshrl.u32 v23, $0x4  }
0x69: {  	v25 =	vand.u32 $0x1FFFFC0, v25;
	v24 =	vand.u32 $0x3F, v24  }
0x6a: {  	v51 =	vshrl.u32 v23, $0x3;
	v24 =	vor.u32 v24, v25  }
0x6b: {  	v25 =	vand.u32 $0x60, v51;
	v24 =	vshll.u32 v24, $0x7  }
0x6c: {  	v24 =	vor.u32 v25, v24  }
0x6d: {  	v25 =	vor.u32 v0, v24  }
0x6e: {  	v24 =	vor.u32 v10, v24;
	_ =	sdelay $0x1  }
0x6f: {  	[tilespmem:$0x1880] =	vst v1  }
0x70: {  	[tilespmem:$0x1890] =	vst v1  }
0x71: {  	v26 =	vperm.xlane v22, v6;
	v25 =	vld.idx.msk [tilespmem:v25+s10+$0x0], $0xffff  }
0x72: {  	v24 =	vld.idx.msk [tilespmem:v24+s10+$0x0], $0xffff  }
0x73: {  	v27 =	vshrl.u32 v26, $0x2;
	v28 =	vshrl.u32 v26, $0x4  }
0x74: {  	v28 =	vand.u32 $0x1FFFFC0, v28;
	v27 =	vand.u32 $0x3F, v27  }
0x75: {  	v52 =	vshrl.u32 v26, $0x3;
	v27 =	vor.u32 v27, v28  }
0x76: {  	v28 =	vand.u32 $0x60, v52;
	v27 =	vshll.u32 v27, $0x7  }
0x77: {  	v27 =	vor.u32 v28, v27;
	v29 =	vperm.xlane v25, v11;
	v30 =	vperm.xlane v24, v11  }
0x78: {  	v23 =	vand.u32 $0x3, v23;
	v55 =	vor.u32 v0, v27  }
0x79: {  	v27 =	vor.u32 v10, v27;
	v53 =	vshrl.u32 v29, $0x1E;
	v54 =	vsel vm0, v29, v30  }
0x7a: {  	v25 =	vshll.u32 v25, $0x2;
	v23 =	vsel vm0, v23, v53;
	v28 =	vshrl.u32 v54, $0x1  }
0x7b: {  	v24 =	vshll.u32 v24, $0x2;
	v23 =	vor.u32 v25, v23;
	v56 =	vshrl.u32 v28, $0x1D  }
0x7c: {  	[tilespmem:$0x1900] =	vst v23;
	v23 =	vor.u32 v56, v24  }
0x7d: {  	[tilespmem:$0x1910] =	vst v23  }
0x7e: {  	v58 =	vperm.xlane v22, v8;
	v23 =	vld.idx.msk [tilespmem:v55+s10+$0x0], $0xffff  }
0x7f: {  	v57 =	vld.idx.msk [tilespmem:v27+s10+$0x0], $0xffff  }
0x80: {  	v59 =	vshrl.u32 v58, $0x2;
	v60 =	vshrl.u32 v58, $0x4  }
0x81: {  	v28 =	vand.u32 $0x1FFFFC0, v60;
	v27 =	vand.u32 $0x3F, v59  }
0x82: {  	v61 =	vshrl.u32 v58, $0x3;
	v27 =	vor.u32 v27, v28  }
0x83: {  	v28 =	vand.u32 $0x60, v61;
	v27 =	vshll.u32 v27, $0x7  }
0x84: {  	v27 =	vor.u32 v28, v27;
	v29 =	vperm.xlane v23, v11;
	v62 =	vperm.xlane v57, v11  }
0x85: {  	v26 =	vand.u32 $0x3, v26;
	v33 =	vor.u32 v0, v27  }
0x86: {  	v27 =	vor.u32 v10, v27;
	v63 =	vshrl.u32 v29, $0x1E;
	v32 =	vsel vm0, v29, v62  }
0x87: {  	v23 =	vshll.u32 v23, $0x2;
	v26 =	vsel vm0, v26, v63;
	v28 =	vshrl.u32 v32, $0x1  }
0x88: {  	v24 =	vshll.u32 v57, $0x2;
	v23 =	vor.u32 v23, v26;
	v34 =	vshrl.u32 v28, $0x1D  }
0x89: {  	[tilespmem:$0x1980] =	vst v23;
	v23 =	vor.u32 v34, v24  }
0x8a: {  	[tilespmem:$0x1990] =	vst v23  }
0x8b: {  	v36 =	vperm.xlane v22, v7;
	v23 =	vld.idx.msk [tilespmem:v33+s10+$0x0], $0xffff  }
0x8c: {  	v35 =	vld.idx.msk [tilespmem:v27+s10+$0x0], $0xffff  }
0x8d: {  	v37 =	vshrl.u32 v36, $0x2;
	v38 =	vshrl.u32 v36, $0x4  }
0x8e: {  	v28 =	vand.u32 $0x1FFFFC0, v38;
	v27 =	vand.u32 $0x3F, v37  }
0x8f: {  	v39 =	vshrl.u32 v36, $0x3;
	v27 =	vor.u32 v27, v28  }
0x90: {  	v28 =	vand.u32 $0x60, v39;
	v27 =	vshll.u32 v27, $0x7  }
0x91: {  	v27 =	vor.u32 v28, v27;
	v29 =	vperm.xlane v23, v11;
	v40 =	vperm.xlane v35, v11  }
0x92: {  	v25 =	vand.u32 $0x3, v58;
	v43 =	vor.u32 v0, v27  }
0x93: {  	v27 =	vor.u32 v10, v27;
	v41 =	vshrl.u32 v29, $0x1E;
	v42 =	vsel vm0, v29, v40  }
0x94: {  	v23 =	vshll.u32 v23, $0x2;
	v25 =	vsel vm0, v25, v41;
	v28 =	vshrl.u32 v42, $0x1  }
0x95: {  	v24 =	vshll.u32 v35, $0x2;
	v23 =	vor.u32 v23, v25;
	v44 =	vshrl.u32 v28, $0x1D  }
0x96: {  	[tilespmem:$0x1A00] =	vst v23;
	v23 =	vor.u32 v44, v24  }
0x97: {  	[tilespmem:$0x1A10] =	vst v23  }
0x98: {  	v46 =	vperm.xlane v22, v12;
	v23 =	vld.idx.msk [tilespmem:v43+s10+$0x0], $0xffff  }
0x99: {  	v45 =	vld.idx.msk [tilespmem:v27+s10+$0x0], $0xffff  }
0x9a: {  	v47 =	vshrl.u32 v46, $0x2;
	v48 =	vshrl.u32 v46, $0x4  }
0x9b: {  	v28 =	vand.u32 $0x1FFFFC0, v48;
	v27 =	vand.u32 $0x3F, v47  }
0x9c: {  	v49 =	vshrl.u32 v46, $0x3;
	v27 =	vor.u32 v27, v28  }
0x9d: {  	v28 =	vand.u32 $0x60, v49;
	v27 =	vshll.u32 v27, $0x7  }
0x9e: {  	v27 =	vor.u32 v28, v27;
	v29 =	vperm.xlane v23, v11;
	v50 =	vperm.xlane v45, v11  }
0x9f: {  	v26 =	vand.u32 $0x3, v36;
	v53 =	vor.u32 v0, v27  }
0xa0: {  	v27 =	vor.u32 v10, v27;
	v51 =	vshrl.u32 v29, $0x1E;
	v52 =	vsel vm0, v29, v50  }
0xa1: {  	v23 =	vshll.u32 v23, $0x2;
	v26 =	vsel vm0, v26, v51;
	v28 =	vshrl.u32 v52, $0x1  }
0xa2: {  	v24 =	vshll.u32 v45, $0x2;
	v23 =	vor.u32 v23, v26;
	v54 =	vshrl.u32 v28, $0x1D  }
0xa3: {  	[tilespmem:$0x1A80] =	vst v23;
	v23 =	vor.u32 v54, v24  }
0xa4: {  	[tilespmem:$0x1A90] =	vst v23  }
0xa5: {  	v56 =	vperm.xlane v22, v13;
	v23 =	vld.idx.msk [tilespmem:v53+s10+$0x0], $0xffff  }
0xa6: {  	v55 =	vld.idx.msk [tilespmem:v27+s10+$0x0], $0xffff  }
0xa7: {  	v58 =	vshrl.u32 v56, $0x4;
	v57 =	vshrl.u32 v56, $0x2  }
0xa8: {  	v28 =	vand.u32 $0x1FFFFC0, v58;
	v27 =	vand.u32 $0x3F, v57  }
0xa9: {  	v59 =	vshrl.u32 v56, $0x3;
	v27 =	vor.u32 v27, v28  }
0xaa: {  	v28 =	vand.u32 $0x60, v59;
	v27 =	vshll.u32 v27, $0x7  }
0xab: {  	v27 =	vor.u32 v28, v27;
	v29 =	vperm.xlane v23, v11;
	v60 =	vperm.xlane v55, v11  }
0xac: {  	v25 =	vand.u32 $0x3, v46;
	v63 =	vor.u32 v0, v27  }
0xad: {  	v27 =	vor.u32 v10, v27;
	v61 =	vshrl.u32 v29, $0x1E;
	v62 =	vsel vm0, v29, v60  }
0xae: {  	v23 =	vshll.u32 v23, $0x2;
	v25 =	vsel vm0, v25, v61;
	v28 =	vshrl.u32 v62, $0x1  }
0xaf: {  	v24 =	vshll.u32 v55, $0x2;
	v23 =	vor.u32 v23, v25;
	v32 =	vshrl.u32 v28, $0x1D  }
0xb0: {  	[tilespmem:$0x1B00] =	vst v23;
	v23 =	vor.u32 v32, v24  }
0xb1: {  	[tilespmem:$0x1B10] =	vst v23  }
0xb2: {  	v34 =	vperm.xlane v22, v9;
	v23 =	vld.idx.msk [tilespmem:v63+s10+$0x0], $0xffff  }
0xb3: {  	v33 =	vld.idx.msk [tilespmem:v27+s10+$0x0], $0xffff  }
0xb4: {  	v36 =	vshrl.u32 v34, $0x4;
	v35 =	vshrl.u32 v34, $0x2  }
0xb5: {  	v28 =	vand.u32 $0x1FFFFC0, v36;
	v27 =	vand.u32 $0x3F, v35  }
0xb6: {  	v37 =	vshrl.u32 v34, $0x3;
	v27 =	vor.u32 v27, v28  }
0xb7: {  	v28 =	vand.u32 $0x60, v37;
	v27 =	vshll.u32 v27, $0x7  }
0xb8: {  	v27 =	vor.u32 v28, v27;
	v29 =	vperm.xlane v23, v11;
	v38 =	vperm.xlane v33, v11  }
0xb9: {  	v26 =	vand.u32 $0x3, v56;
	v41 =	vor.u32 v0, v27  }
0xba: {  	v27 =	vor.u32 v10, v27;
	v39 =	vshrl.u32 v29, $0x1E;
	v40 =	vsel vm0, v29, v38  }
0xbb: {  	v23 =	vshll.u32 v23, $0x2;
	v26 =	vsel vm0, v26, v39;
	v28 =	vshrl.u32 v40, $0x1  }
0xbc: {  	v24 =	vshll.u32 v33, $0x2;
	v23 =	vor.u32 v23, v26;
	v42 =	vshrl.u32 v28, $0x1D  }
0xbd: {  	[tilespmem:$0x1B80] =	vst v23;
	v23 =	vor.u32 v42, v24  }
0xbe: {  	[tilespmem:$0x1B90] =	vst v23  }
0xbf: {  	v44 =	vperm.xlane v22, v14;
	v23 =	vld.idx.msk [tilespmem:v41+s10+$0x0], $0xffff  }
0xc0: {  	v43 =	vld.idx.msk [tilespmem:v27+s10+$0x0], $0xffff  }
0xc1: {  	v46 =	vshrl.u32 v44, $0x4;
	v45 =	vshrl.u32 v44, $0x2  }
0xc2: {  	v28 =	vand.u32 $0x1FFFFC0, v46;
	v27 =	vand.u32 $0x3F, v45  }
0xc3: {  	v47 =	vshrl.u32 v44, $0x3;
	v27 =	vor.u32 v27, v28  }
0xc4: {  	v28 =	vand.u32 $0x60, v47;
	v27 =	vshll.u32 v27, $0x7  }
0xc5: {  	v27 =	vor.u32 v28, v27;
	v29 =	vperm.xlane v23, v11;
	v48 =	vperm.xlane v43, v11  }
0xc6: {  	v25 =	vand.u32 $0x3, v34;
	v51 =	vor.u32 v0, v27  }
0xc7: {  	v27 =	vor.u32 v10, v27;
	v49 =	vshrl.u32 v29, $0x1E;
	v50 =	vsel vm0, v29, v48  }
0xc8: {  	v23 =	vshll.u32 v23, $0x2;
	v25 =	vsel vm0, v25, v49;
	v28 =	vshrl.u32 v50, $0x1  }
0xc9: {  	v24 =	vshll.u32 v43, $0x2;
	v23 =	vor.u32 v23, v25;
	v52 =	vshrl.u32 v28, $0x1D  }
0xca: {  	[tilespmem:$0x1C00] =	vst v23;
	v23 =	vor.u32 v52, v24  }
0xcb: {  	[tilespmem:$0x1C10] =	vst v23  }
0xcc: {  	v54 =	vperm.xlane v22, v15;
	v23 =	vld.idx.msk [tilespmem:v51+s10+$0x0], $0xffff  }
0xcd: {  	v53 =	vld.idx.msk [tilespmem:v27+s10+$0x0], $0xffff  }
0xce: {  	v56 =	vshrl.u32 v54, $0x4;
	v55 =	vshrl.u32 v54, $0x2  }
0xcf: {  	v28 =	vand.u32 $0x1FFFFC0, v56;
	v27 =	vand.u32 $0x3F, v55  }
0xd0: {  	v57 =	vshrl.u32 v54, $0x3;
	v27 =	vor.u32 v27, v28  }
0xd1: {  	v28 =	vand.u32 $0x60, v57;
	v27 =	vshll.u32 v27, $0x7  }
0xd2: {  	v27 =	vor.u32 v28, v27;
	v29 =	vperm.xlane v23, v11;
	v58 =	vperm.xlane v53, v11  }
0xd3: {  	v26 =	vand.u32 $0x3, v44;
	v61 =	vor.u32 v0, v27  }
0xd4: {  	v27 =	vor.u32 v10, v27;
	v59 =	vshrl.u32 v29, $0x1E;
	v60 =	vsel vm0, v29, v58  }
0xd5: {  	v23 =	vshll.u32 v23, $0x2;
	v26 =	vsel vm0, v26, v59;
	v28 =	vshrl.u32 v60, $0x1  }
0xd6: {  	v24 =	vshll.u32 v53, $0x2;
	v23 =	vor.u32 v23, v26;
	v62 =	vshrl.u32 v28, $0x1D  }
0xd7: {  	[tilespmem:$0x1C80] =	vst v23;
	v23 =	vor.u32 v62, v24  }
0xd8: {  	[tilespmem:$0x1C90] =	vst v23  }
0xd9: {  	v33 =	vperm.xlane v22, v16;
	v23 =	vld.idx.msk [tilespmem:v61+s10+$0x0], $0xffff  }
0xda: {  	v63 =	vld.idx.msk [tilespmem:v27+s10+$0x0], $0xffff  }
0xdb: {  	v34 =	vshrl.u32 v33, $0x2;
	v35 =	vshrl.u32 v33, $0x4  }
0xdc: {  	v28 =	vand.u32 $0x1FFFFC0, v35;
	v27 =	vand.u32 $0x3F, v34  }
0xdd: {  	v36 =	vshrl.u32 v33, $0x3;
	v27 =	vor.u32 v27, v28  }
0xde: {  	v28 =	vand.u32 $0x60, v36;
	v27 =	vshll.u32 v27, $0x7  }
0xdf: {  	v27 =	vor.u32 v28, v27;
	v29 =	vperm.xlane v23, v11;
	v37 =	vperm.xlane v63, v11  }
0xe0: {  	v25 =	vand.u32 $0x3, v54;
	v40 =	vor.u32 v0, v27  }
0xe1: {  	v27 =	vor.u32 v10, v27;
	v38 =	vshrl.u32 v29, $0x1E;
	v39 =	vsel vm0, v29, v37  }
0xe2: {  	v23 =	vshll.u32 v23, $0x2;
	v25 =	vsel vm0, v25, v38;
	v28 =	vshrl.u32 v39, $0x1  }
0xe3: {  	v24 =	vshll.u32 v63, $0x2;
	v23 =	vor.u32 v23, v25;
	v41 =	vshrl.u32 v28, $0x1D  }
0xe4: {  	[tilespmem:$0x1D00] =	vst v23;
	v23 =	vor.u32 v41, v24  }
0xe5: {  	[tilespmem:$0x1D10] =	vst v23  }
0xe6: {  	v43 =	vperm.xlane v22, v17;
	v23 =	vld.idx.msk [tilespmem:v40+s10+$0x0], $0xffff  }
0xe7: {  	v42 =	vld.idx.msk [tilespmem:v27+s10+$0x0], $0xffff  }
0xe8: {  	v44 =	vshrl.u32 v43, $0x2;
	v45 =	vshrl.u32 v43, $0x4  }
0xe9: {  	v28 =	vand.u32 $0x1FFFFC0, v45;
	v27 =	vand.u32 $0x3F, v44  }
0xea: {  	v46 =	vshrl.u32 v43, $0x3;
	v27 =	vor.u32 v27, v28  }
0xeb: {  	v28 =	vand.u32 $0x60, v46;
	v27 =	vshll.u32 v27, $0x7  }
0xec: {  	v27 =	vor.u32 v28, v27;
	v29 =	vperm.xlane v23, v11;
	v47 =	vperm.xlane v42, v11  }
0xed: {  	v26 =	vand.u32 $0x3, v33;
	v50 =	vor.u32 v0, v27  }
0xee: {  	v27 =	vor.u32 v10, v27;
	v48 =	vshrl.u32 v29, $0x1E;
	v49 =	vsel vm0, v29, v47  }
0xef: {  	v23 =	vshll.u32 v23, $0x2;
	v26 =	vsel vm0, v26, v48;
	v28 =	vshrl.u32 v49, $0x1  }
0xf0: {  	v24 =	vshll.u32 v42, $0x2;
	v23 =	vor.u32 v23, v26;
	v51 =	vshrl.u32 v28, $0x1D  }
0xf1: {  	[tilespmem:$0x1D80] =	vst v23;
	v23 =	vor.u32 v51, v24  }
0xf2: {  	[tilespmem:$0x1D90] =	vst v23  }
0xf3: {  	v53 =	vperm.xlane v22, v18;
	v23 =	vld.idx.msk [tilespmem:v50+s10+$0x0], $0xffff  }
0xf4: {  	v52 =	vld.idx.msk [tilespmem:v27+s10+$0x0], $0xffff  }
0xf5: {  	v54 =	vshrl.u32 v53, $0x2;
	v55 =	vshrl.u32 v53, $0x4  }
0xf6: {  	v28 =	vand.u32 $0x1FFFFC0, v55;
	v27 =	vand.u32 $0x3F, v54  }
0xf7: {  	v56 =	vshrl.u32 v53, $0x3;
	v27 =	vor.u32 v27, v28  }
0xf8: {  	v28 =	vand.u32 $0x60, v56;
	v27 =	vshll.u32 v27, $0x7  }
0xf9: {  	v27 =	vor.u32 v28, v27;
	v29 =	vperm.xlane v23, v11;
	v57 =	vperm.xlane v52, v11  }
0xfa: {  	v25 =	vand.u32 $0x3, v43;
	v60 =	vor.u32 v0, v27  }
0xfb: {  	v27 =	vor.u32 v10, v27;
	v58 =	vshrl.u32 v29, $0x1E;
	v59 =	vsel vm0, v29, v57  }
0xfc: {  	v23 =	vshll.u32 v23, $0x2;
	v25 =	vsel vm0, v25, v58;
	v28 =	vshrl.u32 v59, $0x1  }
0xfd: {  	v24 =	vshll.u32 v52, $0x2;
	v23 =	vor.u32 v23, v25;
	v61 =	vshrl.u32 v28, $0x1D  }
0xfe: {  	[tilespmem:$0x1E00] =	vst v23;
	v23 =	vor.u32 v61, v24  }
0xff: {  	[tilespmem:$0x1E10] =	vst v23  }
0x100: {  	v63 =	vperm.xlane v22, v19;
	v23 =	vld.idx.msk [tilespmem:v60+s10+$0x0], $0xffff  }
0x101: {  	v62 =	vld.idx.msk [tilespmem:v27+s10+$0x0], $0xffff  }
0x102: {  	v32 =	vshrl.u32 v63, $0x2;
	v33 =	vshrl.u32 v63, $0x4  }
0x103: {  	v28 =	vand.u32 $0x1FFFFC0, v33;
	v27 =	vand.u32 $0x3F, v32  }
0x104: {  	v34 =	vshrl.u32 v63, $0x3;
	v27 =	vor.u32 v27, v28  }
0x105: {  	v28 =	vand.u32 $0x60, v34;
	v27 =	vshll.u32 v27, $0x7  }
0x106: {  	v27 =	vor.u32 v28, v27;
	v29 =	vperm.xlane v23, v11;
	v35 =	vperm.xlane v62, v11  }
0x107: {  	v26 =	vand.u32 $0x3, v53;
	v38 =	vor.u32 v0, v27  }
0x108: {  	v27 =	vor.u32 v10, v27;
	v36 =	vshrl.u32 v29, $0x1E;
	v37 =	vsel vm0, v29, v35  }
0x109: {  	v23 =	vshll.u32 v23, $0x2;
	v26 =	vsel vm0, v26, v36;
	v28 =	vshrl.u32 v37, $0x1  }
0x10a: {  	v24 =	vshll.u32 v62, $0x2;
	v23 =	vor.u32 v23, v26;
	v39 =	vshrl.u32 v28, $0x1D  }
0x10b: {  	[tilespmem:$0x1E80] =	vst v23;
	v23 =	vor.u32 v39, v24  }
0x10c: {  	[tilespmem:$0x1E90] =	vst v23  }
0x10d: {  	v41 =	vperm.xlane v22, v20;
	v23 =	vld.idx.msk [tilespmem:v38+s10+$0x0], $0xffff  }
0x10e: {  	v40 =	vld.idx.msk [tilespmem:v27+s10+$0x0], $0xffff  }
0x10f: {  	v43 =	vshrl.u32 v41, $0x4;
	v42 =	vshrl.u32 v41, $0x2  }
0x110: {  	v28 =	vand.u32 $0x1FFFFC0, v43;
	v27 =	vand.u32 $0x3F, v42  }
0x111: {  	v44 =	vshrl.u32 v41, $0x3;
	v27 =	vor.u32 v27, v28  }
0x112: {  	v28 =	vand.u32 $0x60, v44;
	v27 =	vshll.u32 v27, $0x7  }
0x113: {  	v27 =	vor.u32 v28, v27;
	v29 =	vperm.xlane v23, v11;
	v45 =	vperm.xlane v40, v11  }
0x114: {  	v25 =	vand.u32 $0x3, v63;
	v48 =	vor.u32 v0, v27  }
0x115: {  	v27 =	vor.u32 v10, v27;
	v46 =	vshrl.u32 v29, $0x1E;
	v47 =	vsel vm0, v29, v45  }
0x116: {  	v23 =	vshll.u32 v23, $0x2;
	v25 =	vsel vm0, v25, v46;
	v28 =	vshrl.u32 v47, $0x1  }
0x117: {  	v24 =	vshll.u32 v40, $0x2;
	v23 =	vor.u32 v23, v25;
	v49 =	vshrl.u32 v28, $0x1D  }
0x118: {  	[tilespmem:$0x1F00] =	vst v23;
	v23 =	vor.u32 v49, v24  }
0x119: {  	[tilespmem:$0x1F10] =	vst v23  }
0x11a: {  	v22 =	vperm.xlane v22, v21;
	v23 =	vld.idx.msk [tilespmem:v48+s10+$0x0], $0xffff  }
0x11b: {  	v50 =	vld.idx.msk [tilespmem:v27+s10+$0x0], $0xffff  }
0x11c: {  	v51 =	vshrl.u32 v22, $0x2;
	v52 =	vshrl.u32 v22, $0x4  }
0x11d: {  	v25 =	vand.u32 $0x3F, v51;
	v27 =	vand.u32 $0x1FFFFC0, v52  }
0x11e: {  	v54 =	vshrl.u32 v22, $0x3;
	v25 =	vor.u32 v25, v27  }
0x11f: {  	v27 =	vand.u32 $0x60, v54;
	v25 =	vshll.u32 v25, $0x7  }
0x120: {  	v25 =	vor.u32 v27, v25;
	v53 =	vperm.xlane v23, v11;
	v55 =	vperm.xlane v50, v11  }
0x121: {  	v26 =	vand.u32 $0x3, v41;
	v58 =	vor.u32 v0, v25  }
0x122: {  	v25 =	vor.u32 v10, v25;
	v56 =	vshrl.u32 v53, $0x1E;
	v57 =	vsel vm0, v53, v55  }
0x123: {  	v23 =	vshll.u32 v23, $0x2;
	v26 =	vsel vm0, v26, v56;
	v27 =	vshrl.u32 v57, $0x1  }
0x124: {  	v24 =	vshll.u32 v50, $0x2;
	v23 =	vor.u32 v23, v26;
	v59 =	vshrl.u32 v27, $0x1D  }
0x125: {  	[tilespmem:$0x1F80] =	vst v23;
	v23 =	vor.u32 v59, v24  }
0x126: {  	[tilespmem:$0x1F90] =	vst v23  }
0x127: {  	v23 =	vld.idx.msk [tilespmem:v58+s10+$0x0], $0xffff  }
0x128: {  	v60 =	vld.idx.msk [tilespmem:v25+s10+$0x0], $0xffff;
	_ =	sdelay $0x4  }
0x129: {  	v61 =	vperm.xlane v23, v11;
	v62 =	vperm.xlane v60, v11;
	_ =	sdelay $0x1  }
0x12a: {  	v22 =	vand.u32 $0x3, v22;
	v63 =	vshrl.u32 v61, $0x1E;
	v25 =	vsel vm0, v61, v62  }
0x12b: {  	v23 =	vshll.u32 v23, $0x2;
	v22 =	vsel vm0, v22, v63;
	v25 =	vshrl.u32 v25, $0x1  }
0x12c: {  	v24 =	vshll.u32 v60, $0x2;
	v22 =	vor.u32 v23, v22;
	v23 =	vshrl.u32 v25, $0x1D  }
0x12d: {  	s12 =	simm.s32 $0x10;
	[tilespmem:$0x2000] =	vst v22;
	v22 =	vor.u32 v23, v24  }
0x12e: {  	s13 =	simm.s32 $0x8;
	s14 =	simm.s32 $0x4;
	s15 =	simm.s32 $0x1090;
	[tilespmem:$0x2010] =	vst v22  }
.LBB2_5:
0x12f: {  	v22 =	vld [tilespmem:s15+$0x0];
	_ =	sdelay $0x4  }
0x130: {  	v23 =	vperm.xlane v22, v1;
	_ =	sdelay $0x1  }
0x131: {  	v24 =	vshrl.u32 v23, $0x2;
	v25 =	vshrl.u32 v23, $0x4  }
0x132: {  	v25 =	vand.u32 $0x1FFFFC0, v25;
	v24 =	vand.u32 $0x3F, v24  }
0x133: {  	v41 =	vshrl.u32 v23, $0x3;
	v24 =	vor.u32 v24, v25  }
0x134: {  	v25 =	vand.u32 $0x60, v41;
	v24 =	vshll.u32 v24, $0x7  }
0x135: {  	v24 =	vor.u32 v25, v24  }
0x136: {  	v25 =	vor.u32 v0, v24  }
0x137: {  	v24 =	vor.u32 v10, v24;
	_ =	sdelay $0x3  }
0x138: {  	v26 =	vperm.xlane v22, v5;
	v25 =	vld.idx.msk [tilespmem:v25+s10+$0x0], $0xffff  }
0x139: {  	v24 =	vld.idx.msk [tilespmem:v24+s10+$0x0], $0xffff  }
0x13a: {  	v27 =	vshrl.u32 v26, $0x2;
	v28 =	vshrl.u32 v26, $0x4  }
0x13b: {  	v28 =	vand.u32 $0x1FFFFC0, v28;
	v27 =	vand.u32 $0x3F, v27  }
0x13c: {  	v42 =	vshrl.u32 v26, $0x3;
	v27 =	vor.u32 v27, v28  }
0x13d: {  	v28 =	vand.u32 $0x60, v42;
	v27 =	vshll.u32 v27, $0x7  }
0x13e: {  	v27 =	vor.u32 v28, v27;
	v29 =	vperm.xlane v25, v11;
	v30 =	vperm.xlane v24, v11  }
0x13f: {  	s16 =	sand.u32 $0x3C0, s14;
	s17 =	sand.u32 $0x30, s12;
	v23 =	vand.u32 $0x3, v23;
	v45 =	vor.u32 v0, v27  }
0x140: {  	s16 =	sor.u32 s17, s16;
	v27 =	vor.u32 v10, v27;
	v43 =	vshrl.u32 v29, $0x1E;
	v44 =	vsel vm0, v29, v30  }
0x141: {  	s31 =	sand.u32 $0x60, s13;
	s16 =	sshll.u32 s16, $0x7;
	v25 =	vshll.u32 v25, $0x2;
	v23 =	vsel vm0, v23, v43;
	v28 =	vshrl.u32 v44, $0x1  }
0x142: {  	s16 =	sor.u32 s31, s16;
	v24 =	vshll.u32 v24, $0x2;
	v23 =	vor.u32 v25, v23;
	v46 =	vshrl.u32 v28, $0x1D  }
0x143: {  	[tilespmem:s16+$0x1880] =	vst v23;
	v23 =	vor.u32 v46, v24  }
0x144: {  	[tilespmem:s16+$0x1890] =	vst v23  }
0x145: {  	v48 =	vperm.xlane v22, v6;
	v23 =	vld.idx.msk [tilespmem:v45+s10+$0x0], $0xffff  }
0x146: {  	v47 =	vld.idx.msk [tilespmem:v27+s10+$0x0], $0xffff  }
0x147: {  	v49 =	vshrl.u32 v48, $0x2;
	v50 =	vshrl.u32 v48, $0x4  }
0x148: {  	v28 =	vand.u32 $0x1FFFFC0, v50;
	v27 =	vand.u32 $0x3F, v49  }
0x149: {  	v51 =	vshrl.u32 v48, $0x3;
	v27 =	vor.u32 v27, v28  }
0x14a: {  	v28 =	vand.u32 $0x60, v51;
	v27 =	vshll.u32 v27, $0x7  }
0x14b: {  	v27 =	vor.u32 v28, v27;
	v29 =	vperm.xlane v23, v11;
	v52 =	vperm.xlane v47, v11  }
0x14c: {  	v26 =	vand.u32 $0x3, v26;
	v55 =	vor.u32 v0, v27  }
0x14d: {  	v27 =	vor.u32 v10, v27;
	v53 =	vshrl.u32 v29, $0x1E;
	v54 =	vsel vm0, v29, v52  }
0x14e: {  	v23 =	vshll.u32 v23, $0x2;
	v26 =	vsel vm0, v26, v53;
	v28 =	vshrl.u32 v54, $0x1  }
0x14f: {  	v24 =	vshll.u32 v47, $0x2;
	v23 =	vor.u32 v23, v26;
	v56 =	vshrl.u32 v28, $0x1D  }
0x150: {  	[tilespmem:s16+$0x1900] =	vst v23;
	v23 =	vor.u32 v56, v24  }
0x151: {  	[tilespmem:s16+$0x1910] =	vst v23  }
0x152: {  	v58 =	vperm.xlane v22, v8;
	v23 =	vld.idx.msk [tilespmem:v55+s10+$0x0], $0xffff  }
0x153: {  	v57 =	vld.idx.msk [tilespmem:v27+s10+$0x0], $0xffff  }
0x154: {  	v59 =	vshrl.u32 v58, $0x2;
	v60 =	vshrl.u32 v58, $0x4  }
0x155: {  	v28 =	vand.u32 $0x1FFFFC0, v60;
	v27 =	vand.u32 $0x3F, v59  }
0x156: {  	v61 =	vshrl.u32 v58, $0x3;
	v27 =	vor.u32 v27, v28  }
0x157: {  	v28 =	vand.u32 $0x60, v61;
	v27 =	vshll.u32 v27, $0x7  }
0x158: {  	v27 =	vor.u32 v28, v27;
	v29 =	vperm.xlane v23, v11;
	v62 =	vperm.xlane v57, v11  }
0x159: {  	v25 =	vand.u32 $0x3, v48;
	v33 =	vor.u32 v0, v27  }
0x15a: {  	v27 =	vor.u32 v10, v27;
	v63 =	vshrl.u32 v29, $0x1E;
	v32 =	vsel vm0, v29, v62  }
0x15b: {  	v23 =	vshll.u32 v23, $0x2;
	v25 =	vsel vm0, v25, v63;
	v28 =	vshrl.u32 v32, $0x1  }
0x15c: {  	v24 =	vshll.u32 v57, $0x2;
	v23 =	vor.u32 v23, v25;
	v34 =	vshrl.u32 v28, $0x1D  }
0x15d: {  	[tilespmem:s16+$0x1980] =	vst v23;
	v23 =	vor.u32 v34, v24  }
0x15e: {  	[tilespmem:s16+$0x1990] =	vst v23  }
0x15f: {  	v36 =	vperm.xlane v22, v7;
	v23 =	vld.idx.msk [tilespmem:v33+s10+$0x0], $0xffff  }
0x160: {  	v35 =	vld.idx.msk [tilespmem:v27+s10+$0x0], $0xffff  }
0x161: {  	v37 =	vshrl.u32 v36, $0x2;
	v38 =	vshrl.u32 v36, $0x4  }
0x162: {  	v28 =	vand.u32 $0x1FFFFC0, v38;
	v27 =	vand.u32 $0x3F, v37  }
0x163: {  	v39 =	vshrl.u32 v36, $0x3;
	v27 =	vor.u32 v27, v28  }
0x164: {  	v28 =	vand.u32 $0x60, v39;
	v27 =	vshll.u32 v27, $0x7  }
0x165: {  	v27 =	vor.u32 v28, v27;
	v29 =	vperm.xlane v23, v11;
	v40 =	vperm.xlane v35, v11  }
0x166: {  	v26 =	vand.u32 $0x3, v58;
	v43 =	vor.u32 v0, v27  }
0x167: {  	v27 =	vor.u32 v10, v27;
	v41 =	vshrl.u32 v29, $0x1E;
	v42 =	vsel vm0, v29, v40  }
0x168: {  	v23 =	vshll.u32 v23, $0x2;
	v26 =	vsel vm0, v26, v41;
	v28 =	vshrl.u32 v42, $0x1  }
0x169: {  	v24 =	vshll.u32 v35, $0x2;
	v23 =	vor.u32 v23, v26;
	v44 =	vshrl.u32 v28, $0x1D  }
0x16a: {  	[tilespmem:s16+$0x1A00] =	vst v23;
	v23 =	vor.u32 v44, v24  }
0x16b: {  	[tilespmem:s16+$0x1A10] =	vst v23  }
0x16c: {  	v46 =	vperm.xlane v22, v12;
	v23 =	vld.idx.msk [tilespmem:v43+s10+$0x0], $0xffff  }
0x16d: {  	v45 =	vld.idx.msk [tilespmem:v27+s10+$0x0], $0xffff  }
0x16e: {  	v48 =	vshrl.u32 v46, $0x4;
	v47 =	vshrl.u32 v46, $0x2  }
0x16f: {  	v28 =	vand.u32 $0x1FFFFC0, v48;
	v27 =	vand.u32 $0x3F, v47  }
0x170: {  	v49 =	vshrl.u32 v46, $0x3;
	v27 =	vor.u32 v27, v28  }
0x171: {  	v28 =	vand.u32 $0x60, v49;
	v27 =	vshll.u32 v27, $0x7  }
0x172: {  	v27 =	vor.u32 v28, v27;
	v29 =	vperm.xlane v23, v11;
	v50 =	vperm.xlane v45, v11  }
0x173: {  	v25 =	vand.u32 $0x3, v36;
	v53 =	vor.u32 v0, v27  }
0x174: {  	v27 =	vor.u32 v10, v27;
	v51 =	vshrl.u32 v29, $0x1E;
	v52 =	vsel vm0, v29, v50  }
0x175: {  	v23 =	vshll.u32 v23, $0x2;
	v25 =	vsel vm0, v25, v51;
	v28 =	vshrl.u32 v52, $0x1  }
0x176: {  	v24 =	vshll.u32 v45, $0x2;
	v23 =	vor.u32 v23, v25;
	v54 =	vshrl.u32 v28, $0x1D  }
0x177: {  	[tilespmem:s16+$0x1A80] =	vst v23;
	v23 =	vor.u32 v54, v24  }
0x178: {  	[tilespmem:s16+$0x1A90] =	vst v23  }
0x179: {  	v56 =	vperm.xlane v22, v13;
	v23 =	vld.idx.msk [tilespmem:v53+s10+$0x0], $0xffff  }
0x17a: {  	v55 =	vld.idx.msk [tilespmem:v27+s10+$0x0], $0xffff  }
0x17b: {  	v58 =	vshrl.u32 v56, $0x4;
	v57 =	vshrl.u32 v56, $0x2  }
0x17c: {  	v28 =	vand.u32 $0x1FFFFC0, v58;
	v27 =	vand.u32 $0x3F, v57  }
0x17d: {  	v59 =	vshrl.u32 v56, $0x3;
	v27 =	vor.u32 v27, v28  }
0x17e: {  	v28 =	vand.u32 $0x60, v59;
	v27 =	vshll.u32 v27, $0x7  }
0x17f: {  	v27 =	vor.u32 v28, v27;
	v29 =	vperm.xlane v23, v11;
	v60 =	vperm.xlane v55, v11  }
0x180: {  	v26 =	vand.u32 $0x3, v46;
	v63 =	vor.u32 v0, v27  }
0x181: {  	v27 =	vor.u32 v10, v27;
	v61 =	vshrl.u32 v29, $0x1E;
	v62 =	vsel vm0, v29, v60  }
0x182: {  	v23 =	vshll.u32 v23, $0x2;
	v26 =	vsel vm0, v26, v61;
	v28 =	vshrl.u32 v62, $0x1  }
0x183: {  	v24 =	vshll.u32 v55, $0x2;
	v23 =	vor.u32 v23, v26;
	v32 =	vshrl.u32 v28, $0x1D  }
0x184: {  	[tilespmem:s16+$0x1B00] =	vst v23;
	v23 =	vor.u32 v32, v24  }
0x185: {  	[tilespmem:s16+$0x1B10] =	vst v23  }
0x186: {  	v34 =	vperm.xlane v22, v9;
	v23 =	vld.idx.msk [tilespmem:v63+s10+$0x0], $0xffff  }
0x187: {  	v33 =	vld.idx.msk [tilespmem:v27+s10+$0x0], $0xffff  }
0x188: {  	v36 =	vshrl.u32 v34, $0x4;
	v35 =	vshrl.u32 v34, $0x2  }
0x189: {  	v28 =	vand.u32 $0x1FFFFC0, v36;
	v27 =	vand.u32 $0x3F, v35  }
0x18a: {  	v37 =	vshrl.u32 v34, $0x3;
	v27 =	vor.u32 v27, v28  }
0x18b: {  	v28 =	vand.u32 $0x60, v37;
	v27 =	vshll.u32 v27, $0x7  }
0x18c: {  	v27 =	vor.u32 v28, v27;
	v29 =	vperm.xlane v23, v11;
	v38 =	vperm.xlane v33, v11  }
0x18d: {  	v25 =	vand.u32 $0x3, v56;
	v41 =	vor.u32 v0, v27  }
0x18e: {  	v27 =	vor.u32 v10, v27;
	v39 =	vshrl.u32 v29, $0x1E;
	v40 =	vsel vm0, v29, v38  }
0x18f: {  	v23 =	vshll.u32 v23, $0x2;
	v25 =	vsel vm0, v25, v39;
	v28 =	vshrl.u32 v40, $0x1  }
0x190: {  	v24 =	vshll.u32 v33, $0x2;
	v23 =	vor.u32 v23, v25;
	v42 =	vshrl.u32 v28, $0x1D  }
0x191: {  	[tilespmem:s16+$0x1B80] =	vst v23;
	v23 =	vor.u32 v42, v24  }
0x192: {  	[tilespmem:s16+$0x1B90] =	vst v23  }
0x193: {  	v44 =	vperm.xlane v22, v14;
	v23 =	vld.idx.msk [tilespmem:v41+s10+$0x0], $0xffff  }
0x194: {  	v43 =	vld.idx.msk [tilespmem:v27+s10+$0x0], $0xffff  }
0x195: {  	v46 =	vshrl.u32 v44, $0x4;
	v45 =	vshrl.u32 v44, $0x2  }
0x196: {  	v28 =	vand.u32 $0x1FFFFC0, v46;
	v27 =	vand.u32 $0x3F, v45  }
0x197: {  	v47 =	vshrl.u32 v44, $0x3;
	v27 =	vor.u32 v27, v28  }
0x198: {  	v28 =	vand.u32 $0x60, v47;
	v27 =	vshll.u32 v27, $0x7  }
0x199: {  	v27 =	vor.u32 v28, v27;
	v29 =	vperm.xlane v23, v11;
	v48 =	vperm.xlane v43, v11  }
0x19a: {  	v26 =	vand.u32 $0x3, v34;
	v51 =	vor.u32 v0, v27  }
0x19b: {  	v27 =	vor.u32 v10, v27;
	v49 =	vshrl.u32 v29, $0x1E;
	v50 =	vsel vm0, v29, v48  }
0x19c: {  	v23 =	vshll.u32 v23, $0x2;
	v26 =	vsel vm0, v26, v49;
	v28 =	vshrl.u32 v50, $0x1  }
0x19d: {  	v24 =	vshll.u32 v43, $0x2;
	v23 =	vor.u32 v23, v26;
	v52 =	vshrl.u32 v28, $0x1D  }
0x19e: {  	[tilespmem:s16+$0x1C00] =	vst v23;
	v23 =	vor.u32 v52, v24  }
0x19f: {  	[tilespmem:s16+$0x1C10] =	vst v23  }
0x1a0: {  	v54 =	vperm.xlane v22, v15;
	v23 =	vld.idx.msk [tilespmem:v51+s10+$0x0], $0xffff  }
0x1a1: {  	v53 =	vld.idx.msk [tilespmem:v27+s10+$0x0], $0xffff  }
0x1a2: {  	v56 =	vshrl.u32 v54, $0x4;
	v55 =	vshrl.u32 v54, $0x2  }
0x1a3: {  	v28 =	vand.u32 $0x1FFFFC0, v56;
	v27 =	vand.u32 $0x3F, v55  }
0x1a4: {  	v57 =	vshrl.u32 v54, $0x3;
	v27 =	vor.u32 v27, v28  }
0x1a5: {  	v28 =	vand.u32 $0x60, v57;
	v27 =	vshll.u32 v27, $0x7  }
0x1a6: {  	v27 =	vor.u32 v28, v27;
	v29 =	vperm.xlane v23, v11;
	v58 =	vperm.xlane v53, v11  }
0x1a7: {  	v25 =	vand.u32 $0x3, v44;
	v61 =	vor.u32 v0, v27  }
0x1a8: {  	v27 =	vor.u32 v10, v27;
	v59 =	vshrl.u32 v29, $0x1E;
	v60 =	vsel vm0, v29, v58  }
0x1a9: {  	v23 =	vshll.u32 v23, $0x2;
	v25 =	vsel vm0, v25, v59;
	v28 =	vshrl.u32 v60, $0x1  }
0x1aa: {  	v24 =	vshll.u32 v53, $0x2;
	v23 =	vor.u32 v23, v25;
	v62 =	vshrl.u32 v28, $0x1D  }
0x1ab: {  	[tilespmem:s16+$0x1C80] =	vst v23;
	v23 =	vor.u32 v62, v24  }
0x1ac: {  	[tilespmem:s16+$0x1C90] =	vst v23  }
0x1ad: {  	v33 =	vperm.xlane v22, v16;
	v23 =	vld.idx.msk [tilespmem:v61+s10+$0x0], $0xffff  }
0x1ae: {  	v63 =	vld.idx.msk [tilespmem:v27+s10+$0x0], $0xffff  }
0x1af: {  	v34 =	vshrl.u32 v33, $0x2;
	v35 =	vshrl.u32 v33, $0x4  }
0x1b0: {  	v28 =	vand.u32 $0x1FFFFC0, v35;
	v27 =	vand.u32 $0x3F, v34  }
0x1b1: {  	v36 =	vshrl.u32 v33, $0x3;
	v27 =	vor.u32 v27, v28  }
0x1b2: {  	v28 =	vand.u32 $0x60, v36;
	v27 =	vshll.u32 v27, $0x7  }
0x1b3: {  	v27 =	vor.u32 v28, v27;
	v29 =	vperm.xlane v23, v11;
	v37 =	vperm.xlane v63, v11  }
0x1b4: {  	v26 =	vand.u32 $0x3, v54;
	v40 =	vor.u32 v0, v27  }
0x1b5: {  	v27 =	vor.u32 v10, v27;
	v38 =	vshrl.u32 v29, $0x1E;
	v39 =	vsel vm0, v29, v37  }
0x1b6: {  	v23 =	vshll.u32 v23, $0x2;
	v26 =	vsel vm0, v26, v38;
	v28 =	vshrl.u32 v39, $0x1  }
0x1b7: {  	v24 =	vshll.u32 v63, $0x2;
	v23 =	vor.u32 v23, v26;
	v41 =	vshrl.u32 v28, $0x1D  }
0x1b8: {  	[tilespmem:s16+$0x1D00] =	vst v23;
	v23 =	vor.u32 v41, v24  }
0x1b9: {  	[tilespmem:s16+$0x1D10] =	vst v23  }
0x1ba: {  	v43 =	vperm.xlane v22, v17;
	v23 =	vld.idx.msk [tilespmem:v40+s10+$0x0], $0xffff  }
0x1bb: {  	v42 =	vld.idx.msk [tilespmem:v27+s10+$0x0], $0xffff  }
0x1bc: {  	v44 =	vshrl.u32 v43, $0x2;
	v45 =	vshrl.u32 v43, $0x4  }
0x1bd: {  	v28 =	vand.u32 $0x1FFFFC0, v45;
	v27 =	vand.u32 $0x3F, v44  }
0x1be: {  	v46 =	vshrl.u32 v43, $0x3;
	v27 =	vor.u32 v27, v28  }
0x1bf: {  	v28 =	vand.u32 $0x60, v46;
	v27 =	vshll.u32 v27, $0x7  }
0x1c0: {  	v27 =	vor.u32 v28, v27;
	v29 =	vperm.xlane v23, v11;
	v47 =	vperm.xlane v42, v11  }
0x1c1: {  	v25 =	vand.u32 $0x3, v33;
	v50 =	vor.u32 v0, v27  }
0x1c2: {  	v27 =	vor.u32 v10, v27;
	v48 =	vshrl.u32 v29, $0x1E;
	v49 =	vsel vm0, v29, v47  }
0x1c3: {  	v23 =	vshll.u32 v23, $0x2;
	v25 =	vsel vm0, v25, v48;
	v28 =	vshrl.u32 v49, $0x1  }
0x1c4: {  	v24 =	vshll.u32 v42, $0x2;
	v23 =	vor.u32 v23, v25;
	v51 =	vshrl.u32 v28, $0x1D  }
0x1c5: {  	[tilespmem:s16+$0x1D80] =	vst v23;
	v23 =	vor.u32 v51, v24  }
0x1c6: {  	[tilespmem:s16+$0x1D90] =	vst v23  }
0x1c7: {  	v53 =	vperm.xlane v22, v18;
	v23 =	vld.idx.msk [tilespmem:v50+s10+$0x0], $0xffff  }
0x1c8: {  	v52 =	vld.idx.msk [tilespmem:v27+s10+$0x0], $0xffff  }
0x1c9: {  	v54 =	vshrl.u32 v53, $0x2;
	v55 =	vshrl.u32 v53, $0x4  }
0x1ca: {  	v28 =	vand.u32 $0x1FFFFC0, v55;
	v27 =	vand.u32 $0x3F, v54  }
0x1cb: {  	v56 =	vshrl.u32 v53, $0x3;
	v27 =	vor.u32 v27, v28  }
0x1cc: {  	v28 =	vand.u32 $0x60, v56;
	v27 =	vshll.u32 v27, $0x7  }
0x1cd: {  	v27 =	vor.u32 v28, v27;
	v29 =	vperm.xlane v23, v11;
	v57 =	vperm.xlane v52, v11  }
0x1ce: {  	v26 =	vand.u32 $0x3, v43;
	v60 =	vor.u32 v0, v27  }
0x1cf: {  	v27 =	vor.u32 v10, v27;
	v58 =	vshrl.u32 v29, $0x1E;
	v59 =	vsel vm0, v29, v57  }
0x1d0: {  	v23 =	vshll.u32 v23, $0x2;
	v26 =	vsel vm0, v26, v58;
	v28 =	vshrl.u32 v59, $0x1  }
0x1d1: {  	v24 =	vshll.u32 v52, $0x2;
	v23 =	vor.u32 v23, v26;
	v61 =	vshrl.u32 v28, $0x1D  }
0x1d2: {  	[tilespmem:s16+$0x1E00] =	vst v23;
	v23 =	vor.u32 v61, v24  }
0x1d3: {  	[tilespmem:s16+$0x1E10] =	vst v23  }
0x1d4: {  	v63 =	vperm.xlane v22, v19;
	v23 =	vld.idx.msk [tilespmem:v60+s10+$0x0], $0xffff  }
0x1d5: {  	v62 =	vld.idx.msk [tilespmem:v27+s10+$0x0], $0xffff  }
0x1d6: {  	v33 =	vshrl.u32 v63, $0x2;
	v34 =	vshrl.u32 v63, $0x4  }
0x1d7: {  	v28 =	vand.u32 $0x1FFFFC0, v34;
	v27 =	vand.u32 $0x3F, v33  }
0x1d8: {  	v35 =	vshrl.u32 v63, $0x3;
	v27 =	vor.u32 v27, v28  }
0x1d9: {  	v28 =	vand.u32 $0x60, v35;
	v27 =	vshll.u32 v27, $0x7  }
0x1da: {  	v27 =	vor.u32 v28, v27;
	v29 =	vperm.xlane v23, v11;
	v36 =	vperm.xlane v62, v11  }
0x1db: {  	v25 =	vand.u32 $0x3, v53;
	v39 =	vor.u32 v0, v27  }
0x1dc: {  	v27 =	vor.u32 v10, v27;
	v37 =	vshrl.u32 v29, $0x1E;
	v38 =	vsel vm0, v29, v36  }
0x1dd: {  	v23 =	vshll.u32 v23, $0x2;
	v25 =	vsel vm0, v25, v37;
	v28 =	vshrl.u32 v38, $0x1  }
0x1de: {  	v24 =	vshll.u32 v62, $0x2;
	v23 =	vor.u32 v23, v25;
	v40 =	vshrl.u32 v28, $0x1D  }
0x1df: {  	[tilespmem:s16+$0x1E80] =	vst v23;
	v23 =	vor.u32 v40, v24  }
0x1e0: {  	[tilespmem:s16+$0x1E90] =	vst v23  }
0x1e1: {  	v42 =	vperm.xlane v22, v20;
	v23 =	vld.idx.msk [tilespmem:v39+s10+$0x0], $0xffff  }
0x1e2: {  	v41 =	vld.idx.msk [tilespmem:v27+s10+$0x0], $0xffff  }
0x1e3: {  	v43 =	vshrl.u32 v42, $0x2;
	v44 =	vshrl.u32 v42, $0x4  }
0x1e4: {  	v28 =	vand.u32 $0x1FFFFC0, v44;
	v27 =	vand.u32 $0x3F, v43  }
0x1e5: {  	v45 =	vshrl.u32 v42, $0x3;
	v27 =	vor.u32 v27, v28  }
0x1e6: {  	v28 =	vand.u32 $0x60, v45;
	v27 =	vshll.u32 v27, $0x7  }
0x1e7: {  	v27 =	vor.u32 v28, v27;
	v29 =	vperm.xlane v23, v11;
	v46 =	vperm.xlane v41, v11  }
0x1e8: {  	v26 =	vand.u32 $0x3, v63;
	v49 =	vor.u32 v0, v27  }
0x1e9: {  	v27 =	vor.u32 v10, v27;
	v47 =	vshrl.u32 v29, $0x1E;
	v48 =	vsel vm0, v29, v46  }
0x1ea: {  	v23 =	vshll.u32 v23, $0x2;
	v26 =	vsel vm0, v26, v47;
	v28 =	vshrl.u32 v48, $0x1  }
0x1eb: {  	v24 =	vshll.u32 v41, $0x2;
	v23 =	vor.u32 v23, v26;
	v50 =	vshrl.u32 v28, $0x1D  }
0x1ec: {  	[tilespmem:s16+$0x1F00] =	vst v23;
	v23 =	vor.u32 v50, v24  }
0x1ed: {  	[tilespmem:s16+$0x1F10] =	vst v23  }
0x1ee: {  	v22 =	vperm.xlane v22, v21;
	v23 =	vld.idx.msk [tilespmem:v49+s10+$0x0], $0xffff  }
0x1ef: {  	v51 =	vld.idx.msk [tilespmem:v27+s10+$0x0], $0xffff  }
0x1f0: {  	v53 =	vshrl.u32 v22, $0x4;
	v52 =	vshrl.u32 v22, $0x2  }
0x1f1: {  	v26 =	vand.u32 $0x3F, v52;
	v27 =	vand.u32 $0x1FFFFC0, v53  }
0x1f2: {  	v55 =	vshrl.u32 v22, $0x3;
	v26 =	vor.u32 v26, v27  }
0x1f3: {  	v27 =	vand.u32 $0x60, v55;
	v26 =	vshll.u32 v26, $0x7  }
0x1f4: {  	v26 =	vor.u32 v27, v26;
	v54 =	vperm.xlane v23, v11;
	v56 =	vperm.xlane v51, v11  }
0x1f5: {  	v25 =	vand.u32 $0x3, v42;
	v59 =	vor.u32 v0, v26  }
0x1f6: {  	v26 =	vor.u32 v10, v26;
	v57 =	vshrl.u32 v54, $0x1E;
	v58 =	vsel vm0, v54, v56  }
0x1f7: {  	v23 =	vshll.u32 v23, $0x2;
	v25 =	vsel vm0, v25, v57;
	v27 =	vshrl.u32 v58, $0x1  }
0x1f8: {  	v24 =	vshll.u32 v51, $0x2;
	v23 =	vor.u32 v23, v25;
	v60 =	vshrl.u32 v27, $0x1D  }
0x1f9: {  	[tilespmem:s16+$0x1F80] =	vst v23;
	v23 =	vor.u32 v60, v24  }
0x1fa: {  	[tilespmem:s16+$0x1F90] =	vst v23  }
0x1fb: {  	v23 =	vld.idx.msk [tilespmem:v59+s10+$0x0], $0xffff  }
0x1fc: {  	v61 =	vld.idx.msk [tilespmem:v26+s10+$0x0], $0xffff;
	_ =	sdelay $0x4  }
0x1fd: {  	v62 =	vperm.xlane v23, v11;
	v26 =	vperm.xlane v61, v11  }
0x1fe: {  	p0 =	sne.s32 s12, $0x7F0  }
.Ltmp2:
0x1ff: {  	v22 =	vand.u32 $0x3, v22;
	v63 =	vshrl.u32 v62, $0x1E;
	v25 =	vsel vm0, v62, v26;
	(pc) =	sbr.rel @p0 .LBB2_5-.Ltmp2, $4  }
0x200: {  	v23 =	vshll.u32 v23, $0x2;
	v22 =	vsel vm0, v22, v63;
	v25 =	vshrl.u32 v25, $0x1  }
0x201: {  	v24 =	vshll.u32 v61, $0x2;
	v22 =	vor.u32 v23, v22;
	v23 =	vshrl.u32 v25, $0x1D  }
0x202: {  	s13 =	sadd.s32 $0x8, s13;
	[tilespmem:s16+$0x2000] =	vst v22;
	v22 =	vor.u32 v23, v24  }
0x203: {  	s14 =	sadd.s32 $0x4, s14;
	s15 =	sadd.s32 $0x10, s15;
	s12 =	sadd.s32 $0x10, s12;
	[tilespmem:s16+$0x2010] =	vst v22  }
0x204: {  	s11 =	sadd.s32 $0x1, s11  }
0x205: {  	p0 =	sne.s32 s11, s5  }
.Ltmp3:
0x206: {  	_ = 	snop;
	(pc) =	sbr.rel @p0 .LBB2_2-.Ltmp3, $4  }
0x207: {  	[hbm4b:s3+s2] =	stream.linear.scatter [tilespmem:s10], [sflag:$0x1], $0x10000, $0x38;
	[tilespmem:$0x11880] =	vst v63  }
0x208: {  	_ =	swait.ge [sflag:s8], $0x10000  }
0x209: {  	[sflag:s8] =	ssyncset.done $0x0  }
0x20a: {  	[sflag:s8] =	ssyncadd.s32 $0xFFFF0000  }
.LBB2_7:
0x20b: {  	_ =	sfence.sel $0x180000  }
0x20c: {  	[bflag:$0x0] =	sbarrier.arrive $0xFFFF  }
0x20d: {  	p0 =	sne.s32 s1, $0x0;
	_ =	strace $0x90000047  }
0x20e: {  	s0 =	sadd.s32 @!p0 $0x100000, s0;
	[bflag:$0x2] =	sbarrier.arrive $0xFFFF  }
0x20f: {  	[sflag:s0] =	ssyncadd.tile.s32 @!p0 $0x1;
	_ =	shalt  }
.Lfunc_end2:
_tile_overlayer_lowered:
.L_overlay_start_2:
0x210: {  	(tag) =	ssettag $0x2  }
0x211: {  	s0 =	rddreg [dreg:$0x0];
	s2 =	stileid.u32  }
0x212: {  	s1 =	rddreg [dreg:$0x1];
	p0 =	sne.s32 s2, $0x0  }
0x213: {  	s3 =	rddreg [dreg:$0x2];
	[bflag:$0x3] =	sbarrier.arrive $0xFFFF;
	s2 =	simm.s32 @!p0 $0x1C01  }
0x214: {  	[timem:s3], [sflag:s2] =	dma.local @!p0 [hbm:s0], s1  }
0x215: {  	s0 =	simm.s32 @!p0 $0x1  }
0x216: {  	_ =	swait.ge @!p0 [sflag:s0], s1  }
0x217: {  	s1 =	ssub.s32 @!p0 $0x0, s1;
	[sflag:s0] =	ssyncset.done @!p0 $0x0  }
0x218: {  	[sflag:s0] =	ssyncadd.s32 @!p0 s1  }
0x219: {  	[bflag:$0x3] =	sbarrier.arrive $0xFFFF  }
0x21a: {  	_ =	shalt  }

</sc_bundles>
